<compile_context>
chip_gen: v7x
topology: tpu7x:2x2x1
jax: 0.10.2.dev20260603
libtpu: 0.0.44.dev20260713+nightly
codegen_flags: <defaults>
</compile_context>

<pallas_src>
import functools

import jax
import jax.numpy as jnp
from jax import lax
from jax.experimental import pallas as pl
from jax.experimental.pallas import tpu as pltpu
from jax.experimental.pallas import tpu_sc as plsc

_N = 10000
_M = 3000
_NP = 10240
_K = 16
_KB = 8
_KS = 4
_CELLS = 64
_RADIUS = float(6.0 * 1.5 * 0.025) / 2.0
_DT = 0.02
_B = 256
_NBLK = _NP // _B
_NW = 32
_TC_PARAMS = pltpu.CompilerParams(vmem_limit_bytes=100 * 1024 * 1024)


def _sc_gather(table, idx3, ncols):
    nch = idx3.shape[1]
    rows_out = _NW * nch * 128
    mesh = plsc.VectorSubcoreMesh(core_axis_name="c", subcore_axis_name="s")

    @functools.partial(
        pl.kernel,
        mesh=mesh,
        compiler_params=pltpu.CompilerParams(use_tc_tiling_on_sc=False),
        out_type=jax.ShapeDtypeStruct((rows_out, ncols), jnp.float32),
        scratch_types=[
            pltpu.VMEM((nch, 128), jnp.int32),
            pltpu.VMEM((128, ncols), jnp.float32),
            pltpu.VMEM((128, ncols), jnp.float32),
            pltpu.SemaphoreType.DMA,
            pltpu.SemaphoreType.DMA,
        ],
    )
    def k(table_hbm, idx_hbm, out_hbm, idx_v, rows_a, rows_b, sem_a, sem_b):
        wid = lax.axis_index("s") * 2 + lax.axis_index("c")
        pltpu.sync_copy(idx_hbm.at[wid], idx_v)

        def body(i, carry):
            ch0 = 2 * i
            ch1 = 2 * i + 1
            da = pltpu.async_copy(table_hbm.at[idx_v.at[ch0]], rows_a, sem_a)
            db = pltpu.async_copy(table_hbm.at[idx_v.at[ch1]], rows_b, sem_b)
            da.wait()
            pltpu.sync_copy(
                rows_a, out_hbm.at[pl.ds((wid * nch + ch0) * 128, 128)])
            db.wait()
            pltpu.sync_copy(
                rows_b, out_hbm.at[pl.ds((wid * nch + ch1) * 128, 128)])
            return carry

        lax.fori_loop(0, nch // 2, body, 0)

    return k(table, idx3)


def _prep_body(pos_ref, vel_ref, tab_ref):
    pos = pos_ref[...]
    vel = vel_ref[...]
    col = lax.broadcasted_iota(jnp.int32, vel.shape, 1)
    vel_new = vel + jnp.where(col == 1, -9.81 * _DT, 0.0)
    pos_new = pos + (vel + vel_new) * (0.5 * _DT)
    ones = jnp.ones_like(pos[:, 0:1])
    zeros = jnp.zeros((pos.shape[0], 9), jnp.float32)
    tab_ref[...] = jnp.concatenate(
        [ones, vel_new[:, 0:3], pos_new[:, 0:3], zeros], axis=1)


def _prep(pos_p, vel_p):
    return pl.pallas_call(
        _prep_body,
        compiler_params=_TC_PARAMS,
        out_shape=jax.ShapeDtypeStruct((_NP, 16), jnp.float32),
    )(pos_p, vel_p)


def _geometry(rel, exclude_self):
    r2 = _RADIUS * _RADIUS
    d2 = jnp.sum(rel * rel, axis=-1)
    valid = d2 < r2
    if exclude_self:
        valid = valid & (d2 > 1e-12)
    win = jnp.clip((1.0 - d2 / r2) ** 3, 0.0, 1.0) * valid.astype(jnp.float32)
    u = rel * (1.0 / _RADIUS)
    n2 = jnp.sqrt(jnp.maximum(d2, 1e-20)) * (1.0 / _RADIUS)
    ninf = jnp.maximum(jnp.max(jnp.abs(u), axis=-1), 1e-12)
    v = u * (n2 / ninf)[..., None]
    g = jnp.clip((v * 0.5 + 0.5) * (_KS - 1), 0.0, _KS - 1 - 1e-4)
    c0 = jnp.floor(g)
    frac = g - c0
    c0i = c0.astype(jnp.int32)
    cell0 = (c0i[..., 0] * _KS + c0i[..., 1]) * _KS + c0i[..., 2]
    return win, frac, cell0, valid


def _dense_cell_weights(win, frac, cell0):
    fz, fy, fx = frac[..., 0], frac[..., 1], frac[..., 2]
    iota = lax.broadcasted_iota(jnp.int32, (1, 1, _CELLS), 2)
    wd = jnp.zeros(cell0.shape + (_CELLS,), jnp.float32)
    for dz in (0, 1):
        wz = fz if dz else 1.0 - fz
        for dy in (0, 1):
            wy = fy if dy else 1.0 - fy
            for dx in (0, 1):
                wx = fx if dx else 1.0 - fx
                w = (wz * wy * wx * win)[..., None]
                cell = (cell0 + dz * 16 + dy * 4 + dx)[..., None]
                wd = wd + jnp.where(cell == iota, w, 0.0)
    return wd


def _contract(wd, feats):
    return jax.lax.dot_general(
        wd, feats, (((1,), (1,)), ((0,), (0,))),
        preferred_element_type=jnp.float32)


def _layer0_body(tab_ref, pf_ref, pb_ref, k0f_ref, k0o_ref, w0_ref, b0_ref,
                 h0_ref, wd_ref, nnb_ref):
    tab = tab_ref[...]
    pq = tab[:, 4:7]
    pf = pf_ref[...].reshape(_B, _K, 16)
    rel = pf[:, :, 4:7] - pq[:, None, :]
    win, frac, cell0, valid = _geometry(rel, True)
    wd = _dense_cell_weights(win, frac, cell0)
    a0f = _contract(wd, pf[:, :, 0:4]).reshape(_B, _CELLS * 4) @ k0f_ref[...]

    pb = pb_ref[...].reshape(_B, _KB, 16)
    relb = pb[:, :, 3:6] - pq[:, None, :]
    winb, fracb, cell0b, _ = _geometry(relb, False)
    wdb = _dense_cell_weights(winb, fracb, cell0b)
    a0o = _contract(wdb, pb[:, :, 0:3]).reshape(_B, _CELLS * 3) @ k0o_ref[...]

    d0f = tab[:, 0:4] @ w0_ref[...] + b0_ref[...]
    ans0 = jnp.concatenate([a0o, a0f, d0f], axis=-1)
    h0_ref[...] = jnp.maximum(ans0, 0.0)
    wd_ref[...] = wd.reshape(_B * _K, _CELLS)
    nnb_ref[...] = jnp.sum(valid.astype(jnp.float32), axis=1, keepdims=True)


def _layer0(tab, pf, pb, k0f_r, k0o_r, w0, b0):
    full = lambda shape: pl.BlockSpec(shape, lambda i: (0, 0))
    return pl.pallas_call(
        _layer0_body,
        compiler_params=_TC_PARAMS,
        grid=(_NBLK,),
        in_specs=[
            pl.BlockSpec((_B, 16), lambda i: (i, 0)),
            pl.BlockSpec((_B * _K, 16), lambda i: (i, 0)),
            pl.BlockSpec((_B * _KB, 16), lambda i: (i, 0)),
            full((_CELLS * 4, 32)),
            full((_CELLS * 3, 32)),
            full((4, 32)),
            full((1, 32)),
        ],
        out_specs=[
            pl.BlockSpec((_B, 96), lambda i: (i, 0)),
            pl.BlockSpec((_B * _K, _CELLS), lambda i: (i, 0)),
            pl.BlockSpec((_B, 1), lambda i: (i, 0)),
        ],
        out_shape=[
            jax.ShapeDtypeStruct((_NP, 96), jnp.float32),
            jax.ShapeDtypeStruct((_NP * _K, _CELLS), jnp.float32),
            jax.ShapeDtypeStruct((_NP, 1), jnp.float32),
        ],
    )(tab, pf, pb, k0f_r, k0o_r, w0, b0)


def _make_layer_body(cin, cout, residual):
    def body(p_ref, wd_ref, h_ref, ans_ref, kf_ref, w_ref, b_ref,
             ans_out_ref, h_out_ref):
        wd = wd_ref[...].reshape(_B, _K, _CELLS)
        feats = p_ref[...].reshape(_B, _K, cin)
        ac = _contract(wd, feats).reshape(_B, _CELLS * cin) @ kf_ref[...]
        h = h_ref[...]
        ans = ac + h @ w_ref[...] + b_ref[...]
        if residual:
            ans = ans + ans_ref[...]
        ans_out_ref[...] = ans
        h_out_ref[...] = jnp.maximum(ans, 0.0)
    return body


def _layer(p, wd, h, ans_prev, kf, w, b, cin, cout, residual):
    full = lambda shape: pl.BlockSpec(shape, lambda i: (0, 0))
    return pl.pallas_call(
        _make_layer_body(cin, cout, residual),
        compiler_params=_TC_PARAMS,
        grid=(_NBLK,),
        in_specs=[
            pl.BlockSpec((_B * _K, cin), lambda i: (i, 0)),
            pl.BlockSpec((_B * _K, _CELLS), lambda i: (i, 0)),
            pl.BlockSpec((_B, cin), lambda i: (i, 0)),
            pl.BlockSpec((_B, ans_prev.shape[1]), lambda i: (i, 0)),
            full((_CELLS * cin, cout)),
            full((cin, cout)),
            full((1, cout)),
        ],
        out_specs=[
            pl.BlockSpec((_B, cout), lambda i: (i, 0)),
            pl.BlockSpec((_B, cout), lambda i: (i, 0)),
        ],
        out_shape=[
            jax.ShapeDtypeStruct((_NP, cout), jnp.float32),
            jax.ShapeDtypeStruct((_NP, cout), jnp.float32),
        ],
    )(p, wd, h, ans_prev, kf, w, b)


def _final_body(ans_ref, tab_ref, pos_ref, pout_ref, vout_ref):
    ans = ans_ref[...][:, 0:3]
    pos_new = tab_ref[...][:, 4:7]
    pos = pos_ref[...][:, 0:3]
    pc = pos_new + ans * (1.0 / 128.0)
    zeros = jnp.zeros((_B, 1), jnp.float32)
    pout_ref[...] = jnp.concatenate([pc, zeros], axis=1)
    vout_ref[...] = jnp.concatenate([(pc - pos) * (1.0 / _DT), zeros], axis=1)


def _final(ans3, tab, pos_p):
    return pl.pallas_call(
        _final_body,
        compiler_params=_TC_PARAMS,
        grid=(_NBLK,),
        in_specs=[
            pl.BlockSpec((_B, 8), lambda i: (i, 0)),
            pl.BlockSpec((_B, 16), lambda i: (i, 0)),
            pl.BlockSpec((_B, 4), lambda i: (i, 0)),
        ],
        out_specs=[
            pl.BlockSpec((_B, 4), lambda i: (i, 0)),
            pl.BlockSpec((_B, 4), lambda i: (i, 0)),
        ],
        out_shape=[
            jax.ShapeDtypeStruct((_NP, 4), jnp.float32),
            jax.ShapeDtypeStruct((_NP, 4), jnp.float32),
        ],
    )(ans3, tab, pos_p)


def _pad_rows(x, rows):
    return jnp.pad(x, ((0, rows - x.shape[0]), (0, 0)))


def _idx3(nbr, k):
    flat = _pad_rows(nbr.astype(jnp.int32), _NP).reshape(-1)
    return flat.reshape(_NW, -1, 128)


def kernel(pos, vel, box, box_feats, nbr_fluid, nbr_box, k0f, k0o, k1, k2,
           k3, W0, b0, W1, b1, W2, b2, W3, b3):
    pos_p = jnp.pad(pos, ((0, _NP - _N), (0, 1)))
    vel_p = jnp.pad(vel, ((0, _NP - _N), (0, 1)))
    tab = _prep(pos_p, vel_p)

    tab_box = jnp.pad(jnp.concatenate([box_feats, box], axis=1),
                      ((0, 0), (0, 10)))

    idxf = _idx3(nbr_fluid, _K)
    idxb = _idx3(nbr_box, _KB)

    pf = _sc_gather(tab, idxf, 16)
    pb = _sc_gather(tab_box, idxb, 16)

    k0f_r = k0f.reshape(_CELLS * 4, 32)
    k0o_r = k0o.reshape(_CELLS * 3, 32)
    h0, wd, nnb = _layer0(tab, pf, pb, k0f_r, k0o_r, W0, b0.reshape(1, 32))

    p1 = _sc_gather(h0, idxf, 96)
    ans1, h1 = _layer(p1, wd, h0, h0[:, 0:64], k1.reshape(-1, 64),
                      W1, b1.reshape(1, 64), 96, 64, False)

    p2 = _sc_gather(h1, idxf, 64)
    ans2, h2 = _layer(p2, wd, h1, ans1, k2.reshape(-1, 64),
                      W2, b2.reshape(1, 64), 64, 64, True)

    p3 = _sc_gather(h2, idxf, 64)
    kf3 = jnp.pad(k3.reshape(-1, 3), ((0, 0), (0, 5)))
    w3 = jnp.pad(W3, ((0, 0), (0, 5)))
    b3 = jnp.pad(b3.reshape(1, 3), ((0, 0), (0, 5)))
    ans3, _ = _layer(p3, wd, h2, ans2, kf3, w3, b3, 64, 8, False)

    pout, vout = _final(ans3, tab, pos_p)
    return pout[:_N, 0:3], vout[:_N, 0:3], nnb[:_N, 0]

# --- scband reference (transcript-rebuilt; emitter-appended) ---
"""Pipeline reference for scband-particle-net-12300786335757 (READ-ONLY COPY).

The authoritative reference and input builder live on the scoring server;
editing this copy changes nothing except your own understanding.
"""

import jax, jax.numpy as jnp
import numpy as np

N = 10000
M = 3000
K = 16
KB = 8
KS = 4
CELLS = KS * KS * KS
RADIUS = float(6.0 * 1.5 * 0.025) / 2.0
DT = 0.02
GRAVITY = np.array([0.0, -9.81, 0.0], dtype=np.float32)


def _knn(query, src, k, exclude_self):
    nq = query.shape[0]
    out = np.zeros((nq, k), dtype=np.int64)
    chunk = 2000
    for s in range(0, nq, chunk):
        q = query[s:s + chunk]
        d2 = ((q[:, None, :] - src[None, :, :]) ** 2).sum(-1)
        if exclude_self:
            r = np.arange(q.shape[0])
            d2[r, s + r] = np.inf
        out[s:s + chunk] = np.argpartition(d2, k, axis=1)[:, :k]
    return out


def setup_inputs():
    rng = np.random.RandomState(0)
    pos = rng.rand(N, 3).astype(np.float32)
    vel = (0.5 * rng.randn(N, 3)).astype(np.float32)
    box = rng.rand(M, 3).astype(np.float32)
    box_feats = rng.randn(M, 3).astype(np.float32)
    vel_new = vel + GRAVITY * DT
    pos_new = pos + (vel + vel_new) * 0.5 * DT
    nbr_fluid = _knn(pos_new, pos_new, K, True)
    nbr_box = _knn(pos_new, box, KB, False)

    def xavier(*shape):
        fan = shape[-2] + shape[-1]
        return (rng.randn(*shape) * np.sqrt(2.0 / fan)).astype(np.float32)

    return {
        'pos': jnp.asarray(pos), 'vel': jnp.asarray(vel),
        'box': jnp.asarray(box), 'box_feats': jnp.asarray(box_feats),
        'nbr_fluid': jnp.asarray(nbr_fluid), 'nbr_box': jnp.asarray(nbr_box),
        'k0f': jnp.asarray(xavier(KS, KS, KS, 4, 32)),
        'k0o': jnp.asarray(xavier(KS, KS, KS, 3, 32)),
        'k1': jnp.asarray(xavier(KS, KS, KS, 96, 64)),
        'k2': jnp.asarray(xavier(KS, KS, KS, 64, 64)),
        'k3': jnp.asarray(xavier(KS, KS, KS, 64, 3)),
        'W0': jnp.asarray(xavier(4, 32)), 'b0': jnp.zeros((32,), jnp.float32),
        'W1': jnp.asarray(xavier(96, 64)), 'b1': jnp.zeros((64,), jnp.float32),
        'W2': jnp.asarray(xavier(64, 64)), 'b2': jnp.zeros((64,), jnp.float32),
        'W3': jnp.asarray(xavier(64, 3)), 'b3': jnp.zeros((3,), jnp.float32),
    }


def _window_poly6(R):
    return jnp.clip((1.0 - R) ** 3, 0.0, 1.0)


def _cconv(feat_src, pos_src, pos_q, nbr, kernel, exclude_self):
    nq = pos_q.shape[0]
    pj = pos_src[nbr]
    rel = pj - pos_q[:, None, :]
    d2 = jnp.sum(rel * rel, axis=-1)
    r2 = RADIUS * RADIUS
    valid = d2 < r2
    if exclude_self:
        valid = valid & (d2 > 1e-12)
    win = _window_poly6(d2 / r2) * valid.astype(jnp.float32)
    u = rel / RADIUS
    n2 = jnp.sqrt(jnp.maximum(d2, 1e-20)) / RADIUS
    ninf = jnp.maximum(jnp.max(jnp.abs(u), axis=-1), 1e-12)
    v = u * (n2 / ninf)[..., None]
    g = jnp.clip((v * 0.5 + 0.5) * (KS - 1), 0.0, KS - 1 - 1e-4)
    c0 = jnp.floor(g).astype(jnp.int32)
    frac = g - c0.astype(jnp.float32)
    fj = feat_src[nbr]
    cin = fj.shape[-1]
    Kflat = kernel.reshape(CELLS, cin, -1)
    S = jnp.zeros((nq * CELLS, cin), jnp.float32)
    rows = jnp.arange(nq, dtype=jnp.int32)[:, None] * CELLS
    for dz in (0, 1):
        for dy in (0, 1):
            for dx in (0, 1):
                wz = frac[..., 0] if dz else 1.0 - frac[..., 0]
                wy = frac[..., 1] if dy else 1.0 - frac[..., 1]
                wx = frac[..., 2] if dx else 1.0 - frac[..., 2]
                cell = ((c0[..., 0] + dz) * KS + (c0[..., 1] + dy)) * KS + (c0[..., 2] + dx)
                idx = (rows + cell).reshape(-1)
                vals = (wz * wy * wx * win)[..., None] * fj
                S = S.at[idx].add(vals.reshape(-1, cin))
    out = jnp.einsum('ngi,gio->no', S.reshape(nq, CELLS, cin), Kflat)
    nnb = jnp.sum(valid.astype(jnp.float32), axis=1)
    return out, nnb


def reference(pos, vel, box, box_feats, nbr_fluid, nbr_box, k0f, k0o, k1, k2, k3, W0, b0, W1, b1, W2, b2, W3, b3):
    grav = jnp.asarray(GRAVITY)
    vel_new = vel + grav * DT
    pos_new = pos + (vel + vel_new) * 0.5 * DT
    fluid_feats = jnp.concatenate([jnp.ones_like(pos_new[:, 0:1]), vel_new], axis=-1)
    a0f, num_nbr = _cconv(fluid_feats, pos_new, pos_new, nbr_fluid, k0f, True)
    d0f = fluid_feats @ W0 + b0
    a0o, _ = _cconv(box_feats, box, pos_new, nbr_box, k0o, False)
    ans = jnp.concatenate([a0o, a0f, d0f], axis=-1)
    for kern, W, b in ((k1, W1, b1), (k2, W2, b2), (k3, W3, b3)):
        inp = jax.nn.relu(ans)
        ac, _ = _cconv(inp, pos_new, pos_new, nbr_fluid, kern, True)
        ad = inp @ W + b
        if ad.shape[-1] == ans.shape[-1]:
            ans = ac + ad + ans
        else:
            ans = ac + ad
    pos_correction = ans * (1.0 / 128.0)
    pos_new_corrected = pos_new + pos_correction
    vel_new_corrected = (pos_new_corrected - pos) / DT
    return pos_new_corrected, vel_new_corrected, num_nbr

if __name__ == "__main__":
    import jax
    _d = setup_inputs()
    print(jax.jit(kernel)(*tuple(_d.values())))

</pallas_src>

<mosaic_0001>
#map = affine_map<(d0, d1) -> (0, 0)>
#map1 = affine_map<(d0, d1) -> (0, 0, 0)>
module attributes {stable_mosaic.version = 14 : i64} {
  func.func @k(%arg0: i32, %arg1: i32, %arg2: memref<10240x64xf32, #tpu.memory_space<hbm>>, %arg3: memref<32x40x128xi32, #tpu.memory_space<hbm>>, %arg4: memref<163840x64xf32, #tpu.memory_space<hbm>>, %arg5: memref<40x128xi32, #tpu.memory_space<vmem>>, %arg6: memref<128x64xf32, #tpu.memory_space<vmem>>, %arg7: memref<128x64xf32, #tpu.memory_space<vmem>>, %arg8: memref<!tpu.dma_semaphore, #tpu.memory_space<semaphore_mem>>, %arg9: memref<!tpu.dma_semaphore, #tpu.memory_space<semaphore_mem>>) attributes {dimension_semantics = [#tpu.dimension_semantics<core_parallel>, #tpu.dimension_semantics<subcore_parallel>], iteration_bounds = array<i64: 2, 16>, scalar_prefetch = 0 : i64, scratch_operands = 5 : i64, tpu.core_type = #tpu.core_type<sc_vector_subcore>, window_params = [{transform_indices = #map}, {transform_indices = #map1}, {transform_indices = #map}]} {
    %mul3A = arith.constant 2 : i32
    %mul3A_0 = arith.muli %arg1, %mul3A : i32
    %add3A = arith.addi %mul3A_0, %arg0 : i32
    "tpu.region"() ({
      %run_scoped3A = tpu.sem_alloc : memref<!tpu.dma_semaphore, #tpu.memory_space<semaphore_mem>>
      %dma_start3A = arith.constant 0 : i32
      %dma_start3A_6 = arith.constant 0 : i32
      %dma_start3A_7 = tpu.memref_slice %arg3[%add3A, %dma_start3A, %dma_start3A_6] : memref<32x40x128xi32, #tpu.memory_space<hbm>> -> memref<1x40x128xi32, #tpu.memory_space<hbm>>
      %dma_start3A_8 = tpu.memref_squeeze %dma_start3A_7 : memref<1x40x128xi32, #tpu.memory_space<hbm>> -> memref<40x128xi32, #tpu.memory_space<hbm>>
      %dma_start3A_9 = arith.constant 0 : i32
      %dma_start3A_10 = arith.constant 0 : i32
      %dma_start3A_11 = tpu.memref_slice %arg3[%add3A, %dma_start3A_9, %dma_start3A_10] : memref<32x40x128xi32, #tpu.memory_space<hbm>> -> memref<1x40x128xi32, #tpu.memory_space<hbm>>
      %dma_start3A_12 = tpu.memref_squeeze %dma_start3A_11 : memref<1x40x128xi32, #tpu.memory_space<hbm>> -> memref<40x128xi32, #tpu.memory_space<hbm>>
      tpu.enqueue_dma source(%dma_start3A_12 : memref<40x128xi32, #tpu.memory_space<hbm>>) target(%arg5 : memref<40x128xi32, #tpu.memory_space<vmem>>) target_semaphore(%run_scoped3A : memref<!tpu.dma_semaphore, #tpu.memory_space<semaphore_mem>>)
      %dma_wait3A = arith.constant 0 : i32
      %dma_wait3A_13 = arith.constant 0 : i32
      %dma_wait3A_14 = tpu.memref_slice %arg3[%add3A, %dma_wait3A, %dma_wait3A_13] : memref<32x40x128xi32, #tpu.memory_space<hbm>> -> memref<1x40x128xi32, #tpu.memory_space<hbm>>
      %dma_wait3A_15 = tpu.memref_squeeze %dma_wait3A_14 : memref<1x40x128xi32, #tpu.memory_space<hbm>> -> memref<40x128xi32, #tpu.memory_space<hbm>>
      %dma_wait3A_16 = arith.constant 0 : i32
      %dma_wait3A_17 = arith.constant 0 : i32
      %dma_wait3A_18 = tpu.memref_slice %arg3[%add3A, %dma_wait3A_16, %dma_wait3A_17] : memref<32x40x128xi32, #tpu.memory_space<hbm>> -> memref<1x40x128xi32, #tpu.memory_space<hbm>>
      %dma_wait3A_19 = tpu.memref_squeeze %dma_wait3A_18 : memref<1x40x128xi32, #tpu.memory_space<hbm>> -> memref<40x128xi32, #tpu.memory_space<hbm>>
      tpu.wait_dma2 semaphore(%run_scoped3A : memref<!tpu.dma_semaphore, #tpu.memory_space<semaphore_mem>>) src(%dma_wait3A_19 : memref<40x128xi32, #tpu.memory_space<hbm>>) dst(%arg5 : memref<40x128xi32, #tpu.memory_space<vmem>>)
      tpu.yield
    }) : () -> ()
    %scan3A = arith.constant 0 : i32
    %scan3A_1 = arith.constant 0 : i32
    %scan3A_2 = arith.constant 20 : i32
    %scan3A_3 = arith.addi %scan3A_1, %scan3A_2 : i32
    %scan3A_4 = arith.constant 1 : i32
    scf.for %scan3A_6 = %scan3A_1 to %scan3A_3 step %scan3A_4  : i32 {
      %mul3A_7 = arith.constant 2 : i32
      %mul3A_8 = arith.muli %mul3A_7, %scan3A_6 : i32
      %mul3A_9 = arith.constant 2 : i32
      %mul3A_10 = arith.muli %mul3A_9, %scan3A_6 : i32
      %add3A_11 = arith.constant 1 : i32
      %add3A_12 = arith.addi %mul3A_10, %add3A_11 : i32
      %dma_start3A = arith.constant 0 : i32
      %dma_start3A_13 = tpu.memref_slice %arg5[%mul3A_8, %dma_start3A] : memref<40x128xi32, #tpu.memory_space<vmem>> -> memref<1x128xi32, #tpu.memory_space<vmem>>
      %dma_start3A_14 = tpu.memref_squeeze %dma_start3A_13 : memref<1x128xi32, #tpu.memory_space<vmem>> -> memref<128xi32, #tpu.memory_space<vmem>>
      %dma_start3A_15 = arith.constant 0 : i32
      %dma_start3A_16 = arith.constant 0 : i32
      %dma_start3A_17 = tpu.memref_slice %arg2[%dma_start3A_15, %dma_start3A_16] : memref<10240x64xf32, #tpu.memory_space<hbm>> -> memref<10240x64xf32, #tpu.memory_space<hbm>>
      tpu.enqueue_indirect_dma source(%dma_start3A_17 : memref<10240x64xf32, #tpu.memory_space<hbm>>) target(%arg6 : memref<128x64xf32, #tpu.memory_space<vmem>>) offsets(%dma_start3A_14 : memref<128xi32, #tpu.memory_space<vmem>>) semaphore(%arg8 : memref<!tpu.dma_semaphore, #tpu.memory_space<semaphore_mem>>)
      %dma_start3A_18 = arith.constant 0 : i32
      %dma_start3A_19 = tpu.memref_slice %arg5[%add3A_12, %dma_start3A_18] : memref<40x128xi32, #tpu.memory_space<vmem>> -> memref<1x128xi32, #tpu.memory_space<vmem>>
      %dma_start3A_20 = tpu.memref_squeeze %dma_start3A_19 : memref<1x128xi32, #tpu.memory_space<vmem>> -> memref<128xi32, #tpu.memory_space<vmem>>
      %dma_start3A_21 = arith.constant 0 : i32
      %dma_start3A_22 = arith.constant 0 : i32
      %dma_start3A_23 = tpu.memref_slice %arg2[%dma_start3A_21, %dma_start3A_22] : memref<10240x64xf32, #tpu.memory_space<hbm>> -> memref<10240x64xf32, #tpu.memory_space<hbm>>
      tpu.enqueue_indirect_dma source(%dma_start3A_23 : memref<10240x64xf32, #tpu.memory_space<hbm>>) target(%arg7 : memref<128x64xf32, #tpu.memory_space<vmem>>) offsets(%dma_start3A_20 : memref<128xi32, #tpu.memory_space<vmem>>) semaphore(%arg9 : memref<!tpu.dma_semaphore, #tpu.memory_space<semaphore_mem>>)
      %dma_wait3A = arith.constant 0 : i32
      %dma_wait3A_24 = tpu.memref_slice %arg5[%mul3A_8, %dma_wait3A] : memref<40x128xi32, #tpu.memory_space<vmem>> -> memref<1x128xi32, #tpu.memory_space<vmem>>
      %dma_wait3A_25 = tpu.memref_squeeze %dma_wait3A_24 : memref<1x128xi32, #tpu.memory_space<vmem>> -> memref<128xi32, #tpu.memory_space<vmem>>
      %dma_wait3A_26 = arith.constant 0 : i32
      %dma_wait3A_27 = arith.constant 0 : i32
      %dma_wait3A_28 = tpu.memref_slice %arg2[%dma_wait3A_26, %dma_wait3A_27] : memref<10240x64xf32, #tpu.memory_space<hbm>> -> memref<10240x64xf32, #tpu.memory_space<hbm>>
      tpu.wait_indirect_dma semaphore(%arg8 : memref<!tpu.dma_semaphore, #tpu.memory_space<semaphore_mem>>) src(%dma_wait3A_28 : memref<10240x64xf32, #tpu.memory_space<hbm>>) dst(%arg6 : memref<128x64xf32, #tpu.memory_space<vmem>>)
      %mul3A_29 = arith.constant 40 : i32
      %mul3A_30 = arith.muli %add3A, %mul3A_29 : i32
      %add3A_31 = arith.addi %mul3A_30, %mul3A_8 : i32
      %mul3A_32 = arith.constant 128 : i32
      %mul3A_33 = arith.muli %add3A_31, %mul3A_32 : i32
      "tpu.region"() ({
        %run_scoped3A = tpu.sem_alloc : memref<!tpu.dma_semaphore, #tpu.memory_space<semaphore_mem>>
        %dma_start3A_45 = arith.constant 0 : i32
        %dma_start3A_46 = tpu.memref_slice %arg4[%mul3A_33, %dma_start3A_45] : memref<163840x64xf32, #tpu.memory_space<hbm>> -> memref<128x64xf32, #tpu.memory_space<hbm>>
        %dma_start3A_47 = arith.constant 0 : i32
        %dma_start3A_48 = tpu.memref_slice %arg4[%mul3A_33, %dma_start3A_47] : memref<163840x64xf32, #tpu.memory_space<hbm>> -> memref<128x64xf32, #tpu.memory_space<hbm>>
        tpu.enqueue_dma source(%arg6 : memref<128x64xf32, #tpu.memory_space<vmem>>) target(%dma_start3A_48 : memref<128x64xf32, #tpu.memory_space<hbm>>) target_semaphore(%run_scoped3A : memref<!tpu.dma_semaphore, #tpu.memory_space<semaphore_mem>>)
        %dma_wait3A_49 = arith.constant 0 : i32
        %dma_wait3A_50 = tpu.memref_slice %arg4[%mul3A_33, %dma_wait3A_49] : memref<163840x64xf32, #tpu.memory_space<hbm>> -> memref<128x64xf32, #tpu.memory_space<hbm>>
        %dma_wait3A_51 = arith.constant 0 : i32
        %dma_wait3A_52 = tpu.memref_slice %arg4[%mul3A_33, %dma_wait3A_51] : memref<163840x64xf32, #tpu.memory_space<hbm>> -> memref<128x64xf32, #tpu.memory_space<hbm>>
        tpu.wait_dma2 semaphore(%run_scoped3A : memref<!tpu.dma_semaphore, #tpu.memory_space<semaphore_mem>>) src(%arg6 : memref<128x64xf32, #tpu.memory_space<vmem>>) dst(%dma_wait3A_52 : memref<128x64xf32, #tpu.memory_space<hbm>>)
        tpu.yield
      }) : () -> ()
      %dma_wait3A_34 = arith.constant 0 : i32
      %dma_wait3A_35 = tpu.memref_slice %arg5[%add3A_12, %dma_wait3A_34] : memref<40x128xi32, #tpu.memory_space<vmem>> -> memref<1x128xi32, #tpu.memory_space<vmem>>
      %dma_wait3A_36 = tpu.memref_squeeze %dma_wait3A_35 : memref<1x128xi32, #tpu.memory_space<vmem>> -> memref<128xi32, #tpu.memory_space<vmem>>
      %dma_wait3A_37 = arith.constant 0 : i32
      %dma_wait3A_38 = arith.constant 0 : i32
      %dma_wait3A_39 = tpu.memref_slice %arg2[%dma_wait3A_37, %dma_wait3A_38] : memref<10240x64xf32, #tpu.memory_space<hbm>> -> memref<10240x64xf32, #tpu.memory_space<hbm>>
      tpu.wait_indirect_dma semaphore(%arg9 : memref<!tpu.dma_semaphore, #tpu.memory_space<semaphore_mem>>) src(%dma_wait3A_39 : memref<10240x64xf32, #tpu.memory_space<hbm>>) dst(%arg7 : memref<128x64xf32, #tpu.memory_space<vmem>>)
      %mul3A_40 = arith.constant 40 : i32
      %mul3A_41 = arith.muli %add3A, %mul3A_40 : i32
      %add3A_42 = arith.addi %mul3A_41, %add3A_12 : i32
      %mul3A_43 = arith.constant 128 : i32
      %mul3A_44 = arith.muli %add3A_42, %mul3A_43 : i32
      "tpu.region"() ({
        %run_scoped3A = tpu.sem_alloc : memref<!tpu.dma_semaphore, #tpu.memory_space<semaphore_mem>>
        %dma_start3A_45 = arith.constant 0 : i32
        %dma_start3A_46 = tpu.memref_slice %arg4[%mul3A_44, %dma_start3A_45] : memref<163840x64xf32, #tpu.memory_space<hbm>> -> memref<128x64xf32, #tpu.memory_space<hbm>>
        %dma_start3A_47 = arith.constant 0 : i32
        %dma_start3A_48 = tpu.memref_slice %arg4[%mul3A_44, %dma_start3A_47] : memref<163840x64xf32, #tpu.memory_space<hbm>> -> memref<128x64xf32, #tpu.memory_space<hbm>>
        tpu.enqueue_dma source(%arg7 : memref<128x64xf32, #tpu.memory_space<vmem>>) target(%dma_start3A_48 : memref<128x64xf32, #tpu.memory_space<hbm>>) target_semaphore(%run_scoped3A : memref<!tpu.dma_semaphore, #tpu.memory_space<semaphore_mem>>)
        %dma_wait3A_49 = arith.constant 0 : i32
        %dma_wait3A_50 = tpu.memref_slice %arg4[%mul3A_44, %dma_wait3A_49] : memref<163840x64xf32, #tpu.memory_space<hbm>> -> memref<128x64xf32, #tpu.memory_space<hbm>>
        %dma_wait3A_51 = arith.constant 0 : i32
        %dma_wait3A_52 = tpu.memref_slice %arg4[%mul3A_44, %dma_wait3A_51] : memref<163840x64xf32, #tpu.memory_space<hbm>> -> memref<128x64xf32, #tpu.memory_space<hbm>>
        tpu.wait_dma2 semaphore(%run_scoped3A : memref<!tpu.dma_semaphore, #tpu.memory_space<semaphore_mem>>) src(%arg7 : memref<128x64xf32, #tpu.memory_space<vmem>>) dst(%dma_wait3A_52 : memref<128x64xf32, #tpu.memory_space<hbm>>)
        tpu.yield
      }) : () -> ()
    }
    %scan3A_5 = arith.constant 20 : i32
    return
  }
}

#map = affine_map<(d0, d1) -> (0, 0)>
#map1 = affine_map<(d0, d1) -> (0, 0, 0)>
module attributes {stable_mosaic.version = 14 : i64} {
  func.func @k(%arg0: i32, %arg1: i32, %arg2: memref<10240x96xf32, #tpu.memory_space<hbm>>, %arg3: memref<32x40x128xi32, #tpu.memory_space<hbm>>, %arg4: memref<163840x96xf32, #tpu.memory_space<hbm>>, %arg5: memref<40x128xi32, #tpu.memory_space<vmem>>, %arg6: memref<128x96xf32, #tpu.memory_space<vmem>>, %arg7: memref<128x96xf32, #tpu.memory_space<vmem>>, %arg8: memref<!tpu.dma_semaphore, #tpu.memory_space<semaphore_mem>>, %arg9: memref<!tpu.dma_semaphore, #tpu.memory_space<semaphore_mem>>) attributes {dimension_semantics = [#tpu.dimension_semantics<core_parallel>, #tpu.dimension_semantics<subcore_parallel>], iteration_bounds = array<i64: 2, 16>, scalar_prefetch = 0 : i64, scratch_operands = 5 : i64, tpu.core_type = #tpu.core_type<sc_vector_subcore>, window_params = [{transform_indices = #map}, {transform_indices = #map1}, {transform_indices = #map}]} {
    %mul3A = arith.constant 2 : i32
    %mul3A_0 = arith.muli %arg1, %mul3A : i32
    %add3A = arith.addi %mul3A_0, %arg0 : i32
    "tpu.region"() ({
      %run_scoped3A = tpu.sem_alloc : memref<!tpu.dma_semaphore, #tpu.memory_space<semaphore_mem>>
      %dma_start3A = arith.constant 0 : i32
      %dma_start3A_6 = arith.constant 0 : i32
      %dma_start3A_7 = tpu.memref_slice %arg3[%add3A, %dma_start3A, %dma_start3A_6] : memref<32x40x128xi32, #tpu.memory_space<hbm>> -> memref<1x40x128xi32, #tpu.memory_space<hbm>>
      %dma_start3A_8 = tpu.memref_squeeze %dma_start3A_7 : memref<1x40x128xi32, #tpu.memory_space<hbm>> -> memref<40x128xi32, #tpu.memory_space<hbm>>
      %dma_start3A_9 = arith.constant 0 : i32
      %dma_start3A_10 = arith.constant 0 : i32
      %dma_start3A_11 = tpu.memref_slice %arg3[%add3A, %dma_start3A_9, %dma_start3A_10] : memref<32x40x128xi32, #tpu.memory_space<hbm>> -> memref<1x40x128xi32, #tpu.memory_space<hbm>>
      %dma_start3A_12 = tpu.memref_squeeze %dma_start3A_11 : memref<1x40x128xi32, #tpu.memory_space<hbm>> -> memref<40x128xi32, #tpu.memory_space<hbm>>
      tpu.enqueue_dma source(%dma_start3A_12 : memref<40x128xi32, #tpu.memory_space<hbm>>) target(%arg5 : memref<40x128xi32, #tpu.memory_space<vmem>>) target_semaphore(%run_scoped3A : memref<!tpu.dma_semaphore, #tpu.memory_space<semaphore_mem>>)
      %dma_wait3A = arith.constant 0 : i32
      %dma_wait3A_13 = arith.constant 0 : i32
      %dma_wait3A_14 = tpu.memref_slice %arg3[%add3A, %dma_wait3A, %dma_wait3A_13] : memref<32x40x128xi32, #tpu.memory_space<hbm>> -> memref<1x40x128xi32, #tpu.memory_space<hbm>>
      %dma_wait3A_15 = tpu.memref_squeeze %dma_wait3A_14 : memref<1x40x128xi32, #tpu.memory_space<hbm>> -> memref<40x128xi32, #tpu.memory_space<hbm>>
      %dma_wait3A_16 = arith.constant 0 : i32
      %dma_wait3A_17 = arith.constant 0 : i32
      %dma_wait3A_18 = tpu.memref_slice %arg3[%add3A, %dma_wait3A_16, %dma_wait3A_17] : memref<32x40x128xi32, #tpu.memory_space<hbm>> -> memref<1x40x128xi32, #tpu.memory_space<hbm>>
      %dma_wait3A_19 = tpu.memref_squeeze %dma_wait3A_18 : memref<1x40x128xi32, #tpu.memory_space<hbm>> -> memref<40x128xi32, #tpu.memory_space<hbm>>
      tpu.wait_dma2 semaphore(%run_scoped3A : memref<!tpu.dma_semaphore, #tpu.memory_space<semaphore_mem>>) src(%dma_wait3A_19 : memref<40x128xi32, #tpu.memory_space<hbm>>) dst(%arg5 : memref<40x128xi32, #tpu.memory_space<vmem>>)
      tpu.yield
    }) : () -> ()
    %scan3A = arith.constant 0 : i32
    %scan3A_1 = arith.constant 0 : i32
    %scan3A_2 = arith.constant 20 : i32
    %scan3A_3 = arith.addi %scan3A_1, %scan3A_2 : i32
    %scan3A_4 = arith.constant 1 : i32
    scf.for %scan3A_6 = %scan3A_1 to %scan3A_3 step %scan3A_4  : i32 {
      %mul3A_7 = arith.constant 2 : i32
      %mul3A_8 = arith.muli %mul3A_7, %scan3A_6 : i32
      %mul3A_9 = arith.constant 2 : i32
      %mul3A_10 = arith.muli %mul3A_9, %scan3A_6 : i32
      %add3A_11 = arith.constant 1 : i32
      %add3A_12 = arith.addi %mul3A_10, %add3A_11 : i32
      %dma_start3A = arith.constant 0 : i32
      %dma_start3A_13 = tpu.memref_slice %arg5[%mul3A_8, %dma_start3A] : memref<40x128xi32, #tpu.memory_space<vmem>> -> memref<1x128xi32, #tpu.memory_space<vmem>>
      %dma_start3A_14 = tpu.memref_squeeze %dma_start3A_13 : memref<1x128xi32, #tpu.memory_space<vmem>> -> memref<128xi32, #tpu.memory_space<vmem>>
      %dma_start3A_15 = arith.constant 0 : i32
      %dma_start3A_16 = arith.constant 0 : i32
      %dma_start3A_17 = tpu.memref_slice %arg2[%dma_start3A_15, %dma_start3A_16] : memref<10240x96xf32, #tpu.memory_space<hbm>> -> memref<10240x96xf32, #tpu.memory_space<hbm>>
      tpu.enqueue_indirect_dma source(%dma_start3A_17 : memref<10240x96xf32, #tpu.memory_space<hbm>>) target(%arg6 : memref<128x96xf32, #tpu.memory_space<vmem>>) offsets(%dma_start3A_14 : memref<128xi32, #tpu.memory_space<vmem>>) semaphore(%arg8 : memref<!tpu.dma_semaphore, #tpu.memory_space<semaphore_mem>>)
      %dma_start3A_18 = arith.constant 0 : i32
      %dma_start3A_19 = tpu.memref_slice %arg5[%add3A_12, %dma_start3A_18] : memref<40x128xi32, #tpu.memory_space<vmem>> -> memref<1x128xi32, #tpu.memory_space<vmem>>
      %dma_start3A_20 = tpu.memref_squeeze %dma_start3A_19 : memref<1x128xi32, #tpu.memory_space<vmem>> -> memref<128xi32, #tpu.memory_space<vmem>>
      %dma_start3A_21 = arith.constant 0 : i32
      %dma_start3A_22 = arith.constant 0 : i32
      %dma_start3A_23 = tpu.memref_slice %arg2[%dma_start3A_21, %dma_start3A_22] : memref<10240x96xf32, #tpu.memory_space<hbm>> -> memref<10240x96xf32, #tpu.memory_space<hbm>>
      tpu.enqueue_indirect_dma source(%dma_start3A_23 : memref<10240x96xf32, #tpu.memory_space<hbm>>) target(%arg7 : memref<128x96xf32, #tpu.memory_space<vmem>>) offsets(%dma_start3A_20 : memref<128xi32, #tpu.memory_space<vmem>>) semaphore(%arg9 : memref<!tpu.dma_semaphore, #tpu.memory_space<semaphore_mem>>)
      %dma_wait3A = arith.constant 0 : i32
      %dma_wait3A_24 = tpu.memref_slice %arg5[%mul3A_8, %dma_wait3A] : memref<40x128xi32, #tpu.memory_space<vmem>> -> memref<1x128xi32, #tpu.memory_space<vmem>>
      %dma_wait3A_25 = tpu.memref_squeeze %dma_wait3A_24 : memref<1x128xi32, #tpu.memory_space<vmem>> -> memref<128xi32, #tpu.memory_space<vmem>>
      %dma_wait3A_26 = arith.constant 0 : i32
      %dma_wait3A_27 = arith.constant 0 : i32
      %dma_wait3A_28 = tpu.memref_slice %arg2[%dma_wait3A_26, %dma_wait3A_27] : memref<10240x96xf32, #tpu.memory_space<hbm>> -> memref<10240x96xf32, #tpu.memory_space<hbm>>
      tpu.wait_indirect_dma semaphore(%arg8 : memref<!tpu.dma_semaphore, #tpu.memory_space<semaphore_mem>>) src(%dma_wait3A_28 : memref<10240x96xf32, #tpu.memory_space<hbm>>) dst(%arg6 : memref<128x96xf32, #tpu.memory_space<vmem>>)
      %mul3A_29 = arith.constant 40 : i32
      %mul3A_30 = arith.muli %add3A, %mul3A_29 : i32
      %add3A_31 = arith.addi %mul3A_30, %mul3A_8 : i32
      %mul3A_32 = arith.constant 128 : i32
      %mul3A_33 = arith.muli %add3A_31, %mul3A_32 : i32
      "tpu.region"() ({
        %run_scoped3A = tpu.sem_alloc : memref<!tpu.dma_semaphore, #tpu.memory_space<semaphore_mem>>
        %dma_start3A_45 = arith.constant 0 : i32
        %dma_start3A_46 = tpu.memref_slice %arg4[%mul3A_33, %dma_start3A_45] : memref<163840x96xf32, #tpu.memory_space<hbm>> -> memref<128x96xf32, #tpu.memory_space<hbm>>
        %dma_start3A_47 = arith.constant 0 : i32
        %dma_start3A_48 = tpu.memref_slice %arg4[%mul3A_33, %dma_start3A_47] : memref<163840x96xf32, #tpu.memory_space<hbm>> -> memref<128x96xf32, #tpu.memory_space<hbm>>
        tpu.enqueue_dma source(%arg6 : memref<128x96xf32, #tpu.memory_space<vmem>>) target(%dma_start3A_48 : memref<128x96xf32, #tpu.memory_space<hbm>>) target_semaphore(%run_scoped3A : memref<!tpu.dma_semaphore, #tpu.memory_space<semaphore_mem>>)
        %dma_wait3A_49 = arith.constant 0 : i32
        %dma_wait3A_50 = tpu.memref_slice %arg4[%mul3A_33, %dma_wait3A_49] : memref<163840x96xf32, #tpu.memory_space<hbm>> -> memref<128x96xf32, #tpu.memory_space<hbm>>
        %dma_wait3A_51 = arith.constant 0 : i32
        %dma_wait3A_52 = tpu.memref_slice %arg4[%mul3A_33, %dma_wait3A_51] : memref<163840x96xf32, #tpu.memory_space<hbm>> -> memref<128x96xf32, #tpu.memory_space<hbm>>
        tpu.wait_dma2 semaphore(%run_scoped3A : memref<!tpu.dma_semaphore, #tpu.memory_space<semaphore_mem>>) src(%arg6 : memref<128x96xf32, #tpu.memory_space<vmem>>) dst(%dma_wait3A_52 : memref<128x96xf32, #tpu.memory_space<hbm>>)
        tpu.yield
      }) : () -> ()
      %dma_wait3A_34 = arith.constant 0 : i32
      %dma_wait3A_35 = tpu.memref_slice %arg5[%add3A_12, %dma_wait3A_34] : memref<40x128xi32, #tpu.memory_space<vmem>> -> memref<1x128xi32, #tpu.memory_space<vmem>>
      %dma_wait3A_36 = tpu.memref_squeeze %dma_wait3A_35 : memref<1x128xi32, #tpu.memory_space<vmem>> -> memref<128xi32, #tpu.memory_space<vmem>>
      %dma_wait3A_37 = arith.constant 0 : i32
      %dma_wait3A_38 = arith.constant 0 : i32
      %dma_wait3A_39 = tpu.memref_slice %arg2[%dma_wait3A_37, %dma_wait3A_38] : memref<10240x96xf32, #tpu.memory_space<hbm>> -> memref<10240x96xf32, #tpu.memory_space<hbm>>
      tpu.wait_indirect_dma semaphore(%arg9 : memref<!tpu.dma_semaphore, #tpu.memory_space<semaphore_mem>>) src(%dma_wait3A_39 : memref<10240x96xf32, #tpu.memory_space<hbm>>) dst(%arg7 : memref<128x96xf32, #tpu.memory_space<vmem>>)
      %mul3A_40 = arith.constant 40 : i32
      %mul3A_41 = arith.muli %add3A, %mul3A_40 : i32
      %add3A_42 = arith.addi %mul3A_41, %add3A_12 : i32
      %mul3A_43 = arith.constant 128 : i32
      %mul3A_44 = arith.muli %add3A_42, %mul3A_43 : i32
      "tpu.region"() ({
        %run_scoped3A = tpu.sem_alloc : memref<!tpu.dma_semaphore, #tpu.memory_space<semaphore_mem>>
        %dma_start3A_45 = arith.constant 0 : i32
        %dma_start3A_46 = tpu.memref_slice %arg4[%mul3A_44, %dma_start3A_45] : memref<163840x96xf32, #tpu.memory_space<hbm>> -> memref<128x96xf32, #tpu.memory_space<hbm>>
        %dma_start3A_47 = arith.constant 0 : i32
        %dma_start3A_48 = tpu.memref_slice %arg4[%mul3A_44, %dma_start3A_47] : memref<163840x96xf32, #tpu.memory_space<hbm>> -> memref<128x96xf32, #tpu.memory_space<hbm>>
        tpu.enqueue_dma source(%arg7 : memref<128x96xf32, #tpu.memory_space<vmem>>) target(%dma_start3A_48 : memref<128x96xf32, #tpu.memory_space<hbm>>) target_semaphore(%run_scoped3A : memref<!tpu.dma_semaphore, #tpu.memory_space<semaphore_mem>>)
        %dma_wait3A_49 = arith.constant 0 : i32
        %dma_wait3A_50 = tpu.memref_slice %arg4[%mul3A_44, %dma_wait3A_49] : memref<163840x96xf32, #tpu.memory_space<hbm>> -> memref<128x96xf32, #tpu.memory_space<hbm>>
        %dma_wait3A_51 = arith.constant 0 : i32
        %dma_wait3A_52 = tpu.memref_slice %arg4[%mul3A_44, %dma_wait3A_51] : memref<163840x96xf32, #tpu.memory_space<hbm>> -> memref<128x96xf32, #tpu.memory_space<hbm>>
        tpu.wait_dma2 semaphore(%run_scoped3A : memref<!tpu.dma_semaphore, #tpu.memory_space<semaphore_mem>>) src(%arg7 : memref<128x96xf32, #tpu.memory_space<vmem>>) dst(%dma_wait3A_52 : memref<128x96xf32, #tpu.memory_space<hbm>>)
        tpu.yield
      }) : () -> ()
    }
    %scan3A_5 = arith.constant 20 : i32
    return
  }
}

#map = affine_map<(d0, d1) -> (0, 0)>
#map1 = affine_map<(d0, d1) -> (0, 0, 0)>
module attributes {stable_mosaic.version = 14 : i64} {
  func.func @k(%arg0: i32, %arg1: i32, %arg2: memref<10240x16xf32, #tpu.memory_space<hbm>>, %arg3: memref<32x40x128xi32, #tpu.memory_space<hbm>>, %arg4: memref<163840x16xf32, #tpu.memory_space<hbm>>, %arg5: memref<40x128xi32, #tpu.memory_space<vmem>>, %arg6: memref<128x16xf32, #tpu.memory_space<vmem>>, %arg7: memref<128x16xf32, #tpu.memory_space<vmem>>, %arg8: memref<!tpu.dma_semaphore, #tpu.memory_space<semaphore_mem>>, %arg9: memref<!tpu.dma_semaphore, #tpu.memory_space<semaphore_mem>>) attributes {dimension_semantics = [#tpu.dimension_semantics<core_parallel>, #tpu.dimension_semantics<subcore_parallel>], iteration_bounds = array<i64: 2, 16>, scalar_prefetch = 0 : i64, scratch_operands = 5 : i64, tpu.core_type = #tpu.core_type<sc_vector_subcore>, window_params = [{transform_indices = #map}, {transform_indices = #map1}, {transform_indices = #map}]} {
    %mul3A = arith.constant 2 : i32
    %mul3A_0 = arith.muli %arg1, %mul3A : i32
    %add3A = arith.addi %mul3A_0, %arg0 : i32
    "tpu.region"() ({
      %run_scoped3A = tpu.sem_alloc : memref<!tpu.dma_semaphore, #tpu.memory_space<semaphore_mem>>
      %dma_start3A = arith.constant 0 : i32
      %dma_start3A_6 = arith.constant 0 : i32
      %dma_start3A_7 = tpu.memref_slice %arg3[%add3A, %dma_start3A, %dma_start3A_6] : memref<32x40x128xi32, #tpu.memory_space<hbm>> -> memref<1x40x128xi32, #tpu.memory_space<hbm>>
      %dma_start3A_8 = tpu.memref_squeeze %dma_start3A_7 : memref<1x40x128xi32, #tpu.memory_space<hbm>> -> memref<40x128xi32, #tpu.memory_space<hbm>>
      %dma_start3A_9 = arith.constant 0 : i32
      %dma_start3A_10 = arith.constant 0 : i32
      %dma_start3A_11 = tpu.memref_slice %arg3[%add3A, %dma_start3A_9, %dma_start3A_10] : memref<32x40x128xi32, #tpu.memory_space<hbm>> -> memref<1x40x128xi32, #tpu.memory_space<hbm>>
      %dma_start3A_12 = tpu.memref_squeeze %dma_start3A_11 : memref<1x40x128xi32, #tpu.memory_space<hbm>> -> memref<40x128xi32, #tpu.memory_space<hbm>>
      tpu.enqueue_dma source(%dma_start3A_12 : memref<40x128xi32, #tpu.memory_space<hbm>>) target(%arg5 : memref<40x128xi32, #tpu.memory_space<vmem>>) target_semaphore(%run_scoped3A : memref<!tpu.dma_semaphore, #tpu.memory_space<semaphore_mem>>)
      %dma_wait3A = arith.constant 0 : i32
      %dma_wait3A_13 = arith.constant 0 : i32
      %dma_wait3A_14 = tpu.memref_slice %arg3[%add3A, %dma_wait3A, %dma_wait3A_13] : memref<32x40x128xi32, #tpu.memory_space<hbm>> -> memref<1x40x128xi32, #tpu.memory_space<hbm>>
      %dma_wait3A_15 = tpu.memref_squeeze %dma_wait3A_14 : memref<1x40x128xi32, #tpu.memory_space<hbm>> -> memref<40x128xi32, #tpu.memory_space<hbm>>
      %dma_wait3A_16 = arith.constant 0 : i32
      %dma_wait3A_17 = arith.constant 0 : i32
      %dma_wait3A_18 = tpu.memref_slice %arg3[%add3A, %dma_wait3A_16, %dma_wait3A_17] : memref<32x40x128xi32, #tpu.memory_space<hbm>> -> memref<1x40x128xi32, #tpu.memory_space<hbm>>
      %dma_wait3A_19 = tpu.memref_squeeze %dma_wait3A_18 : memref<1x40x128xi32, #tpu.memory_space<hbm>> -> memref<40x128xi32, #tpu.memory_space<hbm>>
      tpu.wait_dma2 semaphore(%run_scoped3A : memref<!tpu.dma_semaphore, #tpu.memory_space<semaphore_mem>>) src(%dma_wait3A_19 : memref<40x128xi32, #tpu.memory_space<hbm>>) dst(%arg5 : memref<40x128xi32, #tpu.memory_space<vmem>>)
      tpu.yield
    }) : () -> ()
    %scan3A = arith.constant 0 : i32
    %scan3A_1 = arith.constant 0 : i32
    %scan3A_2 = arith.constant 20 : i32
    %scan3A_3 = arith.addi %scan3A_1, %scan3A_2 : i32
    %scan3A_4 = arith.constant 1 : i32
    scf.for %scan3A_6 = %scan3A_1 to %scan3A_3 step %scan3A_4  : i32 {
      %mul3A_7 = arith.constant 2 : i32
      %mul3A_8 = arith.muli %mul3A_7, %scan3A_6 : i32
      %mul3A_9 = arith.constant 2 : i32
      %mul3A_10 = arith.muli %mul3A_9, %scan3A_6 : i32
      %add3A_11 = arith.constant 1 : i32
      %add3A_12 = arith.addi %mul3A_10, %add3A_11 : i32
      %dma_start3A = arith.constant 0 : i32
      %dma_start3A_13 = tpu.memref_slice %arg5[%mul3A_8, %dma_start3A] : memref<40x128xi32, #tpu.memory_space<vmem>> -> memref<1x128xi32, #tpu.memory_space<vmem>>
      %dma_start3A_14 = tpu.memref_squeeze %dma_start3A_13 : memref<1x128xi32, #tpu.memory_space<vmem>> -> memref<128xi32, #tpu.memory_space<vmem>>
      %dma_start3A_15 = arith.constant 0 : i32
      %dma_start3A_16 = arith.constant 0 : i32
      %dma_start3A_17 = tpu.memref_slice %arg2[%dma_start3A_15, %dma_start3A_16] : memref<10240x16xf32, #tpu.memory_space<hbm>> -> memref<10240x16xf32, #tpu.memory_space<hbm>>
      tpu.enqueue_indirect_dma source(%dma_start3A_17 : memref<10240x16xf32, #tpu.memory_space<hbm>>) target(%arg6 : memref<128x16xf32, #tpu.memory_space<vmem>>) offsets(%dma_start3A_14 : memref<128xi32, #tpu.memory_space<vmem>>) semaphore(%arg8 : memref<!tpu.dma_semaphore, #tpu.memory_space<semaphore_mem>>)
      %dma_start3A_18 = arith.constant 0 : i32
      %dma_start3A_19 = tpu.memref_slice %arg5[%add3A_12, %dma_start3A_18] : memref<40x128xi32, #tpu.memory_space<vmem>> -> memref<1x128xi32, #tpu.memory_space<vmem>>
      %dma_start3A_20 = tpu.memref_squeeze %dma_start3A_19 : memref<1x128xi32, #tpu.memory_space<vmem>> -> memref<128xi32, #tpu.memory_space<vmem>>
      %dma_start3A_21 = arith.constant 0 : i32
      %dma_start3A_22 = arith.constant 0 : i32
      %dma_start3A_23 = tpu.memref_slice %arg2[%dma_start3A_21, %dma_start3A_22] : memref<10240x16xf32, #tpu.memory_space<hbm>> -> memref<10240x16xf32, #tpu.memory_space<hbm>>
      tpu.enqueue_indirect_dma source(%dma_start3A_23 : memref<10240x16xf32, #tpu.memory_space<hbm>>) target(%arg7 : memref<128x16xf32, #tpu.memory_space<vmem>>) offsets(%dma_start3A_20 : memref<128xi32, #tpu.memory_space<vmem>>) semaphore(%arg9 : memref<!tpu.dma_semaphore, #tpu.memory_space<semaphore_mem>>)
      %dma_wait3A = arith.constant 0 : i32
      %dma_wait3A_24 = tpu.memref_slice %arg5[%mul3A_8, %dma_wait3A] : memref<40x128xi32, #tpu.memory_space<vmem>> -> memref<1x128xi32, #tpu.memory_space<vmem>>
      %dma_wait3A_25 = tpu.memref_squeeze %dma_wait3A_24 : memref<1x128xi32, #tpu.memory_space<vmem>> -> memref<128xi32, #tpu.memory_space<vmem>>
      %dma_wait3A_26 = arith.constant 0 : i32
      %dma_wait3A_27 = arith.constant 0 : i32
      %dma_wait3A_28 = tpu.memref_slice %arg2[%dma_wait3A_26, %dma_wait3A_27] : memref<10240x16xf32, #tpu.memory_space<hbm>> -> memref<10240x16xf32, #tpu.memory_space<hbm>>
      tpu.wait_indirect_dma semaphore(%arg8 : memref<!tpu.dma_semaphore, #tpu.memory_space<semaphore_mem>>) src(%dma_wait3A_28 : memref<10240x16xf32, #tpu.memory_space<hbm>>) dst(%arg6 : memref<128x16xf32, #tpu.memory_space<vmem>>)
      %mul3A_29 = arith.constant 40 : i32
      %mul3A_30 = arith.muli %add3A, %mul3A_29 : i32
      %add3A_31 = arith.addi %mul3A_30, %mul3A_8 : i32
      %mul3A_32 = arith.constant 128 : i32
      %mul3A_33 = arith.muli %add3A_31, %mul3A_32 : i32
      "tpu.region"() ({
        %run_scoped3A = tpu.sem_alloc : memref<!tpu.dma_semaphore, #tpu.memory_space<semaphore_mem>>
        %dma_start3A_45 = arith.constant 0 : i32
        %dma_start3A_46 = tpu.memref_slice %arg4[%mul3A_33, %dma_start3A_45] : memref<163840x16xf32, #tpu.memory_space<hbm>> -> memref<128x16xf32, #tpu.memory_space<hbm>>
        %dma_start3A_47 = arith.constant 0 : i32
        %dma_start3A_48 = tpu.memref_slice %arg4[%mul3A_33, %dma_start3A_47] : memref<163840x16xf32, #tpu.memory_space<hbm>> -> memref<128x16xf32, #tpu.memory_space<hbm>>
        tpu.enqueue_dma source(%arg6 : memref<128x16xf32, #tpu.memory_space<vmem>>) target(%dma_start3A_48 : memref<128x16xf32, #tpu.memory_space<hbm>>) target_semaphore(%run_scoped3A : memref<!tpu.dma_semaphore, #tpu.memory_space<semaphore_mem>>)
        %dma_wait3A_49 = arith.constant 0 : i32
        %dma_wait3A_50 = tpu.memref_slice %arg4[%mul3A_33, %dma_wait3A_49] : memref<163840x16xf32, #tpu.memory_space<hbm>> -> memref<128x16xf32, #tpu.memory_space<hbm>>
        %dma_wait3A_51 = arith.constant 0 : i32
        %dma_wait3A_52 = tpu.memref_slice %arg4[%mul3A_33, %dma_wait3A_51] : memref<163840x16xf32, #tpu.memory_space<hbm>> -> memref<128x16xf32, #tpu.memory_space<hbm>>
        tpu.wait_dma2 semaphore(%run_scoped3A : memref<!tpu.dma_semaphore, #tpu.memory_space<semaphore_mem>>) src(%arg6 : memref<128x16xf32, #tpu.memory_space<vmem>>) dst(%dma_wait3A_52 : memref<128x16xf32, #tpu.memory_space<hbm>>)
        tpu.yield
      }) : () -> ()
      %dma_wait3A_34 = arith.constant 0 : i32
      %dma_wait3A_35 = tpu.memref_slice %arg5[%add3A_12, %dma_wait3A_34] : memref<40x128xi32, #tpu.memory_space<vmem>> -> memref<1x128xi32, #tpu.memory_space<vmem>>
      %dma_wait3A_36 = tpu.memref_squeeze %dma_wait3A_35 : memref<1x128xi32, #tpu.memory_space<vmem>> -> memref<128xi32, #tpu.memory_space<vmem>>
      %dma_wait3A_37 = arith.constant 0 : i32
      %dma_wait3A_38 = arith.constant 0 : i32
      %dma_wait3A_39 = tpu.memref_slice %arg2[%dma_wait3A_37, %dma_wait3A_38] : memref<10240x16xf32, #tpu.memory_space<hbm>> -> memref<10240x16xf32, #tpu.memory_space<hbm>>
      tpu.wait_indirect_dma semaphore(%arg9 : memref<!tpu.dma_semaphore, #tpu.memory_space<semaphore_mem>>) src(%dma_wait3A_39 : memref<10240x16xf32, #tpu.memory_space<hbm>>) dst(%arg7 : memref<128x16xf32, #tpu.memory_space<vmem>>)
      %mul3A_40 = arith.constant 40 : i32
      %mul3A_41 = arith.muli %add3A, %mul3A_40 : i32
      %add3A_42 = arith.addi %mul3A_41, %add3A_12 : i32
      %mul3A_43 = arith.constant 128 : i32
      %mul3A_44 = arith.muli %add3A_42, %mul3A_43 : i32
      "tpu.region"() ({
        %run_scoped3A = tpu.sem_alloc : memref<!tpu.dma_semaphore, #tpu.memory_space<semaphore_mem>>
        %dma_start3A_45 = arith.constant 0 : i32
        %dma_start3A_46 = tpu.memref_slice %arg4[%mul3A_44, %dma_start3A_45] : memref<163840x16xf32, #tpu.memory_space<hbm>> -> memref<128x16xf32, #tpu.memory_space<hbm>>
        %dma_start3A_47 = arith.constant 0 : i32
        %dma_start3A_48 = tpu.memref_slice %arg4[%mul3A_44, %dma_start3A_47] : memref<163840x16xf32, #tpu.memory_space<hbm>> -> memref<128x16xf32, #tpu.memory_space<hbm>>
        tpu.enqueue_dma source(%arg7 : memref<128x16xf32, #tpu.memory_space<vmem>>) target(%dma_start3A_48 : memref<128x16xf32, #tpu.memory_space<hbm>>) target_semaphore(%run_scoped3A : memref<!tpu.dma_semaphore, #tpu.memory_space<semaphore_mem>>)
        %dma_wait3A_49 = arith.constant 0 : i32
        %dma_wait3A_50 = tpu.memref_slice %arg4[%mul3A_44, %dma_wait3A_49] : memref<163840x16xf32, #tpu.memory_space<hbm>> -> memref<128x16xf32, #tpu.memory_space<hbm>>
        %dma_wait3A_51 = arith.constant 0 : i32
        %dma_wait3A_52 = tpu.memref_slice %arg4[%mul3A_44, %dma_wait3A_51] : memref<163840x16xf32, #tpu.memory_space<hbm>> -> memref<128x16xf32, #tpu.memory_space<hbm>>
        tpu.wait_dma2 semaphore(%run_scoped3A : memref<!tpu.dma_semaphore, #tpu.memory_space<semaphore_mem>>) src(%arg7 : memref<128x16xf32, #tpu.memory_space<vmem>>) dst(%dma_wait3A_52 : memref<128x16xf32, #tpu.memory_space<hbm>>)
        tpu.yield
      }) : () -> ()
    }
    %scan3A_5 = arith.constant 20 : i32
    return
  }
}

#map = affine_map<(d0, d1) -> (0, 0)>
#map1 = affine_map<(d0, d1) -> (0, 0, 0)>
module attributes {stable_mosaic.version = 14 : i64} {
  func.func @k(%arg0: i32, %arg1: i32, %arg2: memref<3000x16xf32, #tpu.memory_space<hbm>>, %arg3: memref<32x20x128xi32, #tpu.memory_space<hbm>>, %arg4: memref<81920x16xf32, #tpu.memory_space<hbm>>, %arg5: memref<20x128xi32, #tpu.memory_space<vmem>>, %arg6: memref<128x16xf32, #tpu.memory_space<vmem>>, %arg7: memref<128x16xf32, #tpu.memory_space<vmem>>, %arg8: memref<!tpu.dma_semaphore, #tpu.memory_space<semaphore_mem>>, %arg9: memref<!tpu.dma_semaphore, #tpu.memory_space<semaphore_mem>>) attributes {dimension_semantics = [#tpu.dimension_semantics<core_parallel>, #tpu.dimension_semantics<subcore_parallel>], iteration_bounds = array<i64: 2, 16>, scalar_prefetch = 0 : i64, scratch_operands = 5 : i64, tpu.core_type = #tpu.core_type<sc_vector_subcore>, window_params = [{transform_indices = #map}, {transform_indices = #map1}, {transform_indices = #map}]} {
    %mul3A = arith.constant 2 : i32
    %mul3A_0 = arith.muli %arg1, %mul3A : i32
    %add3A = arith.addi %mul3A_0, %arg0 : i32
    "tpu.region"() ({
      %run_scoped3A = tpu.sem_alloc : memref<!tpu.dma_semaphore, #tpu.memory_space<semaphore_mem>>
      %dma_start3A = arith.constant 0 : i32
      %dma_start3A_6 = arith.constant 0 : i32
      %dma_start3A_7 = tpu.memref_slice %arg3[%add3A, %dma_start3A, %dma_start3A_6] : memref<32x20x128xi32, #tpu.memory_space<hbm>> -> memref<1x20x128xi32, #tpu.memory_space<hbm>>
      %dma_start3A_8 = tpu.memref_squeeze %dma_start3A_7 : memref<1x20x128xi32, #tpu.memory_space<hbm>> -> memref<20x128xi32, #tpu.memory_space<hbm>>
      %dma_start3A_9 = arith.constant 0 : i32
      %dma_start3A_10 = arith.constant 0 : i32
      %dma_start3A_11 = tpu.memref_slice %arg3[%add3A, %dma_start3A_9, %dma_start3A_10] : memref<32x20x128xi32, #tpu.memory_space<hbm>> -> memref<1x20x128xi32, #tpu.memory_space<hbm>>
      %dma_start3A_12 = tpu.memref_squeeze %dma_start3A_11 : memref<1x20x128xi32, #tpu.memory_space<hbm>> -> memref<20x128xi32, #tpu.memory_space<hbm>>
      tpu.enqueue_dma source(%dma_start3A_12 : memref<20x128xi32, #tpu.memory_space<hbm>>) target(%arg5 : memref<20x128xi32, #tpu.memory_space<vmem>>) target_semaphore(%run_scoped3A : memref<!tpu.dma_semaphore, #tpu.memory_space<semaphore_mem>>)
      %dma_wait3A = arith.constant 0 : i32
      %dma_wait3A_13 = arith.constant 0 : i32
      %dma_wait3A_14 = tpu.memref_slice %arg3[%add3A, %dma_wait3A, %dma_wait3A_13] : memref<32x20x128xi32, #tpu.memory_space<hbm>> -> memref<1x20x128xi32, #tpu.memory_space<hbm>>
      %dma_wait3A_15 = tpu.memref_squeeze %dma_wait3A_14 : memref<1x20x128xi32, #tpu.memory_space<hbm>> -> memref<20x128xi32, #tpu.memory_space<hbm>>
      %dma_wait3A_16 = arith.constant 0 : i32
      %dma_wait3A_17 = arith.constant 0 : i32
      %dma_wait3A_18 = tpu.memref_slice %arg3[%add3A, %dma_wait3A_16, %dma_wait3A_17] : memref<32x20x128xi32, #tpu.memory_space<hbm>> -> memref<1x20x128xi32, #tpu.memory_space<hbm>>
      %dma_wait3A_19 = tpu.memref_squeeze %dma_wait3A_18 : memref<1x20x128xi32, #tpu.memory_space<hbm>> -> memref<20x128xi32, #tpu.memory_space<hbm>>
      tpu.wait_dma2 semaphore(%run_scoped3A : memref<!tpu.dma_semaphore, #tpu.memory_space<semaphore_mem>>) src(%dma_wait3A_19 : memref<20x128xi32, #tpu.memory_space<hbm>>) dst(%arg5 : memref<20x128xi32, #tpu.memory_space<vmem>>)
      tpu.yield
    }) : () -> ()
    %scan3A = arith.constant 0 : i32
    %scan3A_1 = arith.constant 0 : i32
    %scan3A_2 = arith.constant 10 : i32
    %scan3A_3 = arith.addi %scan3A_1, %scan3A_2 : i32
    %scan3A_4 = arith.constant 1 : i32
    scf.for %scan3A_6 = %scan3A_1 to %scan3A_3 step %scan3A_4  : i32 {
      %mul3A_7 = arith.constant 2 : i32
      %mul3A_8 = arith.muli %mul3A_7, %scan3A_6 : i32
      %mul3A_9 = arith.constant 2 : i32
      %mul3A_10 = arith.muli %mul3A_9, %scan3A_6 : i32
      %add3A_11 = arith.constant 1 : i32
      %add3A_12 = arith.addi %mul3A_10, %add3A_11 : i32
      %dma_start3A = arith.constant 0 : i32
      %dma_start3A_13 = tpu.memref_slice %arg5[%mul3A_8, %dma_start3A] : memref<20x128xi32, #tpu.memory_space<vmem>> -> memref<1x128xi32, #tpu.memory_space<vmem>>
      %dma_start3A_14 = tpu.memref_squeeze %dma_start3A_13 : memref<1x128xi32, #tpu.memory_space<vmem>> -> memref<128xi32, #tpu.memory_space<vmem>>
      %dma_start3A_15 = arith.constant 0 : i32
      %dma_start3A_16 = arith.constant 0 : i32
      %dma_start3A_17 = tpu.memref_slice %arg2[%dma_start3A_15, %dma_start3A_16] : memref<3000x16xf32, #tpu.memory_space<hbm>> -> memref<3000x16xf32, #tpu.memory_space<hbm>>
      tpu.enqueue_indirect_dma source(%dma_start3A_17 : memref<3000x16xf32, #tpu.memory_space<hbm>>) target(%arg6 : memref<128x16xf32, #tpu.memory_space<vmem>>) offsets(%dma_start3A_14 : memref<128xi32, #tpu.memory_space<vmem>>) semaphore(%arg8 : memref<!tpu.dma_semaphore, #tpu.memory_space<semaphore_mem>>)
      %dma_start3A_18 = arith.constant 0 : i32
      %dma_start3A_19 = tpu.memref_slice %arg5[%add3A_12, %dma_start3A_18] : memref<20x128xi32, #tpu.memory_space<vmem>> -> memref<1x128xi32, #tpu.memory_space<vmem>>
      %dma_start3A_20 = tpu.memref_squeeze %dma_start3A_19 : memref<1x128xi32, #tpu.memory_space<vmem>> -> memref<128xi32, #tpu.memory_space<vmem>>
      %dma_start3A_21 = arith.constant 0 : i32
      %dma_start3A_22 = arith.constant 0 : i32
      %dma_start3A_23 = tpu.memref_slice %arg2[%dma_start3A_21, %dma_start3A_22] : memref<3000x16xf32, #tpu.memory_space<hbm>> -> memref<3000x16xf32, #tpu.memory_space<hbm>>
      tpu.enqueue_indirect_dma source(%dma_start3A_23 : memref<3000x16xf32, #tpu.memory_space<hbm>>) target(%arg7 : memref<128x16xf32, #tpu.memory_space<vmem>>) offsets(%dma_start3A_20 : memref<128xi32, #tpu.memory_space<vmem>>) semaphore(%arg9 : memref<!tpu.dma_semaphore, #tpu.memory_space<semaphore_mem>>)
      %dma_wait3A = arith.constant 0 : i32
      %dma_wait3A_24 = tpu.memref_slice %arg5[%mul3A_8, %dma_wait3A] : memref<20x128xi32, #tpu.memory_space<vmem>> -> memref<1x128xi32, #tpu.memory_space<vmem>>
      %dma_wait3A_25 = tpu.memref_squeeze %dma_wait3A_24 : memref<1x128xi32, #tpu.memory_space<vmem>> -> memref<128xi32, #tpu.memory_space<vmem>>
      %dma_wait3A_26 = arith.constant 0 : i32
      %dma_wait3A_27 = arith.constant 0 : i32
      %dma_wait3A_28 = tpu.memref_slice %arg2[%dma_wait3A_26, %dma_wait3A_27] : memref<3000x16xf32, #tpu.memory_space<hbm>> -> memref<3000x16xf32, #tpu.memory_space<hbm>>
      tpu.wait_indirect_dma semaphore(%arg8 : memref<!tpu.dma_semaphore, #tpu.memory_space<semaphore_mem>>) src(%dma_wait3A_28 : memref<3000x16xf32, #tpu.memory_space<hbm>>) dst(%arg6 : memref<128x16xf32, #tpu.memory_space<vmem>>)
      %mul3A_29 = arith.constant 20 : i32
      %mul3A_30 = arith.muli %add3A, %mul3A_29 : i32
      %add3A_31 = arith.addi %mul3A_30, %mul3A_8 : i32
      %mul3A_32 = arith.constant 128 : i32
      %mul3A_33 = arith.muli %add3A_31, %mul3A_32 : i32
      "tpu.region"() ({
        %run_scoped3A = tpu.sem_alloc : memref<!tpu.dma_semaphore, #tpu.memory_space<semaphore_mem>>
        %dma_start3A_45 = arith.constant 0 : i32
        %dma_start3A_46 = tpu.memref_slice %arg4[%mul3A_33, %dma_start3A_45] : memref<81920x16xf32, #tpu.memory_space<hbm>> -> memref<128x16xf32, #tpu.memory_space<hbm>>
        %dma_start3A_47 = arith.constant 0 : i32
        %dma_start3A_48 = tpu.memref_slice %arg4[%mul3A_33, %dma_start3A_47] : memref<81920x16xf32, #tpu.memory_space<hbm>> -> memref<128x16xf32, #tpu.memory_space<hbm>>
        tpu.enqueue_dma source(%arg6 : memref<128x16xf32, #tpu.memory_space<vmem>>) target(%dma_start3A_48 : memref<128x16xf32, #tpu.memory_space<hbm>>) target_semaphore(%run_scoped3A : memref<!tpu.dma_semaphore, #tpu.memory_space<semaphore_mem>>)
        %dma_wait3A_49 = arith.constant 0 : i32
        %dma_wait3A_50 = tpu.memref_slice %arg4[%mul3A_33, %dma_wait3A_49] : memref<81920x16xf32, #tpu.memory_space<hbm>> -> memref<128x16xf32, #tpu.memory_space<hbm>>
        %dma_wait3A_51 = arith.constant 0 : i32
        %dma_wait3A_52 = tpu.memref_slice %arg4[%mul3A_33, %dma_wait3A_51] : memref<81920x16xf32, #tpu.memory_space<hbm>> -> memref<128x16xf32, #tpu.memory_space<hbm>>
        tpu.wait_dma2 semaphore(%run_scoped3A : memref<!tpu.dma_semaphore, #tpu.memory_space<semaphore_mem>>) src(%arg6 : memref<128x16xf32, #tpu.memory_space<vmem>>) dst(%dma_wait3A_52 : memref<128x16xf32, #tpu.memory_space<hbm>>)
        tpu.yield
      }) : () -> ()
      %dma_wait3A_34 = arith.constant 0 : i32
      %dma_wait3A_35 = tpu.memref_slice %arg5[%add3A_12, %dma_wait3A_34] : memref<20x128xi32, #tpu.memory_space<vmem>> -> memref<1x128xi32, #tpu.memory_space<vmem>>
      %dma_wait3A_36 = tpu.memref_squeeze %dma_wait3A_35 : memref<1x128xi32, #tpu.memory_space<vmem>> -> memref<128xi32, #tpu.memory_space<vmem>>
      %dma_wait3A_37 = arith.constant 0 : i32
      %dma_wait3A_38 = arith.constant 0 : i32
      %dma_wait3A_39 = tpu.memref_slice %arg2[%dma_wait3A_37, %dma_wait3A_38] : memref<3000x16xf32, #tpu.memory_space<hbm>> -> memref<3000x16xf32, #tpu.memory_space<hbm>>
      tpu.wait_indirect_dma semaphore(%arg9 : memref<!tpu.dma_semaphore, #tpu.memory_space<semaphore_mem>>) src(%dma_wait3A_39 : memref<3000x16xf32, #tpu.memory_space<hbm>>) dst(%arg7 : memref<128x16xf32, #tpu.memory_space<vmem>>)
      %mul3A_40 = arith.constant 20 : i32
      %mul3A_41 = arith.muli %add3A, %mul3A_40 : i32
      %add3A_42 = arith.addi %mul3A_41, %add3A_12 : i32
      %mul3A_43 = arith.constant 128 : i32
      %mul3A_44 = arith.muli %add3A_42, %mul3A_43 : i32
      "tpu.region"() ({
        %run_scoped3A = tpu.sem_alloc : memref<!tpu.dma_semaphore, #tpu.memory_space<semaphore_mem>>
        %dma_start3A_45 = arith.constant 0 : i32
        %dma_start3A_46 = tpu.memref_slice %arg4[%mul3A_44, %dma_start3A_45] : memref<81920x16xf32, #tpu.memory_space<hbm>> -> memref<128x16xf32, #tpu.memory_space<hbm>>
        %dma_start3A_47 = arith.constant 0 : i32
        %dma_start3A_48 = tpu.memref_slice %arg4[%mul3A_44, %dma_start3A_47] : memref<81920x16xf32, #tpu.memory_space<hbm>> -> memref<128x16xf32, #tpu.memory_space<hbm>>
        tpu.enqueue_dma source(%arg7 : memref<128x16xf32, #tpu.memory_space<vmem>>) target(%dma_start3A_48 : memref<128x16xf32, #tpu.memory_space<hbm>>) target_semaphore(%run_scoped3A : memref<!tpu.dma_semaphore, #tpu.memory_space<semaphore_mem>>)
        %dma_wait3A_49 = arith.constant 0 : i32
        %dma_wait3A_50 = tpu.memref_slice %arg4[%mul3A_44, %dma_wait3A_49] : memref<81920x16xf32, #tpu.memory_space<hbm>> -> memref<128x16xf32, #tpu.memory_space<hbm>>
        %dma_wait3A_51 = arith.constant 0 : i32
        %dma_wait3A_52 = tpu.memref_slice %arg4[%mul3A_44, %dma_wait3A_51] : memref<81920x16xf32, #tpu.memory_space<hbm>> -> memref<128x16xf32, #tpu.memory_space<hbm>>
        tpu.wait_dma2 semaphore(%run_scoped3A : memref<!tpu.dma_semaphore, #tpu.memory_space<semaphore_mem>>) src(%arg7 : memref<128x16xf32, #tpu.memory_space<vmem>>) dst(%dma_wait3A_52 : memref<128x16xf32, #tpu.memory_space<hbm>>)
        tpu.yield
      }) : () -> ()
    }
    %scan3A_5 = arith.constant 10 : i32
    return
  }
}

#map = affine_map<(d0, d1) -> (0, 0)>
#map1 = affine_map<(d0, d1) -> (0, 0, 0)>
module attributes {stable_mosaic.version = 14 : i64} {
  func.func @k(%arg0: i32, %arg1: i32, %arg2: memref<10240x64xf32, #tpu.memory_space<hbm>>, %arg3: memref<32x40x128xi32, #tpu.memory_space<hbm>>, %arg4: memref<163840x64xf32, #tpu.memory_space<hbm>>, %arg5: memref<40x128xi32, #tpu.memory_space<vmem>>, %arg6: memref<128x64xf32, #tpu.memory_space<vmem>>, %arg7: memref<128x64xf32, #tpu.memory_space<vmem>>, %arg8: memref<!tpu.dma_semaphore, #tpu.memory_space<semaphore_mem>>, %arg9: memref<!tpu.dma_semaphore, #tpu.memory_space<semaphore_mem>>) attributes {dimension_semantics = [#tpu.dimension_semantics<core_parallel>, #tpu.dimension_semantics<subcore_parallel>], iteration_bounds = array<i64: 2, 16>, scalar_prefetch = 0 : i64, scratch_operands = 5 : i64, tpu.core_type = #tpu.core_type<sc_vector_subcore>, window_params = [{transform_indices = #map}, {transform_indices = #map1}, {transform_indices = #map}]} {
    %mul3A = arith.constant 2 : i32
    %mul3A_0 = arith.muli %arg1, %mul3A : i32
    %add3A = arith.addi %mul3A_0, %arg0 : i32
    "tpu.region"() ({
      %run_scoped3A = tpu.sem_alloc : memref<!tpu.dma_semaphore, #tpu.memory_space<semaphore_mem>>
      %dma_start3A = arith.constant 0 : i32
      %dma_start3A_6 = arith.constant 0 : i32
      %dma_start3A_7 = tpu.memref_slice %arg3[%add3A, %dma_start3A, %dma_start3A_6] : memref<32x40x128xi32, #tpu.memory_space<hbm>> -> memref<1x40x128xi32, #tpu.memory_space<hbm>>
      %dma_start3A_8 = tpu.memref_squeeze %dma_start3A_7 : memref<1x40x128xi32, #tpu.memory_space<hbm>> -> memref<40x128xi32, #tpu.memory_space<hbm>>
      %dma_start3A_9 = arith.constant 0 : i32
      %dma_start3A_10 = arith.constant 0 : i32
      %dma_start3A_11 = tpu.memref_slice %arg3[%add3A, %dma_start3A_9, %dma_start3A_10] : memref<32x40x128xi32, #tpu.memory_space<hbm>> -> memref<1x40x128xi32, #tpu.memory_space<hbm>>
      %dma_start3A_12 = tpu.memref_squeeze %dma_start3A_11 : memref<1x40x128xi32, #tpu.memory_space<hbm>> -> memref<40x128xi32, #tpu.memory_space<hbm>>
      tpu.enqueue_dma source(%dma_start3A_12 : memref<40x128xi32, #tpu.memory_space<hbm>>) target(%arg5 : memref<40x128xi32, #tpu.memory_space<vmem>>) target_semaphore(%run_scoped3A : memref<!tpu.dma_semaphore, #tpu.memory_space<semaphore_mem>>)
      %dma_wait3A = arith.constant 0 : i32
      %dma_wait3A_13 = arith.constant 0 : i32
      %dma_wait3A_14 = tpu.memref_slice %arg3[%add3A, %dma_wait3A, %dma_wait3A_13] : memref<32x40x128xi32, #tpu.memory_space<hbm>> -> memref<1x40x128xi32, #tpu.memory_space<hbm>>
      %dma_wait3A_15 = tpu.memref_squeeze %dma_wait3A_14 : memref<1x40x128xi32, #tpu.memory_space<hbm>> -> memref<40x128xi32, #tpu.memory_space<hbm>>
      %dma_wait3A_16 = arith.constant 0 : i32
      %dma_wait3A_17 = arith.constant 0 : i32
      %dma_wait3A_18 = tpu.memref_slice %arg3[%add3A, %dma_wait3A_16, %dma_wait3A_17] : memref<32x40x128xi32, #tpu.memory_space<hbm>> -> memref<1x40x128xi32, #tpu.memory_space<hbm>>
      %dma_wait3A_19 = tpu.memref_squeeze %dma_wait3A_18 : memref<1x40x128xi32, #tpu.memory_space<hbm>> -> memref<40x128xi32, #tpu.memory_space<hbm>>
      tpu.wait_dma2 semaphore(%run_scoped3A : memref<!tpu.dma_semaphore, #tpu.memory_space<semaphore_mem>>) src(%dma_wait3A_19 : memref<40x128xi32, #tpu.memory_space<hbm>>) dst(%arg5 : memref<40x128xi32, #tpu.memory_space<vmem>>)
      tpu.yield
    }) : () -> ()
    %scan3A = arith.constant 0 : i32
    %scan3A_1 = arith.constant 0 : i32
    %scan3A_2 = arith.constant 20 : i32
    %scan3A_3 = arith.addi %scan3A_1, %scan3A_2 : i32
    %scan3A_4 = arith.constant 1 : i32
    scf.for %scan3A_6 = %scan3A_1 to %scan3A_3 step %scan3A_4  : i32 {
      %mul3A_7 = arith.constant 2 : i32
      %mul3A_8 = arith.muli %mul3A_7, %scan3A_6 : i32
      %mul3A_9 = arith.constant 2 : i32
      %mul3A_10 = arith.muli %mul3A_9, %scan3A_6 : i32
      %add3A_11 = arith.constant 1 : i32
      %add3A_12 = arith.addi %mul3A_10, %add3A_11 : i32
      %dma_start3A = arith.constant 0 : i32
      %dma_start3A_13 = tpu.memref_slice %arg5[%mul3A_8, %dma_start3A] : memref<40x128xi32, #tpu.memory_space<vmem>> -> memref<1x128xi32, #tpu.memory_space<vmem>>
      %dma_start3A_14 = tpu.memref_squeeze %dma_start3A_13 : memref<1x128xi32, #tpu.memory_space<vmem>> -> memref<128xi32, #tpu.memory_space<vmem>>
      %dma_start3A_15 = arith.constant 0 : i32
      %dma_start3A_16 = arith.constant 0 : i32
      %dma_start3A_17 = tpu.memref_slice %arg2[%dma_start3A_15, %dma_start3A_16] : memref<10240x64xf32, #tpu.memory_space<hbm>> -> memref<10240x64xf32, #tpu.memory_space<hbm>>
      tpu.enqueue_indirect_dma source(%dma_start3A_17 : memref<10240x64xf32, #tpu.memory_space<hbm>>) target(%arg6 : memref<128x64xf32, #tpu.memory_space<vmem>>) offsets(%dma_start3A_14 : memref<128xi32, #tpu.memory_space<vmem>>) semaphore(%arg8 : memref<!tpu.dma_semaphore, #tpu.memory_space<semaphore_mem>>)
      %dma_start3A_18 = arith.constant 0 : i32
      %dma_start3A_19 = tpu.memref_slice %arg5[%add3A_12, %dma_start3A_18] : memref<40x128xi32, #tpu.memory_space<vmem>> -> memref<1x128xi32, #tpu.memory_space<vmem>>
      %dma_start3A_20 = tpu.memref_squeeze %dma_start3A_19 : memref<1x128xi32, #tpu.memory_space<vmem>> -> memref<128xi32, #tpu.memory_space<vmem>>
      %dma_start3A_21 = arith.constant 0 : i32
      %dma_start3A_22 = arith.constant 0 : i32
      %dma_start3A_23 = tpu.memref_slice %arg2[%dma_start3A_21, %dma_start3A_22] : memref<10240x64xf32, #tpu.memory_space<hbm>> -> memref<10240x64xf32, #tpu.memory_space<hbm>>
      tpu.enqueue_indirect_dma source(%dma_start3A_23 : memref<10240x64xf32, #tpu.memory_space<hbm>>) target(%arg7 : memref<128x64xf32, #tpu.memory_space<vmem>>) offsets(%dma_start3A_20 : memref<128xi32, #tpu.memory_space<vmem>>) semaphore(%arg9 : memref<!tpu.dma_semaphore, #tpu.memory_space<semaphore_mem>>)
      %dma_wait3A = arith.constant 0 : i32
      %dma_wait3A_24 = tpu.memref_slice %arg5[%mul3A_8, %dma_wait3A] : memref<40x128xi32, #tpu.memory_space<vmem>> -> memref<1x128xi32, #tpu.memory_space<vmem>>
      %dma_wait3A_25 = tpu.memref_squeeze %dma_wait3A_24 : memref<1x128xi32, #tpu.memory_space<vmem>> -> memref<128xi32, #tpu.memory_space<vmem>>
      %dma_wait3A_26 = arith.constant 0 : i32
      %dma_wait3A_27 = arith.constant 0 : i32
      %dma_wait3A_28 = tpu.memref_slice %arg2[%dma_wait3A_26, %dma_wait3A_27] : memref<10240x64xf32, #tpu.memory_space<hbm>> -> memref<10240x64xf32, #tpu.memory_space<hbm>>
      tpu.wait_indirect_dma semaphore(%arg8 : memref<!tpu.dma_semaphore, #tpu.memory_space<semaphore_mem>>) src(%dma_wait3A_28 : memref<10240x64xf32, #tpu.memory_space<hbm>>) dst(%arg6 : memref<128x64xf32, #tpu.memory_space<vmem>>)
      %mul3A_29 = arith.constant 40 : i32
      %mul3A_30 = arith.muli %add3A, %mul3A_29 : i32
      %add3A_31 = arith.addi %mul3A_30, %mul3A_8 : i32
      %mul3A_32 = arith.constant 128 : i32
      %mul3A_33 = arith.muli %add3A_31, %mul3A_32 : i32
      "tpu.region"() ({
        %run_scoped3A = tpu.sem_alloc : memref<!tpu.dma_semaphore, #tpu.memory_space<semaphore_mem>>
        %dma_start3A_45 = arith.constant 0 : i32
        %dma_start3A_46 = tpu.memref_slice %arg4[%mul3A_33, %dma_start3A_45] : memref<163840x64xf32, #tpu.memory_space<hbm>> -> memref<128x64xf32, #tpu.memory_space<hbm>>
        %dma_start3A_47 = arith.constant 0 : i32
        %dma_start3A_48 = tpu.memref_slice %arg4[%mul3A_33, %dma_start3A_47] : memref<163840x64xf32, #tpu.memory_space<hbm>> -> memref<128x64xf32, #tpu.memory_space<hbm>>
        tpu.enqueue_dma source(%arg6 : memref<128x64xf32, #tpu.memory_space<vmem>>) target(%dma_start3A_48 : memref<128x64xf32, #tpu.memory_space<hbm>>) target_semaphore(%run_scoped3A : memref<!tpu.dma_semaphore, #tpu.memory_space<semaphore_mem>>)
        %dma_wait3A_49 = arith.constant 0 : i32
        %dma_wait3A_50 = tpu.memref_slice %arg4[%mul3A_33, %dma_wait3A_49] : memref<163840x64xf32, #tpu.memory_space<hbm>> -> memref<128x64xf32, #tpu.memory_space<hbm>>
        %dma_wait3A_51 = arith.constant 0 : i32
        %dma_wait3A_52 = tpu.memref_slice %arg4[%mul3A_33, %dma_wait3A_51] : memref<163840x64xf32, #tpu.memory_space<hbm>> -> memref<128x64xf32, #tpu.memory_space<hbm>>
        tpu.wait_dma2 semaphore(%run_scoped3A : memref<!tpu.dma_semaphore, #tpu.memory_space<semaphore_mem>>) src(%arg6 : memref<128x64xf32, #tpu.memory_space<vmem>>) dst(%dma_wait3A_52 : memref<128x64xf32, #tpu.memory_space<hbm>>)
        tpu.yield
      }) : () -> ()
      %dma_wait3A_34 = arith.constant 0 : i32
      %dma_wait3A_35 = tpu.memref_slice %arg5[%add3A_12, %dma_wait3A_34] : memref<40x128xi32, #tpu.memory_space<vmem>> -> memref<1x128xi32, #tpu.memory_space<vmem>>
      %dma_wait3A_36 = tpu.memref_squeeze %dma_wait3A_35 : memref<1x128xi32, #tpu.memory_space<vmem>> -> memref<128xi32, #tpu.memory_space<vmem>>
      %dma_wait3A_37 = arith.constant 0 : i32
      %dma_wait3A_38 = arith.constant 0 : i32
      %dma_wait3A_39 = tpu.memref_slice %arg2[%dma_wait3A_37, %dma_wait3A_38] : memref<10240x64xf32, #tpu.memory_space<hbm>> -> memref<10240x64xf32, #tpu.memory_space<hbm>>
      tpu.wait_indirect_dma semaphore(%arg9 : memref<!tpu.dma_semaphore, #tpu.memory_space<semaphore_mem>>) src(%dma_wait3A_39 : memref<10240x64xf32, #tpu.memory_space<hbm>>) dst(%arg7 : memref<128x64xf32, #tpu.memory_space<vmem>>)
      %mul3A_40 = arith.constant 40 : i32
      %mul3A_41 = arith.muli %add3A, %mul3A_40 : i32
      %add3A_42 = arith.addi %mul3A_41, %add3A_12 : i32
      %mul3A_43 = arith.constant 128 : i32
      %mul3A_44 = arith.muli %add3A_42, %mul3A_43 : i32
      "tpu.region"() ({
        %run_scoped3A = tpu.sem_alloc : memref<!tpu.dma_semaphore, #tpu.memory_space<semaphore_mem>>
        %dma_start3A_45 = arith.constant 0 : i32
        %dma_start3A_46 = tpu.memref_slice %arg4[%mul3A_44, %dma_start3A_45] : memref<163840x64xf32, #tpu.memory_space<hbm>> -> memref<128x64xf32, #tpu.memory_space<hbm>>
        %dma_start3A_47 = arith.constant 0 : i32
        %dma_start3A_48 = tpu.memref_slice %arg4[%mul3A_44, %dma_start3A_47] : memref<163840x64xf32, #tpu.memory_space<hbm>> -> memref<128x64xf32, #tpu.memory_space<hbm>>
        tpu.enqueue_dma source(%arg7 : memref<128x64xf32, #tpu.memory_space<vmem>>) target(%dma_start3A_48 : memref<128x64xf32, #tpu.memory_space<hbm>>) target_semaphore(%run_scoped3A : memref<!tpu.dma_semaphore, #tpu.memory_space<semaphore_mem>>)
        %dma_wait3A_49 = arith.constant 0 : i32
        %dma_wait3A_50 = tpu.memref_slice %arg4[%mul3A_44, %dma_wait3A_49] : memref<163840x64xf32, #tpu.memory_space<hbm>> -> memref<128x64xf32, #tpu.memory_space<hbm>>
        %dma_wait3A_51 = arith.constant 0 : i32
        %dma_wait3A_52 = tpu.memref_slice %arg4[%mul3A_44, %dma_wait3A_51] : memref<163840x64xf32, #tpu.memory_space<hbm>> -> memref<128x64xf32, #tpu.memory_space<hbm>>
        tpu.wait_dma2 semaphore(%run_scoped3A : memref<!tpu.dma_semaphore, #tpu.memory_space<semaphore_mem>>) src(%arg7 : memref<128x64xf32, #tpu.memory_space<vmem>>) dst(%dma_wait3A_52 : memref<128x64xf32, #tpu.memory_space<hbm>>)
        tpu.yield
      }) : () -> ()
    }
    %scan3A_5 = arith.constant 20 : i32
    return
  }
}

module attributes {stable_mosaic.version = 14 : i64} {
  func.func @_prep_body(%arg0: memref<10240x4xf32, #tpu.memory_space<vmem>>, %arg1: memref<10240x4xf32, #tpu.memory_space<vmem>>, %arg2: memref<10240x16xf32, #tpu.memory_space<vmem>>) attributes {dimension_semantics = [], scalar_prefetch = 0 : i64, scratch_operands = 0 : i64, tpu.core_type = #tpu.core_type<tc>} {
    %get3A = arith.constant 0 : index
    %get3A_0 = arith.constant 0 : index
    %get3A_1 = vector.load %arg0[%get3A, %get3A_0] : memref<10240x4xf32, #tpu.memory_space<vmem>>, vector<10240x4xf32>
    %get3A_2 = arith.constant 0 : index
    %get3A_3 = arith.constant 0 : index
    %get3A_4 = vector.load %arg1[%get3A_2, %get3A_3] : memref<10240x4xf32, #tpu.memory_space<vmem>>, vector<10240x4xf32>
    %iota3A = tpu.iota {dimensions = array<i32: 1>} : vector<10240x4xi32>
    %eq3A = arith.constant 1 : i32
    %eq3A_5 = vector.broadcast %eq3A : i32 to vector<10240x4xi32>
    %eq3A_6 = arith.cmpi eq, %iota3A, %eq3A_5 : vector<10240x4xi32>
    %jit3A = arith.constant -1.962000e-01 : f32
    %jit3A_7 = arith.constant 0.000000e+00 : f32
    %broadcast_in_dim3A = vector.broadcast %jit3A : f32 to vector<10240x4xf32>
    %broadcast_in_dim3A_8 = vector.broadcast %jit3A_7 : f32 to vector<10240x4xf32>
    %select_n3A = arith.select %eq3A_6, %broadcast_in_dim3A, %broadcast_in_dim3A_8 : vector<10240x4xi1>, vector<10240x4xf32>
    %add3A = arith.addf %get3A_4, %select_n3A : vector<10240x4xf32>
    %add3A_9 = arith.addf %get3A_4, %add3A : vector<10240x4xf32>
    %mul3A = arith.constant 0.00999999977 : f32
    %mul3A_10 = vector.broadcast %mul3A : f32 to vector<10240x4xf32>
    %mul3A_11 = arith.mulf %add3A_9, %mul3A_10 : vector<10240x4xf32>
    %add3A_12 = arith.addf %get3A_1, %mul3A_11 : vector<10240x4xf32>
    %broadcast_in_dim3A_13 = arith.constant 1.000000e+00 : f32
    %broadcast_in_dim3A_14 = vector.broadcast %broadcast_in_dim3A_13 : f32 to vector<10240x1xf32>
    %broadcast_in_dim3A_15 = arith.constant 0.000000e+00 : f32
    %broadcast_in_dim3A_16 = vector.broadcast %broadcast_in_dim3A_15 : f32 to vector<10240x9xf32>
    %slice3A = vector.extract_strided_slice %add3A {offsets = [0, 0], sizes = [10240, 3], strides = [1, 1]} : vector<10240x4xf32> to vector<10240x3xf32>
    %slice3A_17 = vector.extract_strided_slice %add3A_12 {offsets = [0, 0], sizes = [10240, 3], strides = [1, 1]} : vector<10240x4xf32> to vector<10240x3xf32>
    %concatenate3A = tpu.concatenate %broadcast_in_dim3A_14, %slice3A, %slice3A_17, %broadcast_in_dim3A_16 in 1 : vector<10240x1xf32>, vector<10240x3xf32>, vector<10240x3xf32>, vector<10240x9xf32> -> vector<10240x16xf32>
    %swap3A = arith.constant 0 : index
    %swap3A_18 = arith.constant 0 : index
    %swap3A_19 = vector.load %arg2[%swap3A, %swap3A_18] : memref<10240x16xf32, #tpu.memory_space<vmem>>, vector<10240x16xf32>
    tpu.vector_store %arg2[%swap3A, %swap3A_18], %concatenate3A {strides = array<i32>} : memref<10240x16xf32, #tpu.memory_space<vmem>>, vector<10240x16xf32>,
    return
  }
}

module attributes {stable_mosaic.version = 14 : i64} {
  func.func @_layer0_body(%arg0: i32, %arg1: memref<256x16xf32, #tpu.memory_space<vmem>>, %arg2: memref<4096x16xf32, #tpu.memory_space<vmem>>, %arg3: memref<2048x16xf32, #tpu.memory_space<vmem>>, %arg4: memref<256x32xf32, #tpu.memory_space<vmem>>, %arg5: memref<192x32xf32, #tpu.memory_space<vmem>>, %arg6: memref<4x32xf32, #tpu.memory_space<vmem>>, %arg7: memref<1x32xf32, #tpu.memory_space<vmem>>, %arg8: memref<256x96xf32, #tpu.memory_space<vmem>>, %arg9: memref<4096x64xf32, #tpu.memory_space<vmem>>, %arg10: memref<256x1xf32, #tpu.memory_space<vmem>>) attributes {dimension_semantics = [#tpu.dimension_semantics<arbitrary>], iteration_bounds = array<i64: 40>, scalar_prefetch = 0 : i64, scratch_operands = 0 : i64, tpu.core_type = #tpu.core_type<tc>, window_params = [{transform_indices = @transform_0, window_bounds = array<i64: 256, 16>}, {transform_indices = @transform_1, window_bounds = array<i64: 4096, 16>}, {transform_indices = @transform_2, window_bounds = array<i64: 2048, 16>}, {pipeline_mode = #tpu.pipeline_mode<synchronous>, transform_indices = @transform_3, window_bounds = array<i64: 256, 32>}, {pipeline_mode = #tpu.pipeline_mode<synchronous>, transform_indices = @transform_4, window_bounds = array<i64: 192, 32>}, {pipeline_mode = #tpu.pipeline_mode<synchronous>, transform_indices = @transform_5, window_bounds = array<i64: 4, 32>}, {pipeline_mode = #tpu.pipeline_mode<synchronous>, transform_indices = @transform_6, window_bounds = array<i64: 1, 32>}, {transform_indices = @transform_7, window_bounds = array<i64: 256, 96>}, {transform_indices = @transform_8, window_bounds = array<i64: 4096, 64>}, {transform_indices = @transform_9, window_bounds = array<i64: 256, 1>}]} {
    %get3A = arith.constant 0 : index
    %get3A_0 = arith.constant 0 : index
    %get3A_1 = vector.load %arg1[%get3A, %get3A_0] : memref<256x16xf32, #tpu.memory_space<vmem>>, vector<256x16xf32>
    %slice3A = vector.extract_strided_slice %get3A_1 {offsets = [0, 4], sizes = [256, 3], strides = [1, 1]} : vector<256x16xf32> to vector<256x3xf32>
    %get3A_2 = arith.constant 0 : index
    %get3A_3 = arith.constant 0 : index
    %get3A_4 = vector.load %arg2[%get3A_2, %get3A_3] : memref<4096x16xf32, #tpu.memory_space<vmem>>, vector<4096x16xf32>
    %reshape3A = vector.shape_cast %get3A_4 : vector<4096x16xf32> to vector<256x16x16xf32>
    %slice3A_5 = vector.extract_strided_slice %reshape3A {offsets = [0, 0, 4], sizes = [256, 16, 3], strides = [1, 1, 1]} : vector<256x16x16xf32> to vector<256x16x3xf32>
    %broadcast_in_dim3A = vector.shape_cast %slice3A : vector<256x3xf32> to vector<256x1x3xf32>
    %sub3A = vector.broadcast %broadcast_in_dim3A : vector<256x1x3xf32> to vector<256x16x3xf32>
    %sub3A_6 = arith.subf %slice3A_5, %sub3A : vector<256x16x3xf32>
    %mul3A = arith.mulf %sub3A_6, %sub3A_6 : vector<256x16x3xf32>
    %reduce_sum3A = arith.constant dense<0.000000e+00> : vector<256x16xf32>
    %reduce_sum3A_7 = vector.multi_reduction <add>, %mul3A, %reduce_sum3A [2] : vector<256x16x3xf32> to vector<256x16xf32>
    %lt3A = arith.constant 0.01265625 : f32
    %lt3A_8 = vector.broadcast %lt3A : f32 to vector<256x16xf32>
    %lt3A_9 = arith.cmpf olt, %reduce_sum3A_7, %lt3A_8 : vector<256x16xf32>
    %gt3A = arith.constant 9.99999996E-13 : f32
    %gt3A_10 = vector.broadcast %gt3A : f32 to vector<256x16xf32>
    %gt3A_11 = arith.cmpf ogt, %reduce_sum3A_7, %gt3A_10 : vector<256x16xf32>
    %and3A = arith.andi %lt3A_9, %gt3A_11 : vector<256x16xi1>
    %div3A = arith.constant 0.01265625 : f32
    %div3A_12 = vector.broadcast %div3A : f32 to vector<256x16xf32>
    %div3A_13 = arith.divf %reduce_sum3A_7, %div3A_12 : vector<256x16xf32>
    %sub3A_14 = arith.constant 1.000000e+00 : f32
    %sub3A_15 = vector.broadcast %sub3A_14 : f32 to vector<256x16xf32>
    %sub3A_16 = arith.subf %sub3A_15, %div3A_13 : vector<256x16xf32>
    %integer_pow3A = arith.mulf %sub3A_16, %sub3A_16 : vector<256x16xf32>
    %integer_pow3A_17 = arith.mulf %sub3A_16, %integer_pow3A : vector<256x16xf32>
    %jit3A = arith.constant 0.000000e+00 : f32
    %jit3A_18 = arith.constant 1.000000e+00 : f32
    %max3A = vector.broadcast %jit3A : f32 to vector<256x16xf32>
    %max3A_19 = arith.maximumf %max3A, %integer_pow3A_17 : vector<256x16xf32>
    %min3A = vector.broadcast %jit3A_18 : f32 to vector<256x16xf32>
    %min3A_20 = arith.minimumf %min3A, %max3A_19 : vector<256x16xf32>
    %convert_element_type3A = arith.extui %and3A : vector<256x16xi1> to vector<256x16xi32>
    %convert_element_type3A_21 = arith.sitofp %convert_element_type3A : vector<256x16xi32> to vector<256x16xf32>
    %mul3A_22 = arith.mulf %min3A_20, %convert_element_type3A_21 : vector<256x16xf32>
    %mul3A_23 = arith.constant 8.88888931 : f32
    %mul3A_24 = vector.broadcast %mul3A_23 : f32 to vector<256x16x3xf32>
    %mul3A_25 = arith.mulf %sub3A_6, %mul3A_24 : vector<256x16x3xf32>
    %max3A_26 = arith.constant 9.99999968E-21 : f32
    %max3A_27 = vector.broadcast %max3A_26 : f32 to vector<256x16xf32>
    %max3A_28 = arith.maximumf %reduce_sum3A_7, %max3A_27 : vector<256x16xf32>
    %sqrt3A = math.sqrt %max3A_28 : vector<256x16xf32>
    %mul3A_29 = arith.constant 8.88888931 : f32
    %mul3A_30 = vector.broadcast %mul3A_29 : f32 to vector<256x16xf32>
    %mul3A_31 = arith.mulf %sqrt3A, %mul3A_30 : vector<256x16xf32>
    %abs3A = math.absf %mul3A_25 : vector<256x16x3xf32>
    %reduce_max3A = arith.constant dense<0xFF800000> : vector<256x16xf32>
    %reduce_max3A_32 = vector.multi_reduction <maximumf>, %abs3A, %reduce_max3A [2] : vector<256x16x3xf32> to vector<256x16xf32>
    %max3A_33 = arith.constant 9.99999996E-13 : f32
    %max3A_34 = vector.broadcast %max3A_33 : f32 to vector<256x16xf32>
    %max3A_35 = arith.maximumf %reduce_max3A_32, %max3A_34 : vector<256x16xf32>
    %div3A_36 = arith.divf %mul3A_31, %max3A_35 : vector<256x16xf32>
    %broadcast_in_dim3A_37 = vector.shape_cast %div3A_36 : vector<256x16xf32> to vector<256x16x1xf32>
    %mul3A_38 = vector.broadcast %broadcast_in_dim3A_37 : vector<256x16x1xf32> to vector<256x16x3xf32>
    %mul3A_39 = arith.mulf %mul3A_25, %mul3A_38 : vector<256x16x3xf32>
    %mul3A_40 = arith.constant 5.000000e-01 : f32
    %mul3A_41 = vector.broadcast %mul3A_40 : f32 to vector<256x16x3xf32>
    %mul3A_42 = arith.mulf %mul3A_39, %mul3A_41 : vector<256x16x3xf32>
    %add3A = arith.constant 5.000000e-01 : f32
    %add3A_43 = vector.broadcast %add3A : f32 to vector<256x16x3xf32>
    %add3A_44 = arith.addf %mul3A_42, %add3A_43 : vector<256x16x3xf32>
    %mul3A_45 = arith.constant 3.000000e+00 : f32
    %mul3A_46 = vector.broadcast %mul3A_45 : f32 to vector<256x16x3xf32>
    %mul3A_47 = arith.mulf %add3A_44, %mul3A_46 : vector<256x16x3xf32>
    %jit3A_48 = arith.constant 0.000000e+00 : f32
    %jit3A_49 = arith.constant 2.999900e+00 : f32
    %max3A_50 = vector.broadcast %jit3A_48 : f32 to vector<256x16x3xf32>
    %max3A_51 = arith.maximumf %max3A_50, %mul3A_47 : vector<256x16x3xf32>
    %min3A_52 = vector.broadcast %jit3A_49 : f32 to vector<256x16x3xf32>
    %min3A_53 = arith.minimumf %min3A_52, %max3A_51 : vector<256x16x3xf32>
    %floor3A = math.floor %min3A_53 : vector<256x16x3xf32>
    %sub3A_54 = arith.subf %min3A_53, %floor3A : vector<256x16x3xf32>
    %convert_element_type3A_55 = arith.fptosi %floor3A : vector<256x16x3xf32> to vector<256x16x3xi32>
    %slice3A_56 = vector.extract_strided_slice %convert_element_type3A_55 {offsets = [0, 0, 0], sizes = [256, 16, 1], strides = [1, 1, 1]} : vector<256x16x3xi32> to vector<256x16x1xi32>
    %squeeze3A = vector.shape_cast %slice3A_56 : vector<256x16x1xi32> to vector<256x16xi32>
    %mul3A_57 = arith.constant 4 : i32
    %mul3A_58 = vector.broadcast %mul3A_57 : i32 to vector<256x16xi32>
    %mul3A_59 = arith.muli %squeeze3A, %mul3A_58 : vector<256x16xi32>
    %slice3A_60 = vector.extract_strided_slice %convert_element_type3A_55 {offsets = [0, 0, 1], sizes = [256, 16, 1], strides = [1, 1, 1]} : vector<256x16x3xi32> to vector<256x16x1xi32>
    %squeeze3A_61 = vector.shape_cast %slice3A_60 : vector<256x16x1xi32> to vector<256x16xi32>
    %add3A_62 = arith.addi %mul3A_59, %squeeze3A_61 : vector<256x16xi32>
    %mul3A_63 = arith.constant 4 : i32
    %mul3A_64 = vector.broadcast %mul3A_63 : i32 to vector<256x16xi32>
    %mul3A_65 = arith.muli %add3A_62, %mul3A_64 : vector<256x16xi32>
    %slice3A_66 = vector.extract_strided_slice %convert_element_type3A_55 {offsets = [0, 0, 2], sizes = [256, 16, 1], strides = [1, 1, 1]} : vector<256x16x3xi32> to vector<256x16x1xi32>
    %squeeze3A_67 = vector.shape_cast %slice3A_66 : vector<256x16x1xi32> to vector<256x16xi32>
    %add3A_68 = arith.addi %mul3A_65, %squeeze3A_67 : vector<256x16xi32>
    %slice3A_69 = vector.extract_strided_slice %sub3A_54 {offsets = [0, 0, 0], sizes = [256, 16, 1], strides = [1, 1, 1]} : vector<256x16x3xf32> to vector<256x16x1xf32>
    %squeeze3A_70 = vector.shape_cast %slice3A_69 : vector<256x16x1xf32> to vector<256x16xf32>
    %slice3A_71 = vector.extract_strided_slice %sub3A_54 {offsets = [0, 0, 1], sizes = [256, 16, 1], strides = [1, 1, 1]} : vector<256x16x3xf32> to vector<256x16x1xf32>
    %squeeze3A_72 = vector.shape_cast %slice3A_71 : vector<256x16x1xf32> to vector<256x16xf32>
    %slice3A_73 = vector.extract_strided_slice %sub3A_54 {offsets = [0, 0, 2], sizes = [256, 16, 1], strides = [1, 1, 1]} : vector<256x16x3xf32> to vector<256x16x1xf32>
    %squeeze3A_74 = vector.shape_cast %slice3A_73 : vector<256x16x1xf32> to vector<256x16xf32>
    %iota3A = tpu.iota {dimensions = array<i32: 2>} : vector<1x1x64xi32>
    %broadcast_in_dim3A_75 = arith.constant 0.000000e+00 : f32
    %broadcast_in_dim3A_76 = vector.broadcast %broadcast_in_dim3A_75 : f32 to vector<256x16x64xf32>
    %sub3A_77 = arith.constant 1.000000e+00 : f32
    %sub3A_78 = vector.broadcast %sub3A_77 : f32 to vector<256x16xf32>
    %sub3A_79 = arith.subf %sub3A_78, %squeeze3A_70 : vector<256x16xf32>
    %sub3A_80 = arith.constant 1.000000e+00 : f32
    %sub3A_81 = vector.broadcast %sub3A_80 : f32 to vector<256x16xf32>
    %sub3A_82 = arith.subf %sub3A_81, %squeeze3A_72 : vector<256x16xf32>
    %sub3A_83 = arith.constant 1.000000e+00 : f32
    %sub3A_84 = vector.broadcast %sub3A_83 : f32 to vector<256x16xf32>
    %sub3A_85 = arith.subf %sub3A_84, %squeeze3A_74 : vector<256x16xf32>
    %mul3A_86 = arith.mulf %sub3A_79, %sub3A_82 : vector<256x16xf32>
    %mul3A_87 = arith.mulf %mul3A_86, %sub3A_85 : vector<256x16xf32>
    %mul3A_88 = arith.mulf %mul3A_87, %mul3A_22 : vector<256x16xf32>
    %broadcast_in_dim3A_89 = vector.shape_cast %mul3A_88 : vector<256x16xf32> to vector<256x16x1xf32>
    %add3A_90 = arith.constant 0 : i32
    %add3A_91 = vector.broadcast %add3A_90 : i32 to vector<256x16xi32>
    %add3A_92 = arith.addi %add3A_68, %add3A_91 : vector<256x16xi32>
    %add3A_93 = arith.constant 0 : i32
    %add3A_94 = vector.broadcast %add3A_93 : i32 to vector<256x16xi32>
    %add3A_95 = arith.addi %add3A_92, %add3A_94 : vector<256x16xi32>
    %add3A_96 = arith.constant 0 : i32
    %add3A_97 = vector.broadcast %add3A_96 : i32 to vector<256x16xi32>
    %add3A_98 = arith.addi %add3A_95, %add3A_97 : vector<256x16xi32>
    %broadcast_in_dim3A_99 = vector.shape_cast %add3A_98 : vector<256x16xi32> to vector<256x16x1xi32>
    %eq3A = vector.broadcast %broadcast_in_dim3A_99 : vector<256x16x1xi32> to vector<256x16x64xi32>
    %eq3A_100 = vector.broadcast %iota3A : vector<1x1x64xi32> to vector<256x16x64xi32>
    %eq3A_101 = arith.cmpi eq, %eq3A, %eq3A_100 : vector<256x16x64xi32>
    %jit3A_102 = arith.constant 0.000000e+00 : f32
    %broadcast_in_dim3A_103 = vector.shape_cast %broadcast_in_dim3A_89 : vector<256x16x1xf32> to vector<256x16x1xf32>
    %broadcast_in_dim3A_104 = vector.broadcast %broadcast_in_dim3A_103 : vector<256x16x1xf32> to vector<256x16x64xf32>
    %broadcast_in_dim3A_105 = vector.broadcast %jit3A_102 : f32 to vector<256x16x64xf32>
    %select_n3A = arith.select %eq3A_101, %broadcast_in_dim3A_104, %broadcast_in_dim3A_105 : vector<256x16x64xi1>, vector<256x16x64xf32>
    %add3A_106 = arith.addf %broadcast_in_dim3A_76, %select_n3A : vector<256x16x64xf32>
    %mul3A_107 = arith.mulf %sub3A_79, %sub3A_82 : vector<256x16xf32>
    %mul3A_108 = arith.mulf %mul3A_107, %squeeze3A_74 : vector<256x16xf32>
    %mul3A_109 = arith.mulf %mul3A_108, %mul3A_22 : vector<256x16xf32>
    %broadcast_in_dim3A_110 = vector.shape_cast %mul3A_109 : vector<256x16xf32> to vector<256x16x1xf32>
    %add3A_111 = arith.constant 0 : i32
    %add3A_112 = vector.broadcast %add3A_111 : i32 to vector<256x16xi32>
    %add3A_113 = arith.addi %add3A_68, %add3A_112 : vector<256x16xi32>
    %add3A_114 = arith.constant 0 : i32
    %add3A_115 = vector.broadcast %add3A_114 : i32 to vector<256x16xi32>
    %add3A_116 = arith.addi %add3A_113, %add3A_115 : vector<256x16xi32>
    %add3A_117 = arith.constant 1 : i32
    %add3A_118 = vector.broadcast %add3A_117 : i32 to vector<256x16xi32>
    %add3A_119 = arith.addi %add3A_116, %add3A_118 : vector<256x16xi32>
    %broadcast_in_dim3A_120 = vector.shape_cast %add3A_119 : vector<256x16xi32> to vector<256x16x1xi32>
    %eq3A_121 = vector.broadcast %broadcast_in_dim3A_120 : vector<256x16x1xi32> to vector<256x16x64xi32>
    %eq3A_122 = vector.broadcast %iota3A : vector<1x1x64xi32> to vector<256x16x64xi32>
    %eq3A_123 = arith.cmpi eq, %eq3A_121, %eq3A_122 : vector<256x16x64xi32>
    %jit3A_124 = arith.constant 0.000000e+00 : f32
    %broadcast_in_dim3A_125 = vector.shape_cast %broadcast_in_dim3A_110 : vector<256x16x1xf32> to vector<256x16x1xf32>
    %broadcast_in_dim3A_126 = vector.broadcast %broadcast_in_dim3A_125 : vector<256x16x1xf32> to vector<256x16x64xf32>
    %broadcast_in_dim3A_127 = vector.broadcast %jit3A_124 : f32 to vector<256x16x64xf32>
    %select_n3A_128 = arith.select %eq3A_123, %broadcast_in_dim3A_126, %broadcast_in_dim3A_127 : vector<256x16x64xi1>, vector<256x16x64xf32>
    %add3A_129 = arith.addf %add3A_106, %select_n3A_128 : vector<256x16x64xf32>
    %sub3A_130 = arith.constant 1.000000e+00 : f32
    %sub3A_131 = vector.broadcast %sub3A_130 : f32 to vector<256x16xf32>
    %sub3A_132 = arith.subf %sub3A_131, %squeeze3A_74 : vector<256x16xf32>
    %mul3A_133 = arith.mulf %sub3A_79, %squeeze3A_72 : vector<256x16xf32>
    %mul3A_134 = arith.mulf %mul3A_133, %sub3A_132 : vector<256x16xf32>
    %mul3A_135 = arith.mulf %mul3A_134, %mul3A_22 : vector<256x16xf32>
    %broadcast_in_dim3A_136 = vector.shape_cast %mul3A_135 : vector<256x16xf32> to vector<256x16x1xf32>
    %add3A_137 = arith.constant 0 : i32
    %add3A_138 = vector.broadcast %add3A_137 : i32 to vector<256x16xi32>
    %add3A_139 = arith.addi %add3A_68, %add3A_138 : vector<256x16xi32>
    %add3A_140 = arith.constant 4 : i32
    %add3A_141 = vector.broadcast %add3A_140 : i32 to vector<256x16xi32>
    %add3A_142 = arith.addi %add3A_139, %add3A_141 : vector<256x16xi32>
    %add3A_143 = arith.constant 0 : i32
    %add3A_144 = vector.broadcast %add3A_143 : i32 to vector<256x16xi32>
    %add3A_145 = arith.addi %add3A_142, %add3A_144 : vector<256x16xi32>
    %broadcast_in_dim3A_146 = vector.shape_cast %add3A_145 : vector<256x16xi32> to vector<256x16x1xi32>
    %eq3A_147 = vector.broadcast %broadcast_in_dim3A_146 : vector<256x16x1xi32> to vector<256x16x64xi32>
    %eq3A_148 = vector.broadcast %iota3A : vector<1x1x64xi32> to vector<256x16x64xi32>
    %eq3A_149 = arith.cmpi eq, %eq3A_147, %eq3A_148 : vector<256x16x64xi32>
    %jit3A_150 = arith.constant 0.000000e+00 : f32
    %broadcast_in_dim3A_151 = vector.shape_cast %broadcast_in_dim3A_136 : vector<256x16x1xf32> to vector<256x16x1xf32>
    %broadcast_in_dim3A_152 = vector.broadcast %broadcast_in_dim3A_151 : vector<256x16x1xf32> to vector<256x16x64xf32>
    %broadcast_in_dim3A_153 = vector.broadcast %jit3A_150 : f32 to vector<256x16x64xf32>
    %select_n3A_154 = arith.select %eq3A_149, %broadcast_in_dim3A_152, %broadcast_in_dim3A_153 : vector<256x16x64xi1>, vector<256x16x64xf32>
    %add3A_155 = arith.addf %add3A_129, %select_n3A_154 : vector<256x16x64xf32>
    %mul3A_156 = arith.mulf %sub3A_79, %squeeze3A_72 : vector<256x16xf32>
    %mul3A_157 = arith.mulf %mul3A_156, %squeeze3A_74 : vector<256x16xf32>
    %mul3A_158 = arith.mulf %mul3A_157, %mul3A_22 : vector<256x16xf32>
    %broadcast_in_dim3A_159 = vector.shape_cast %mul3A_158 : vector<256x16xf32> to vector<256x16x1xf32>
    %add3A_160 = arith.constant 0 : i32
    %add3A_161 = vector.broadcast %add3A_160 : i32 to vector<256x16xi32>
    %add3A_162 = arith.addi %add3A_68, %add3A_161 : vector<256x16xi32>
    %add3A_163 = arith.constant 4 : i32
    %add3A_164 = vector.broadcast %add3A_163 : i32 to vector<256x16xi32>
    %add3A_165 = arith.addi %add3A_162, %add3A_164 : vector<256x16xi32>
    %add3A_166 = arith.constant 1 : i32
    %add3A_167 = vector.broadcast %add3A_166 : i32 to vector<256x16xi32>
    %add3A_168 = arith.addi %add3A_165, %add3A_167 : vector<256x16xi32>
    %broadcast_in_dim3A_169 = vector.shape_cast %add3A_168 : vector<256x16xi32> to vector<256x16x1xi32>
    %eq3A_170 = vector.broadcast %broadcast_in_dim3A_169 : vector<256x16x1xi32> to vector<256x16x64xi32>
    %eq3A_171 = vector.broadcast %iota3A : vector<1x1x64xi32> to vector<256x16x64xi32>
    %eq3A_172 = arith.cmpi eq, %eq3A_170, %eq3A_171 : vector<256x16x64xi32>
    %jit3A_173 = arith.constant 0.000000e+00 : f32
    %broadcast_in_dim3A_174 = vector.shape_cast %broadcast_in_dim3A_159 : vector<256x16x1xf32> to vector<256x16x1xf32>
    %broadcast_in_dim3A_175 = vector.broadcast %broadcast_in_dim3A_174 : vector<256x16x1xf32> to vector<256x16x64xf32>
    %broadcast_in_dim3A_176 = vector.broadcast %jit3A_173 : f32 to vector<256x16x64xf32>
    %select_n3A_177 = arith.select %eq3A_172, %broadcast_in_dim3A_175, %broadcast_in_dim3A_176 : vector<256x16x64xi1>, vector<256x16x64xf32>
    %add3A_178 = arith.addf %add3A_155, %select_n3A_177 : vector<256x16x64xf32>
    %sub3A_179 = arith.constant 1.000000e+00 : f32
    %sub3A_180 = vector.broadcast %sub3A_179 : f32 to vector<256x16xf32>
    %sub3A_181 = arith.subf %sub3A_180, %squeeze3A_72 : vector<256x16xf32>
    %sub3A_182 = arith.constant 1.000000e+00 : f32
    %sub3A_183 = vector.broadcast %sub3A_182 : f32 to vector<256x16xf32>
    %sub3A_184 = arith.subf %sub3A_183, %squeeze3A_74 : vector<256x16xf32>
    %mul3A_185 = arith.mulf %squeeze3A_70, %sub3A_181 : vector<256x16xf32>
    %mul3A_186 = arith.mulf %mul3A_185, %sub3A_184 : vector<256x16xf32>
    %mul3A_187 = arith.mulf %mul3A_186, %mul3A_22 : vector<256x16xf32>
    %broadcast_in_dim3A_188 = vector.shape_cast %mul3A_187 : vector<256x16xf32> to vector<256x16x1xf32>
    %add3A_189 = arith.constant 16 : i32
    %add3A_190 = vector.broadcast %add3A_189 : i32 to vector<256x16xi32>
    %add3A_191 = arith.addi %add3A_68, %add3A_190 : vector<256x16xi32>
    %add3A_192 = arith.constant 0 : i32
    %add3A_193 = vector.broadcast %add3A_192 : i32 to vector<256x16xi32>
    %add3A_194 = arith.addi %add3A_191, %add3A_193 : vector<256x16xi32>
    %add3A_195 = arith.constant 0 : i32
    %add3A_196 = vector.broadcast %add3A_195 : i32 to vector<256x16xi32>
    %add3A_197 = arith.addi %add3A_194, %add3A_196 : vector<256x16xi32>
    %broadcast_in_dim3A_198 = vector.shape_cast %add3A_197 : vector<256x16xi32> to vector<256x16x1xi32>
    %eq3A_199 = vector.broadcast %broadcast_in_dim3A_198 : vector<256x16x1xi32> to vector<256x16x64xi32>
    %eq3A_200 = vector.broadcast %iota3A : vector<1x1x64xi32> to vector<256x16x64xi32>
    %eq3A_201 = arith.cmpi eq, %eq3A_199, %eq3A_200 : vector<256x16x64xi32>
    %jit3A_202 = arith.constant 0.000000e+00 : f32
    %broadcast_in_dim3A_203 = vector.shape_cast %broadcast_in_dim3A_188 : vector<256x16x1xf32> to vector<256x16x1xf32>
    %broadcast_in_dim3A_204 = vector.broadcast %broadcast_in_dim3A_203 : vector<256x16x1xf32> to vector<256x16x64xf32>
    %broadcast_in_dim3A_205 = vector.broadcast %jit3A_202 : f32 to vector<256x16x64xf32>
    %select_n3A_206 = arith.select %eq3A_201, %broadcast_in_dim3A_204, %broadcast_in_dim3A_205 : vector<256x16x64xi1>, vector<256x16x64xf32>
    %add3A_207 = arith.addf %add3A_178, %select_n3A_206 : vector<256x16x64xf32>
    %mul3A_208 = arith.mulf %squeeze3A_70, %sub3A_181 : vector<256x16xf32>
    %mul3A_209 = arith.mulf %mul3A_208, %squeeze3A_74 : vector<256x16xf32>
    %mul3A_210 = arith.mulf %mul3A_209, %mul3A_22 : vector<256x16xf32>
    %broadcast_in_dim3A_211 = vector.shape_cast %mul3A_210 : vector<256x16xf32> to vector<256x16x1xf32>
    %add3A_212 = arith.constant 16 : i32
    %add3A_213 = vector.broadcast %add3A_212 : i32 to vector<256x16xi32>
    %add3A_214 = arith.addi %add3A_68, %add3A_213 : vector<256x16xi32>
    %add3A_215 = arith.constant 0 : i32
    %add3A_216 = vector.broadcast %add3A_215 : i32 to vector<256x16xi32>
    %add3A_217 = arith.addi %add3A_214, %add3A_216 : vector<256x16xi32>
    %add3A_218 = arith.constant 1 : i32
    %add3A_219 = vector.broadcast %add3A_218 : i32 to vector<256x16xi32>
    %add3A_220 = arith.addi %add3A_217, %add3A_219 : vector<256x16xi32>
    %broadcast_in_dim3A_221 = vector.shape_cast %add3A_220 : vector<256x16xi32> to vector<256x16x1xi32>
    %eq3A_222 = vector.broadcast %broadcast_in_dim3A_221 : vector<256x16x1xi32> to vector<256x16x64xi32>
    %eq3A_223 = vector.broadcast %iota3A : vector<1x1x64xi32> to vector<256x16x64xi32>
    %eq3A_224 = arith.cmpi eq, %eq3A_222, %eq3A_223 : vector<256x16x64xi32>
    %jit3A_225 = arith.constant 0.000000e+00 : f32
    %broadcast_in_dim3A_226 = vector.shape_cast %broadcast_in_dim3A_211 : vector<256x16x1xf32> to vector<256x16x1xf32>
    %broadcast_in_dim3A_227 = vector.broadcast %broadcast_in_dim3A_226 : vector<256x16x1xf32> to vector<256x16x64xf32>
    %broadcast_in_dim3A_228 = vector.broadcast %jit3A_225 : f32 to vector<256x16x64xf32>
    %select_n3A_229 = arith.select %eq3A_224, %broadcast_in_dim3A_227, %broadcast_in_dim3A_228 : vector<256x16x64xi1>, vector<256x16x64xf32>
    %add3A_230 = arith.addf %add3A_207, %select_n3A_229 : vector<256x16x64xf32>
    %sub3A_231 = arith.constant 1.000000e+00 : f32
    %sub3A_232 = vector.broadcast %sub3A_231 : f32 to vector<256x16xf32>
    %sub3A_233 = arith.subf %sub3A_232, %squeeze3A_74 : vector<256x16xf32>
    %mul3A_234 = arith.mulf %squeeze3A_70, %squeeze3A_72 : vector<256x16xf32>
    %mul3A_235 = arith.mulf %mul3A_234, %sub3A_233 : vector<256x16xf32>
    %mul3A_236 = arith.mulf %mul3A_235, %mul3A_22 : vector<256x16xf32>
    %broadcast_in_dim3A_237 = vector.shape_cast %mul3A_236 : vector<256x16xf32> to vector<256x16x1xf32>
    %add3A_238 = arith.constant 16 : i32
    %add3A_239 = vector.broadcast %add3A_238 : i32 to vector<256x16xi32>
    %add3A_240 = arith.addi %add3A_68, %add3A_239 : vector<256x16xi32>
    %add3A_241 = arith.constant 4 : i32
    %add3A_242 = vector.broadcast %add3A_241 : i32 to vector<256x16xi32>
    %add3A_243 = arith.addi %add3A_240, %add3A_242 : vector<256x16xi32>
    %add3A_244 = arith.constant 0 : i32
    %add3A_245 = vector.broadcast %add3A_244 : i32 to vector<256x16xi32>
    %add3A_246 = arith.addi %add3A_243, %add3A_245 : vector<256x16xi32>
    %broadcast_in_dim3A_247 = vector.shape_cast %add3A_246 : vector<256x16xi32> to vector<256x16x1xi32>
    %eq3A_248 = vector.broadcast %broadcast_in_dim3A_247 : vector<256x16x1xi32> to vector<256x16x64xi32>
    %eq3A_249 = vector.broadcast %iota3A : vector<1x1x64xi32> to vector<256x16x64xi32>
    %eq3A_250 = arith.cmpi eq, %eq3A_248, %eq3A_249 : vector<256x16x64xi32>
    %jit3A_251 = arith.constant 0.000000e+00 : f32
    %broadcast_in_dim3A_252 = vector.shape_cast %broadcast_in_dim3A_237 : vector<256x16x1xf32> to vector<256x16x1xf32>
    %broadcast_in_dim3A_253 = vector.broadcast %broadcast_in_dim3A_252 : vector<256x16x1xf32> to vector<256x16x64xf32>
    %broadcast_in_dim3A_254 = vector.broadcast %jit3A_251 : f32 to vector<256x16x64xf32>
    %select_n3A_255 = arith.select %eq3A_250, %broadcast_in_dim3A_253, %broadcast_in_dim3A_254 : vector<256x16x64xi1>, vector<256x16x64xf32>
    %add3A_256 = arith.addf %add3A_230, %select_n3A_255 : vector<256x16x64xf32>
    %mul3A_257 = arith.mulf %squeeze3A_70, %squeeze3A_72 : vector<256x16xf32>
    %mul3A_258 = arith.mulf %mul3A_257, %squeeze3A_74 : vector<256x16xf32>
    %mul3A_259 = arith.mulf %mul3A_258, %mul3A_22 : vector<256x16xf32>
    %broadcast_in_dim3A_260 = vector.shape_cast %mul3A_259 : vector<256x16xf32> to vector<256x16x1xf32>
    %add3A_261 = arith.constant 16 : i32
    %add3A_262 = vector.broadcast %add3A_261 : i32 to vector<256x16xi32>
    %add3A_263 = arith.addi %add3A_68, %add3A_262 : vector<256x16xi32>
    %add3A_264 = arith.constant 4 : i32
    %add3A_265 = vector.broadcast %add3A_264 : i32 to vector<256x16xi32>
    %add3A_266 = arith.addi %add3A_263, %add3A_265 : vector<256x16xi32>
    %add3A_267 = arith.constant 1 : i32
    %add3A_268 = vector.broadcast %add3A_267 : i32 to vector<256x16xi32>
    %add3A_269 = arith.addi %add3A_266, %add3A_268 : vector<256x16xi32>
    %broadcast_in_dim3A_270 = vector.shape_cast %add3A_269 : vector<256x16xi32> to vector<256x16x1xi32>
    %eq3A_271 = vector.broadcast %broadcast_in_dim3A_270 : vector<256x16x1xi32> to vector<256x16x64xi32>
    %eq3A_272 = vector.broadcast %iota3A : vector<1x1x64xi32> to vector<256x16x64xi32>
    %eq3A_273 = arith.cmpi eq, %eq3A_271, %eq3A_272 : vector<256x16x64xi32>
    %jit3A_274 = arith.constant 0.000000e+00 : f32
    %broadcast_in_dim3A_275 = vector.shape_cast %broadcast_in_dim3A_260 : vector<256x16x1xf32> to vector<256x16x1xf32>
    %broadcast_in_dim3A_276 = vector.broadcast %broadcast_in_dim3A_275 : vector<256x16x1xf32> to vector<256x16x64xf32>
    %broadcast_in_dim3A_277 = vector.broadcast %jit3A_274 : f32 to vector<256x16x64xf32>
    %select_n3A_278 = arith.select %eq3A_273, %broadcast_in_dim3A_276, %broadcast_in_dim3A_277 : vector<256x16x64xi1>, vector<256x16x64xf32>
    %add3A_279 = arith.addf %add3A_256, %select_n3A_278 : vector<256x16x64xf32>
    %slice3A_280 = vector.extract_strided_slice %reshape3A {offsets = [0, 0, 0], sizes = [256, 16, 4], strides = [1, 1, 1]} : vector<256x16x16xf32> to vector<256x16x4xf32>
    %dot_general3A = arith.constant dense<0.000000e+00> : vector<256x64x4xf32>
    %dot_general3A_281 = tpu.matmul %add3A_279, %slice3A_280, %dot_general3A {dimension_numbers = #tpu.dot_dimension_numbers<[1], [1], [2], [2], [0, 0, 0, 2, 1, 2], [0], [0]>, transpose_lhs_hint = false} : vector<256x16x64xf32>, vector<256x16x4xf32>, vector<256x64x4xf32> -> vector<256x64x4xf32>
    %reshape3A_282 = vector.shape_cast %dot_general3A_281 : vector<256x64x4xf32> to vector<256x256xf32>
    %get3A_283 = arith.constant 0 : index
    %get3A_284 = arith.constant 0 : index
    %get3A_285 = vector.load %arg4[%get3A_283, %get3A_284] : memref<256x32xf32, #tpu.memory_space<vmem>>, vector<256x32xf32>
    %dot_general3A_286 = arith.constant dense<0.000000e+00> : vector<256x32xf32>
    %dot_general3A_287 = tpu.matmul %reshape3A_282, %get3A_285, %dot_general3A_286 {dimension_numbers = #tpu.dot_dimension_numbers<[1], [0], [0], [1], [0, 0, 1, 1], [], []>, transpose_lhs_hint = false} : vector<256x256xf32>, vector<256x32xf32>, vector<256x32xf32> -> vector<256x32xf32>
    %get3A_288 = arith.constant 0 : index
    %get3A_289 = arith.constant 0 : index
    %get3A_290 = vector.load %arg3[%get3A_288, %get3A_289] : memref<2048x16xf32, #tpu.memory_space<vmem>>, vector<2048x16xf32>
    %reshape3A_291 = vector.shape_cast %get3A_290 : vector<2048x16xf32> to vector<256x8x16xf32>
    %slice3A_292 = vector.extract_strided_slice %reshape3A_291 {offsets = [0, 0, 3], sizes = [256, 8, 3], strides = [1, 1, 1]} : vector<256x8x16xf32> to vector<256x8x3xf32>
    %broadcast_in_dim3A_293 = vector.shape_cast %slice3A : vector<256x3xf32> to vector<256x1x3xf32>
    %sub3A_294 = vector.broadcast %broadcast_in_dim3A_293 : vector<256x1x3xf32> to vector<256x8x3xf32>
    %sub3A_295 = arith.subf %slice3A_292, %sub3A_294 : vector<256x8x3xf32>
    %mul3A_296 = arith.mulf %sub3A_295, %sub3A_295 : vector<256x8x3xf32>
    %reduce_sum3A_297 = arith.constant dense<0.000000e+00> : vector<256x8xf32>
    %reduce_sum3A_298 = vector.multi_reduction <add>, %mul3A_296, %reduce_sum3A_297 [2] : vector<256x8x3xf32> to vector<256x8xf32>
    %lt3A_299 = arith.constant 0.01265625 : f32
    %lt3A_300 = vector.broadcast %lt3A_299 : f32 to vector<256x8xf32>
    %lt3A_301 = arith.cmpf olt, %reduce_sum3A_298, %lt3A_300 : vector<256x8xf32>
    %div3A_302 = arith.constant 0.01265625 : f32
    %div3A_303 = vector.broadcast %div3A_302 : f32 to vector<256x8xf32>
    %div3A_304 = arith.divf %reduce_sum3A_298, %div3A_303 : vector<256x8xf32>
    %sub3A_305 = arith.constant 1.000000e+00 : f32
    %sub3A_306 = vector.broadcast %sub3A_305 : f32 to vector<256x8xf32>
    %sub3A_307 = arith.subf %sub3A_306, %div3A_304 : vector<256x8xf32>
    %integer_pow3A_308 = arith.mulf %sub3A_307, %sub3A_307 : vector<256x8xf32>
    %integer_pow3A_309 = arith.mulf %sub3A_307, %integer_pow3A_308 : vector<256x8xf32>
    %jit3A_310 = arith.constant 0.000000e+00 : f32
    %jit3A_311 = arith.constant 1.000000e+00 : f32
    %max3A_312 = vector.broadcast %jit3A_310 : f32 to vector<256x8xf32>
    %max3A_313 = arith.maximumf %max3A_312, %integer_pow3A_309 : vector<256x8xf32>
    %min3A_314 = vector.broadcast %jit3A_311 : f32 to vector<256x8xf32>
    %min3A_315 = arith.minimumf %min3A_314, %max3A_313 : vector<256x8xf32>
    %convert_element_type3A_316 = arith.extui %lt3A_301 : vector<256x8xi1> to vector<256x8xi32>
    %convert_element_type3A_317 = arith.sitofp %convert_element_type3A_316 : vector<256x8xi32> to vector<256x8xf32>
    %mul3A_318 = arith.mulf %min3A_315, %convert_element_type3A_317 : vector<256x8xf32>
    %mul3A_319 = arith.constant 8.88888931 : f32
    %mul3A_320 = vector.broadcast %mul3A_319 : f32 to vector<256x8x3xf32>
    %mul3A_321 = arith.mulf %sub3A_295, %mul3A_320 : vector<256x8x3xf32>
    %max3A_322 = arith.constant 9.99999968E-21 : f32
    %max3A_323 = vector.broadcast %max3A_322 : f32 to vector<256x8xf32>
    %max3A_324 = arith.maximumf %reduce_sum3A_298, %max3A_323 : vector<256x8xf32>
    %sqrt3A_325 = math.sqrt %max3A_324 : vector<256x8xf32>
    %mul3A_326 = arith.constant 8.88888931 : f32
    %mul3A_327 = vector.broadcast %mul3A_326 : f32 to vector<256x8xf32>
    %mul3A_328 = arith.mulf %sqrt3A_325, %mul3A_327 : vector<256x8xf32>
    %abs3A_329 = math.absf %mul3A_321 : vector<256x8x3xf32>
    %reduce_max3A_330 = arith.constant dense<0xFF800000> : vector<256x8xf32>
    %reduce_max3A_331 = vector.multi_reduction <maximumf>, %abs3A_329, %reduce_max3A_330 [2] : vector<256x8x3xf32> to vector<256x8xf32>
    %max3A_332 = arith.constant 9.99999996E-13 : f32
    %max3A_333 = vector.broadcast %max3A_332 : f32 to vector<256x8xf32>
    %max3A_334 = arith.maximumf %reduce_max3A_331, %max3A_333 : vector<256x8xf32>
    %div3A_335 = arith.divf %mul3A_328, %max3A_334 : vector<256x8xf32>
    %broadcast_in_dim3A_336 = vector.shape_cast %div3A_335 : vector<256x8xf32> to vector<256x8x1xf32>
    %mul3A_337 = vector.broadcast %broadcast_in_dim3A_336 : vector<256x8x1xf32> to vector<256x8x3xf32>
    %mul3A_338 = arith.mulf %mul3A_321, %mul3A_337 : vector<256x8x3xf32>
    %mul3A_339 = arith.constant 5.000000e-01 : f32
    %mul3A_340 = vector.broadcast %mul3A_339 : f32 to vector<256x8x3xf32>
    %mul3A_341 = arith.mulf %mul3A_338, %mul3A_340 : vector<256x8x3xf32>
    %add3A_342 = arith.constant 5.000000e-01 : f32
    %add3A_343 = vector.broadcast %add3A_342 : f32 to vector<256x8x3xf32>
    %add3A_344 = arith.addf %mul3A_341, %add3A_343 : vector<256x8x3xf32>
    %mul3A_345 = arith.constant 3.000000e+00 : f32
    %mul3A_346 = vector.broadcast %mul3A_345 : f32 to vector<256x8x3xf32>
    %mul3A_347 = arith.mulf %add3A_344, %mul3A_346 : vector<256x8x3xf32>
    %jit3A_348 = arith.constant 0.000000e+00 : f32
    %jit3A_349 = arith.constant 2.999900e+00 : f32
    %max3A_350 = vector.broadcast %jit3A_348 : f32 to vector<256x8x3xf32>
    %max3A_351 = arith.maximumf %max3A_350, %mul3A_347 : vector<256x8x3xf32>
    %min3A_352 = vector.broadcast %jit3A_349 : f32 to vector<256x8x3xf32>
    %min3A_353 = arith.minimumf %min3A_352, %max3A_351 : vector<256x8x3xf32>
    %floor3A_354 = math.floor %min3A_353 : vector<256x8x3xf32>
    %sub3A_355 = arith.subf %min3A_353, %floor3A_354 : vector<256x8x3xf32>
    %convert_element_type3A_356 = arith.fptosi %floor3A_354 : vector<256x8x3xf32> to vector<256x8x3xi32>
    %slice3A_357 = vector.extract_strided_slice %convert_element_type3A_356 {offsets = [0, 0, 0], sizes = [256, 8, 1], strides = [1, 1, 1]} : vector<256x8x3xi32> to vector<256x8x1xi32>
    %squeeze3A_358 = vector.shape_cast %slice3A_357 : vector<256x8x1xi32> to vector<256x8xi32>
    %mul3A_359 = arith.constant 4 : i32
    %mul3A_360 = vector.broadcast %mul3A_359 : i32 to vector<256x8xi32>
    %mul3A_361 = arith.muli %squeeze3A_358, %mul3A_360 : vector<256x8xi32>
    %slice3A_362 = vector.extract_strided_slice %convert_element_type3A_356 {offsets = [0, 0, 1], sizes = [256, 8, 1], strides = [1, 1, 1]} : vector<256x8x3xi32> to vector<256x8x1xi32>
    %squeeze3A_363 = vector.shape_cast %slice3A_362 : vector<256x8x1xi32> to vector<256x8xi32>
    %add3A_364 = arith.addi %mul3A_361, %squeeze3A_363 : vector<256x8xi32>
    %mul3A_365 = arith.constant 4 : i32
    %mul3A_366 = vector.broadcast %mul3A_365 : i32 to vector<256x8xi32>
    %mul3A_367 = arith.muli %add3A_364, %mul3A_366 : vector<256x8xi32>
    %slice3A_368 = vector.extract_strided_slice %convert_element_type3A_356 {offsets = [0, 0, 2], sizes = [256, 8, 1], strides = [1, 1, 1]} : vector<256x8x3xi32> to vector<256x8x1xi32>
    %squeeze3A_369 = vector.shape_cast %slice3A_368 : vector<256x8x1xi32> to vector<256x8xi32>
    %add3A_370 = arith.addi %mul3A_367, %squeeze3A_369 : vector<256x8xi32>
    %slice3A_371 = vector.extract_strided_slice %sub3A_355 {offsets = [0, 0, 0], sizes = [256, 8, 1], strides = [1, 1, 1]} : vector<256x8x3xf32> to vector<256x8x1xf32>
    %squeeze3A_372 = vector.shape_cast %slice3A_371 : vector<256x8x1xf32> to vector<256x8xf32>
    %slice3A_373 = vector.extract_strided_slice %sub3A_355 {offsets = [0, 0, 1], sizes = [256, 8, 1], strides = [1, 1, 1]} : vector<256x8x3xf32> to vector<256x8x1xf32>
    %squeeze3A_374 = vector.shape_cast %slice3A_373 : vector<256x8x1xf32> to vector<256x8xf32>
    %slice3A_375 = vector.extract_strided_slice %sub3A_355 {offsets = [0, 0, 2], sizes = [256, 8, 1], strides = [1, 1, 1]} : vector<256x8x3xf32> to vector<256x8x1xf32>
    %squeeze3A_376 = vector.shape_cast %slice3A_375 : vector<256x8x1xf32> to vector<256x8xf32>
    %iota3A_377 = tpu.iota {dimensions = array<i32: 2>} : vector<1x1x64xi32>
    %broadcast_in_dim3A_378 = arith.constant 0.000000e+00 : f32
    %broadcast_in_dim3A_379 = vector.broadcast %broadcast_in_dim3A_378 : f32 to vector<256x8x64xf32>
    %sub3A_380 = arith.constant 1.000000e+00 : f32
    %sub3A_381 = vector.broadcast %sub3A_380 : f32 to vector<256x8xf32>
    %sub3A_382 = arith.subf %sub3A_381, %squeeze3A_372 : vector<256x8xf32>
    %sub3A_383 = arith.constant 1.000000e+00 : f32
    %sub3A_384 = vector.broadcast %sub3A_383 : f32 to vector<256x8xf32>
    %sub3A_385 = arith.subf %sub3A_384, %squeeze3A_374 : vector<256x8xf32>
    %sub3A_386 = arith.constant 1.000000e+00 : f32
    %sub3A_387 = vector.broadcast %sub3A_386 : f32 to vector<256x8xf32>
    %sub3A_388 = arith.subf %sub3A_387, %squeeze3A_376 : vector<256x8xf32>
    %mul3A_389 = arith.mulf %sub3A_382, %sub3A_385 : vector<256x8xf32>
    %mul3A_390 = arith.mulf %mul3A_389, %sub3A_388 : vector<256x8xf32>
    %mul3A_391 = arith.mulf %mul3A_390, %mul3A_318 : vector<256x8xf32>
    %broadcast_in_dim3A_392 = vector.shape_cast %mul3A_391 : vector<256x8xf32> to vector<256x8x1xf32>
    %add3A_393 = arith.constant 0 : i32
    %add3A_394 = vector.broadcast %add3A_393 : i32 to vector<256x8xi32>
    %add3A_395 = arith.addi %add3A_370, %add3A_394 : vector<256x8xi32>
    %add3A_396 = arith.constant 0 : i32
    %add3A_397 = vector.broadcast %add3A_396 : i32 to vector<256x8xi32>
    %add3A_398 = arith.addi %add3A_395, %add3A_397 : vector<256x8xi32>
    %add3A_399 = arith.constant 0 : i32
    %add3A_400 = vector.broadcast %add3A_399 : i32 to vector<256x8xi32>
    %add3A_401 = arith.addi %add3A_398, %add3A_400 : vector<256x8xi32>
    %broadcast_in_dim3A_402 = vector.shape_cast %add3A_401 : vector<256x8xi32> to vector<256x8x1xi32>
    %eq3A_403 = vector.broadcast %broadcast_in_dim3A_402 : vector<256x8x1xi32> to vector<256x8x64xi32>
    %eq3A_404 = vector.broadcast %iota3A_377 : vector<1x1x64xi32> to vector<256x8x64xi32>
    %eq3A_405 = arith.cmpi eq, %eq3A_403, %eq3A_404 : vector<256x8x64xi32>
    %jit3A_406 = arith.constant 0.000000e+00 : f32
    %broadcast_in_dim3A_407 = vector.shape_cast %broadcast_in_dim3A_392 : vector<256x8x1xf32> to vector<256x8x1xf32>
    %broadcast_in_dim3A_408 = vector.broadcast %broadcast_in_dim3A_407 : vector<256x8x1xf32> to vector<256x8x64xf32>
    %broadcast_in_dim3A_409 = vector.broadcast %jit3A_406 : f32 to vector<256x8x64xf32>
    %select_n3A_410 = arith.select %eq3A_405, %broadcast_in_dim3A_408, %broadcast_in_dim3A_409 : vector<256x8x64xi1>, vector<256x8x64xf32>
    %add3A_411 = arith.addf %broadcast_in_dim3A_379, %select_n3A_410 : vector<256x8x64xf32>
    %mul3A_412 = arith.mulf %sub3A_382, %sub3A_385 : vector<256x8xf32>
    %mul3A_413 = arith.mulf %mul3A_412, %squeeze3A_376 : vector<256x8xf32>
    %mul3A_414 = arith.mulf %mul3A_413, %mul3A_318 : vector<256x8xf32>
    %broadcast_in_dim3A_415 = vector.shape_cast %mul3A_414 : vector<256x8xf32> to vector<256x8x1xf32>
    %add3A_416 = arith.constant 0 : i32
    %add3A_417 = vector.broadcast %add3A_416 : i32 to vector<256x8xi32>
    %add3A_418 = arith.addi %add3A_370, %add3A_417 : vector<256x8xi32>
    %add3A_419 = arith.constant 0 : i32
    %add3A_420 = vector.broadcast %add3A_419 : i32 to vector<256x8xi32>
    %add3A_421 = arith.addi %add3A_418, %add3A_420 : vector<256x8xi32>
    %add3A_422 = arith.constant 1 : i32
    %add3A_423 = vector.broadcast %add3A_422 : i32 to vector<256x8xi32>
    %add3A_424 = arith.addi %add3A_421, %add3A_423 : vector<256x8xi32>
    %broadcast_in_dim3A_425 = vector.shape_cast %add3A_424 : vector<256x8xi32> to vector<256x8x1xi32>
    %eq3A_426 = vector.broadcast %broadcast_in_dim3A_425 : vector<256x8x1xi32> to vector<256x8x64xi32>
    %eq3A_427 = vector.broadcast %iota3A_377 : vector<1x1x64xi32> to vector<256x8x64xi32>
    %eq3A_428 = arith.cmpi eq, %eq3A_426, %eq3A_427 : vector<256x8x64xi32>
    %jit3A_429 = arith.constant 0.000000e+00 : f32
    %broadcast_in_dim3A_430 = vector.shape_cast %broadcast_in_dim3A_415 : vector<256x8x1xf32> to vector<256x8x1xf32>
    %broadcast_in_dim3A_431 = vector.broadcast %broadcast_in_dim3A_430 : vector<256x8x1xf32> to vector<256x8x64xf32>
    %broadcast_in_dim3A_432 = vector.broadcast %jit3A_429 : f32 to vector<256x8x64xf32>
    %select_n3A_433 = arith.select %eq3A_428, %broadcast_in_dim3A_431, %broadcast_in_dim3A_432 : vector<256x8x64xi1>, vector<256x8x64xf32>
    %add3A_434 = arith.addf %add3A_411, %select_n3A_433 : vector<256x8x64xf32>
    %sub3A_435 = arith.constant 1.000000e+00 : f32
    %sub3A_436 = vector.broadcast %sub3A_435 : f32 to vector<256x8xf32>
    %sub3A_437 = arith.subf %sub3A_436, %squeeze3A_376 : vector<256x8xf32>
    %mul3A_438 = arith.mulf %sub3A_382, %squeeze3A_374 : vector<256x8xf32>
    %mul3A_439 = arith.mulf %mul3A_438, %sub3A_437 : vector<256x8xf32>
    %mul3A_440 = arith.mulf %mul3A_439, %mul3A_318 : vector<256x8xf32>
    %broadcast_in_dim3A_441 = vector.shape_cast %mul3A_440 : vector<256x8xf32> to vector<256x8x1xf32>
    %add3A_442 = arith.constant 0 : i32
    %add3A_443 = vector.broadcast %add3A_442 : i32 to vector<256x8xi32>
    %add3A_444 = arith.addi %add3A_370, %add3A_443 : vector<256x8xi32>
    %add3A_445 = arith.constant 4 : i32
    %add3A_446 = vector.broadcast %add3A_445 : i32 to vector<256x8xi32>
    %add3A_447 = arith.addi %add3A_444, %add3A_446 : vector<256x8xi32>
    %add3A_448 = arith.constant 0 : i32
    %add3A_449 = vector.broadcast %add3A_448 : i32 to vector<256x8xi32>
    %add3A_450 = arith.addi %add3A_447, %add3A_449 : vector<256x8xi32>
    %broadcast_in_dim3A_451 = vector.shape_cast %add3A_450 : vector<256x8xi32> to vector<256x8x1xi32>
    %eq3A_452 = vector.broadcast %broadcast_in_dim3A_451 : vector<256x8x1xi32> to vector<256x8x64xi32>
    %eq3A_453 = vector.broadcast %iota3A_377 : vector<1x1x64xi32> to vector<256x8x64xi32>
    %eq3A_454 = arith.cmpi eq, %eq3A_452, %eq3A_453 : vector<256x8x64xi32>
    %jit3A_455 = arith.constant 0.000000e+00 : f32
    %broadcast_in_dim3A_456 = vector.shape_cast %broadcast_in_dim3A_441 : vector<256x8x1xf32> to vector<256x8x1xf32>
    %broadcast_in_dim3A_457 = vector.broadcast %broadcast_in_dim3A_456 : vector<256x8x1xf32> to vector<256x8x64xf32>
    %broadcast_in_dim3A_458 = vector.broadcast %jit3A_455 : f32 to vector<256x8x64xf32>
    %select_n3A_459 = arith.select %eq3A_454, %broadcast_in_dim3A_457, %broadcast_in_dim3A_458 : vector<256x8x64xi1>, vector<256x8x64xf32>
    %add3A_460 = arith.addf %add3A_434, %select_n3A_459 : vector<256x8x64xf32>
    %mul3A_461 = arith.mulf %sub3A_382, %squeeze3A_374 : vector<256x8xf32>
    %mul3A_462 = arith.mulf %mul3A_461, %squeeze3A_376 : vector<256x8xf32>
    %mul3A_463 = arith.mulf %mul3A_462, %mul3A_318 : vector<256x8xf32>
    %broadcast_in_dim3A_464 = vector.shape_cast %mul3A_463 : vector<256x8xf32> to vector<256x8x1xf32>
    %add3A_465 = arith.constant 0 : i32
    %add3A_466 = vector.broadcast %add3A_465 : i32 to vector<256x8xi32>
    %add3A_467 = arith.addi %add3A_370, %add3A_466 : vector<256x8xi32>
    %add3A_468 = arith.constant 4 : i32
    %add3A_469 = vector.broadcast %add3A_468 : i32 to vector<256x8xi32>
    %add3A_470 = arith.addi %add3A_467, %add3A_469 : vector<256x8xi32>
    %add3A_471 = arith.constant 1 : i32
    %add3A_472 = vector.broadcast %add3A_471 : i32 to vector<256x8xi32>
    %add3A_473 = arith.addi %add3A_470, %add3A_472 : vector<256x8xi32>
    %broadcast_in_dim3A_474 = vector.shape_cast %add3A_473 : vector<256x8xi32> to vector<256x8x1xi32>
    %eq3A_475 = vector.broadcast %broadcast_in_dim3A_474 : vector<256x8x1xi32> to vector<256x8x64xi32>
    %eq3A_476 = vector.broadcast %iota3A_377 : vector<1x1x64xi32> to vector<256x8x64xi32>
    %eq3A_477 = arith.cmpi eq, %eq3A_475, %eq3A_476 : vector<256x8x64xi32>
    %jit3A_478 = arith.constant 0.000000e+00 : f32
    %broadcast_in_dim3A_479 = vector.shape_cast %broadcast_in_dim3A_464 : vector<256x8x1xf32> to vector<256x8x1xf32>
    %broadcast_in_dim3A_480 = vector.broadcast %broadcast_in_dim3A_479 : vector<256x8x1xf32> to vector<256x8x64xf32>
    %broadcast_in_dim3A_481 = vector.broadcast %jit3A_478 : f32 to vector<256x8x64xf32>
    %select_n3A_482 = arith.select %eq3A_477, %broadcast_in_dim3A_480, %broadcast_in_dim3A_481 : vector<256x8x64xi1>, vector<256x8x64xf32>
    %add3A_483 = arith.addf %add3A_460, %select_n3A_482 : vector<256x8x64xf32>
    %sub3A_484 = arith.constant 1.000000e+00 : f32
    %sub3A_485 = vector.broadcast %sub3A_484 : f32 to vector<256x8xf32>
    %sub3A_486 = arith.subf %sub3A_485, %squeeze3A_374 : vector<256x8xf32>
    %sub3A_487 = arith.constant 1.000000e+00 : f32
    %sub3A_488 = vector.broadcast %sub3A_487 : f32 to vector<256x8xf32>
    %sub3A_489 = arith.subf %sub3A_488, %squeeze3A_376 : vector<256x8xf32>
    %mul3A_490 = arith.mulf %squeeze3A_372, %sub3A_486 : vector<256x8xf32>
    %mul3A_491 = arith.mulf %mul3A_490, %sub3A_489 : vector<256x8xf32>
    %mul3A_492 = arith.mulf %mul3A_491, %mul3A_318 : vector<256x8xf32>
    %broadcast_in_dim3A_493 = vector.shape_cast %mul3A_492 : vector<256x8xf32> to vector<256x8x1xf32>
    %add3A_494 = arith.constant 16 : i32
    %add3A_495 = vector.broadcast %add3A_494 : i32 to vector<256x8xi32>
    %add3A_496 = arith.addi %add3A_370, %add3A_495 : vector<256x8xi32>
    %add3A_497 = arith.constant 0 : i32
    %add3A_498 = vector.broadcast %add3A_497 : i32 to vector<256x8xi32>
    %add3A_499 = arith.addi %add3A_496, %add3A_498 : vector<256x8xi32>
    %add3A_500 = arith.constant 0 : i32
    %add3A_501 = vector.broadcast %add3A_500 : i32 to vector<256x8xi32>
    %add3A_502 = arith.addi %add3A_499, %add3A_501 : vector<256x8xi32>
    %broadcast_in_dim3A_503 = vector.shape_cast %add3A_502 : vector<256x8xi32> to vector<256x8x1xi32>
    %eq3A_504 = vector.broadcast %broadcast_in_dim3A_503 : vector<256x8x1xi32> to vector<256x8x64xi32>
    %eq3A_505 = vector.broadcast %iota3A_377 : vector<1x1x64xi32> to vector<256x8x64xi32>
    %eq3A_506 = arith.cmpi eq, %eq3A_504, %eq3A_505 : vector<256x8x64xi32>
    %jit3A_507 = arith.constant 0.000000e+00 : f32
    %broadcast_in_dim3A_508 = vector.shape_cast %broadcast_in_dim3A_493 : vector<256x8x1xf32> to vector<256x8x1xf32>
    %broadcast_in_dim3A_509 = vector.broadcast %broadcast_in_dim3A_508 : vector<256x8x1xf32> to vector<256x8x64xf32>
    %broadcast_in_dim3A_510 = vector.broadcast %jit3A_507 : f32 to vector<256x8x64xf32>
    %select_n3A_511 = arith.select %eq3A_506, %broadcast_in_dim3A_509, %broadcast_in_dim3A_510 : vector<256x8x64xi1>, vector<256x8x64xf32>
    %add3A_512 = arith.addf %add3A_483, %select_n3A_511 : vector<256x8x64xf32>
    %mul3A_513 = arith.mulf %squeeze3A_372, %sub3A_486 : vector<256x8xf32>
    %mul3A_514 = arith.mulf %mul3A_513, %squeeze3A_376 : vector<256x8xf32>
    %mul3A_515 = arith.mulf %mul3A_514, %mul3A_318 : vector<256x8xf32>
    %broadcast_in_dim3A_516 = vector.shape_cast %mul3A_515 : vector<256x8xf32> to vector<256x8x1xf32>
    %add3A_517 = arith.constant 16 : i32
    %add3A_518 = vector.broadcast %add3A_517 : i32 to vector<256x8xi32>
    %add3A_519 = arith.addi %add3A_370, %add3A_518 : vector<256x8xi32>
    %add3A_520 = arith.constant 0 : i32
    %add3A_521 = vector.broadcast %add3A_520 : i32 to vector<256x8xi32>
    %add3A_522 = arith.addi %add3A_519, %add3A_521 : vector<256x8xi32>
    %add3A_523 = arith.constant 1 : i32
    %add3A_524 = vector.broadcast %add3A_523 : i32 to vector<256x8xi32>
    %add3A_525 = arith.addi %add3A_522, %add3A_524 : vector<256x8xi32>
    %broadcast_in_dim3A_526 = vector.shape_cast %add3A_525 : vector<256x8xi32> to vector<256x8x1xi32>
    %eq3A_527 = vector.broadcast %broadcast_in_dim3A_526 : vector<256x8x1xi32> to vector<256x8x64xi32>
    %eq3A_528 = vector.broadcast %iota3A_377 : vector<1x1x64xi32> to vector<256x8x64xi32>
    %eq3A_529 = arith.cmpi eq, %eq3A_527, %eq3A_528 : vector<256x8x64xi32>
    %jit3A_530 = arith.constant 0.000000e+00 : f32
    %broadcast_in_dim3A_531 = vector.shape_cast %broadcast_in_dim3A_516 : vector<256x8x1xf32> to vector<256x8x1xf32>
    %broadcast_in_dim3A_532 = vector.broadcast %broadcast_in_dim3A_531 : vector<256x8x1xf32> to vector<256x8x64xf32>
    %broadcast_in_dim3A_533 = vector.broadcast %jit3A_530 : f32 to vector<256x8x64xf32>
    %select_n3A_534 = arith.select %eq3A_529, %broadcast_in_dim3A_532, %broadcast_in_dim3A_533 : vector<256x8x64xi1>, vector<256x8x64xf32>
    %add3A_535 = arith.addf %add3A_512, %select_n3A_534 : vector<256x8x64xf32>
    %sub3A_536 = arith.constant 1.000000e+00 : f32
    %sub3A_537 = vector.broadcast %sub3A_536 : f32 to vector<256x8xf32>
    %sub3A_538 = arith.subf %sub3A_537, %squeeze3A_376 : vector<256x8xf32>
    %mul3A_539 = arith.mulf %squeeze3A_372, %squeeze3A_374 : vector<256x8xf32>
    %mul3A_540 = arith.mulf %mul3A_539, %sub3A_538 : vector<256x8xf32>
    %mul3A_541 = arith.mulf %mul3A_540, %mul3A_318 : vector<256x8xf32>
    %broadcast_in_dim3A_542 = vector.shape_cast %mul3A_541 : vector<256x8xf32> to vector<256x8x1xf32>
    %add3A_543 = arith.constant 16 : i32
    %add3A_544 = vector.broadcast %add3A_543 : i32 to vector<256x8xi32>
    %add3A_545 = arith.addi %add3A_370, %add3A_544 : vector<256x8xi32>
    %add3A_546 = arith.constant 4 : i32
    %add3A_547 = vector.broadcast %add3A_546 : i32 to vector<256x8xi32>
    %add3A_548 = arith.addi %add3A_545, %add3A_547 : vector<256x8xi32>
    %add3A_549 = arith.constant 0 : i32
    %add3A_550 = vector.broadcast %add3A_549 : i32 to vector<256x8xi32>
    %add3A_551 = arith.addi %add3A_548, %add3A_550 : vector<256x8xi32>
    %broadcast_in_dim3A_552 = vector.shape_cast %add3A_551 : vector<256x8xi32> to vector<256x8x1xi32>
    %eq3A_553 = vector.broadcast %broadcast_in_dim3A_552 : vector<256x8x1xi32> to vector<256x8x64xi32>
    %eq3A_554 = vector.broadcast %iota3A_377 : vector<1x1x64xi32> to vector<256x8x64xi32>
    %eq3A_555 = arith.cmpi eq, %eq3A_553, %eq3A_554 : vector<256x8x64xi32>
    %jit3A_556 = arith.constant 0.000000e+00 : f32
    %broadcast_in_dim3A_557 = vector.shape_cast %broadcast_in_dim3A_542 : vector<256x8x1xf32> to vector<256x8x1xf32>
    %broadcast_in_dim3A_558 = vector.broadcast %broadcast_in_dim3A_557 : vector<256x8x1xf32> to vector<256x8x64xf32>
    %broadcast_in_dim3A_559 = vector.broadcast %jit3A_556 : f32 to vector<256x8x64xf32>
    %select_n3A_560 = arith.select %eq3A_555, %broadcast_in_dim3A_558, %broadcast_in_dim3A_559 : vector<256x8x64xi1>, vector<256x8x64xf32>
    %add3A_561 = arith.addf %add3A_535, %select_n3A_560 : vector<256x8x64xf32>
    %mul3A_562 = arith.mulf %squeeze3A_372, %squeeze3A_374 : vector<256x8xf32>
    %mul3A_563 = arith.mulf %mul3A_562, %squeeze3A_376 : vector<256x8xf32>
    %mul3A_564 = arith.mulf %mul3A_563, %mul3A_318 : vector<256x8xf32>
    %broadcast_in_dim3A_565 = vector.shape_cast %mul3A_564 : vector<256x8xf32> to vector<256x8x1xf32>
    %add3A_566 = arith.constant 16 : i32
    %add3A_567 = vector.broadcast %add3A_566 : i32 to vector<256x8xi32>
    %add3A_568 = arith.addi %add3A_370, %add3A_567 : vector<256x8xi32>
    %add3A_569 = arith.constant 4 : i32
    %add3A_570 = vector.broadcast %add3A_569 : i32 to vector<256x8xi32>
    %add3A_571 = arith.addi %add3A_568, %add3A_570 : vector<256x8xi32>
    %add3A_572 = arith.constant 1 : i32
    %add3A_573 = vector.broadcast %add3A_572 : i32 to vector<256x8xi32>
    %add3A_574 = arith.addi %add3A_571, %add3A_573 : vector<256x8xi32>
    %broadcast_in_dim3A_575 = vector.shape_cast %add3A_574 : vector<256x8xi32> to vector<256x8x1xi32>
    %eq3A_576 = vector.broadcast %broadcast_in_dim3A_575 : vector<256x8x1xi32> to vector<256x8x64xi32>
    %eq3A_577 = vector.broadcast %iota3A_377 : vector<1x1x64xi32> to vector<256x8x64xi32>
    %eq3A_578 = arith.cmpi eq, %eq3A_576, %eq3A_577 : vector<256x8x64xi32>
    %jit3A_579 = arith.constant 0.000000e+00 : f32
    %broadcast_in_dim3A_580 = vector.shape_cast %broadcast_in_dim3A_565 : vector<256x8x1xf32> to vector<256x8x1xf32>
    %broadcast_in_dim3A_581 = vector.broadcast %broadcast_in_dim3A_580 : vector<256x8x1xf32> to vector<256x8x64xf32>
    %broadcast_in_dim3A_582 = vector.broadcast %jit3A_579 : f32 to vector<256x8x64xf32>
    %select_n3A_583 = arith.select %eq3A_578, %broadcast_in_dim3A_581, %broadcast_in_dim3A_582 : vector<256x8x64xi1>, vector<256x8x64xf32>
    %add3A_584 = arith.addf %add3A_561, %select_n3A_583 : vector<256x8x64xf32>
    %slice3A_585 = vector.extract_strided_slice %reshape3A_291 {offsets = [0, 0, 0], sizes = [256, 8, 3], strides = [1, 1, 1]} : vector<256x8x16xf32> to vector<256x8x3xf32>
    %dot_general3A_586 = arith.constant dense<0.000000e+00> : vector<256x64x3xf32>
    %dot_general3A_587 = tpu.matmul %add3A_584, %slice3A_585, %dot_general3A_586 {dimension_numbers = #tpu.dot_dimension_numbers<[1], [1], [2], [2], [0, 0, 0, 2, 1, 2], [0], [0]>, transpose_lhs_hint = false} : vector<256x8x64xf32>, vector<256x8x3xf32>, vector<256x64x3xf32> -> vector<256x64x3xf32>
    %reshape3A_588 = vector.shape_cast %dot_general3A_587 : vector<256x64x3xf32> to vector<256x192xf32>
    %get3A_589 = arith.constant 0 : index
    %get3A_590 = arith.constant 0 : index
    %get3A_591 = vector.load %arg5[%get3A_589, %get3A_590] : memref<192x32xf32, #tpu.memory_space<vmem>>, vector<192x32xf32>
    %dot_general3A_592 = arith.constant dense<0.000000e+00> : vector<256x32xf32>
    %dot_general3A_593 = tpu.matmul %reshape3A_588, %get3A_591, %dot_general3A_592 {dimension_numbers = #tpu.dot_dimension_numbers<[1], [0], [0], [1], [0, 0, 1, 1], [], []>, transpose_lhs_hint = false} : vector<256x192xf32>, vector<192x32xf32>, vector<256x32xf32> -> vector<256x32xf32>
    %slice3A_594 = vector.extract_strided_slice %get3A_1 {offsets = [0, 0], sizes = [256, 4], strides = [1, 1]} : vector<256x16xf32> to vector<256x4xf32>
    %get3A_595 = arith.constant 0 : index
    %get3A_596 = arith.constant 0 : index
    %get3A_597 = vector.load %arg6[%get3A_595, %get3A_596] : memref<4x32xf32, #tpu.memory_space<vmem>>, vector<4x32xf32>
    %dot_general3A_598 = arith.constant dense<0.000000e+00> : vector<256x32xf32>
    %dot_general3A_599 = tpu.matmul %slice3A_594, %get3A_597, %dot_general3A_598 {dimension_numbers = #tpu.dot_dimension_numbers<[1], [0], [0], [1], [0, 0, 1, 1], [], []>, transpose_lhs_hint = false} : vector<256x4xf32>, vector<4x32xf32>, vector<256x32xf32> -> vector<256x32xf32>
    %get3A_600 = arith.constant 0 : index
    %get3A_601 = arith.constant 0 : index
    %get3A_602 = vector.load %arg7[%get3A_600, %get3A_601] : memref<1x32xf32, #tpu.memory_space<vmem>>, vector<1x32xf32>
    %add3A_603 = vector.broadcast %get3A_602 : vector<1x32xf32> to vector<256x32xf32>
    %add3A_604 = arith.addf %dot_general3A_599, %add3A_603 : vector<256x32xf32>
    %concatenate3A = tpu.concatenate %dot_general3A_593, %dot_general3A_287, %add3A_604 in 1 : vector<256x32xf32>, vector<256x32xf32>, vector<256x32xf32> -> vector<256x96xf32>
    %max3A_605 = arith.constant 0.000000e+00 : f32
    %max3A_606 = vector.broadcast %max3A_605 : f32 to vector<256x96xf32>
    %max3A_607 = arith.maximumf %concatenate3A, %max3A_606 : vector<256x96xf32>
    %swap3A = arith.constant 0 : index
    %swap3A_608 = arith.constant 0 : index
    %swap3A_609 = vector.load %arg8[%swap3A, %swap3A_608] : memref<256x96xf32, #tpu.memory_space<vmem>>, vector<256x96xf32>
    tpu.vector_store %arg8[%swap3A, %swap3A_608], %max3A_607 {strides = array<i32>} : memref<256x96xf32, #tpu.memory_space<vmem>>, vector<256x96xf32>,
    %reshape3A_610 = vector.shape_cast %add3A_279 : vector<256x16x64xf32> to vector<4096x64xf32>
    %swap3A_611 = arith.constant 0 : index
    %swap3A_612 = arith.constant 0 : index
    %swap3A_613 = vector.load %arg9[%swap3A_611, %swap3A_612] : memref<4096x64xf32, #tpu.memory_space<vmem>>, vector<4096x64xf32>
    tpu.vector_store %arg9[%swap3A_611, %swap3A_612], %reshape3A_610 {strides = array<i32>} : memref<4096x64xf32, #tpu.memory_space<vmem>>, vector<4096x64xf32>,
    %convert_element_type3A_614 = arith.extui %and3A : vector<256x16xi1> to vector<256x16xi32>
    %convert_element_type3A_615 = arith.sitofp %convert_element_type3A_614 : vector<256x16xi32> to vector<256x16xf32>
    %reduce_sum3A_616 = arith.constant dense<0.000000e+00> : vector<256xf32>
    %reduce_sum3A_617 = vector.multi_reduction <add>, %convert_element_type3A_615, %reduce_sum3A_616 [1] : vector<256x16xf32> to vector<256xf32>
    %broadcast_in_dim3A_618 = vector.shape_cast %reduce_sum3A_617 : vector<256xf32> to vector<256x1xf32>
    %swap3A_619 = arith.constant 0 : index
    %swap3A_620 = arith.constant 0 : index
    %swap3A_621 = vector.load %arg10[%swap3A_619, %swap3A_620] : memref<256x1xf32, #tpu.memory_space<vmem>>, vector<256x1xf32>
    tpu.vector_store %arg10[%swap3A_619, %swap3A_620], %broadcast_in_dim3A_618 {strides = array<i32>} : memref<256x1xf32, #tpu.memory_space<vmem>>, vector<256x1xf32>,
    return
  }
  func.func @transform_0(%arg0: i32) -> (i32, i32) {
    %c0_i32 = arith.constant 0 : i32
    %c0_i32_0 = arith.constant 0 : i32
    return %arg0, %c0_i32 : i32, i32
  }
  func.func @transform_1(%arg0: i32) -> (i32, i32) {
    %c0_i32 = arith.constant 0 : i32
    %c0_i32_0 = arith.constant 0 : i32
    return %arg0, %c0_i32 : i32, i32
  }
  func.func @transform_2(%arg0: i32) -> (i32, i32) {
    %c0_i32 = arith.constant 0 : i32
    %c0_i32_0 = arith.constant 0 : i32
    return %arg0, %c0_i32 : i32, i32
  }
  func.func @transform_3(%arg0: i32) -> (i32, i32) {
    %c0_i32 = arith.constant 0 : i32
    %c0_i32_0 = arith.constant 0 : i32
    %c0_i32_1 = arith.constant 0 : i32
    return %c0_i32, %c0_i32_0 : i32, i32
  }
  func.func @transform_4(%arg0: i32) -> (i32, i32) {
    %c0_i32 = arith.constant 0 : i32
    %c0_i32_0 = arith.constant 0 : i32
    %c0_i32_1 = arith.constant 0 : i32
    return %c0_i32, %c0_i32_0 : i32, i32
  }
  func.func @transform_5(%arg0: i32) -> (i32, i32) {
    %c0_i32 = arith.constant 0 : i32
    %c0_i32_0 = arith.constant 0 : i32
    %c0_i32_1 = arith.constant 0 : i32
    return %c0_i32, %c0_i32_0 : i32, i32
  }
  func.func @transform_6(%arg0: i32) -> (i32, i32) {
    %c0_i32 = arith.constant 0 : i32
    %c0_i32_0 = arith.constant 0 : i32
    %c0_i32_1 = arith.constant 0 : i32
    return %c0_i32, %c0_i32_0 : i32, i32
  }
  func.func @transform_7(%arg0: i32) -> (i32, i32) {
    %c0_i32 = arith.constant 0 : i32
    %c0_i32_0 = arith.constant 0 : i32
    return %arg0, %c0_i32 : i32, i32
  }
  func.func @transform_8(%arg0: i32) -> (i32, i32) {
    %c0_i32 = arith.constant 0 : i32
    %c0_i32_0 = arith.constant 0 : i32
    return %arg0, %c0_i32 : i32, i32
  }
  func.func @transform_9(%arg0: i32) -> (i32, i32) {
    %c0_i32 = arith.constant 0 : i32
    %c0_i32_0 = arith.constant 0 : i32
    return %arg0, %c0_i32 : i32, i32
  }
}

module attributes {stable_mosaic.version = 14 : i64} {
  func.func @body(%arg0: i32, %arg1: memref<4096x96xf32, #tpu.memory_space<vmem>>, %arg2: memref<4096x64xf32, #tpu.memory_space<vmem>>, %arg3: memref<256x96xf32, #tpu.memory_space<vmem>>, %arg4: memref<256x64xf32, #tpu.memory_space<vmem>>, %arg5: memref<6144x64xf32, #tpu.memory_space<vmem>>, %arg6: memref<96x64xf32, #tpu.memory_space<vmem>>, %arg7: memref<1x64xf32, #tpu.memory_space<vmem>>, %arg8: memref<256x64xf32, #tpu.memory_space<vmem>>, %arg9: memref<256x64xf32, #tpu.memory_space<vmem>>) attributes {dimension_semantics = [#tpu.dimension_semantics<arbitrary>], iteration_bounds = array<i64: 40>, scalar_prefetch = 0 : i64, scratch_operands = 0 : i64, tpu.core_type = #tpu.core_type<tc>, window_params = [{transform_indices = @transform_0, window_bounds = array<i64: 4096, 96>}, {transform_indices = @transform_1, window_bounds = array<i64: 4096, 64>}, {transform_indices = @transform_2, window_bounds = array<i64: 256, 96>}, {transform_indices = @transform_3, window_bounds = array<i64: 256, 64>}, {pipeline_mode = #tpu.pipeline_mode<synchronous>, transform_indices = @transform_4, window_bounds = array<i64: 6144, 64>}, {pipeline_mode = #tpu.pipeline_mode<synchronous>, transform_indices = @transform_5, window_bounds = array<i64: 96, 64>}, {pipeline_mode = #tpu.pipeline_mode<synchronous>, transform_indices = @transform_6, window_bounds = array<i64: 1, 64>}, {transform_indices = @transform_7, window_bounds = array<i64: 256, 64>}, {transform_indices = @transform_8, window_bounds = array<i64: 256, 64>}]} {
    %get3A = arith.constant 0 : index
    %get3A_0 = arith.constant 0 : index
    %get3A_1 = vector.load %arg2[%get3A, %get3A_0] : memref<4096x64xf32, #tpu.memory_space<vmem>>, vector<4096x64xf32>
    %reshape3A = vector.shape_cast %get3A_1 : vector<4096x64xf32> to vector<256x16x64xf32>
    %get3A_2 = arith.constant 0 : index
    %get3A_3 = arith.constant 0 : index
    %get3A_4 = vector.load %arg1[%get3A_2, %get3A_3] : memref<4096x96xf32, #tpu.memory_space<vmem>>, vector<4096x96xf32>
    %reshape3A_5 = vector.shape_cast %get3A_4 : vector<4096x96xf32> to vector<256x16x96xf32>
    %dot_general3A = arith.constant dense<0.000000e+00> : vector<256x64x96xf32>
    %dot_general3A_6 = tpu.matmul %reshape3A, %reshape3A_5, %dot_general3A {dimension_numbers = #tpu.dot_dimension_numbers<[1], [1], [2], [2], [0, 0, 0, 2, 1, 2], [0], [0]>, transpose_lhs_hint = false} : vector<256x16x64xf32>, vector<256x16x96xf32>, vector<256x64x96xf32> -> vector<256x64x96xf32>
    %reshape3A_7 = vector.shape_cast %dot_general3A_6 : vector<256x64x96xf32> to vector<256x6144xf32>
    %get3A_8 = arith.constant 0 : index
    %get3A_9 = arith.constant 0 : index
    %get3A_10 = vector.load %arg5[%get3A_8, %get3A_9] : memref<6144x64xf32, #tpu.memory_space<vmem>>, vector<6144x64xf32>
    %dot_general3A_11 = arith.constant dense<0.000000e+00> : vector<256x64xf32>
    %dot_general3A_12 = tpu.matmul %reshape3A_7, %get3A_10, %dot_general3A_11 {dimension_numbers = #tpu.dot_dimension_numbers<[1], [0], [0], [1], [0, 0, 1, 1], [], []>, transpose_lhs_hint = false} : vector<256x6144xf32>, vector<6144x64xf32>, vector<256x64xf32> -> vector<256x64xf32>
    %get3A_13 = arith.constant 0 : index
    %get3A_14 = arith.constant 0 : index
    %get3A_15 = vector.load %arg3[%get3A_13, %get3A_14] : memref<256x96xf32, #tpu.memory_space<vmem>>, vector<256x96xf32>
    %get3A_16 = arith.constant 0 : index
    %get3A_17 = arith.constant 0 : index
    %get3A_18 = vector.load %arg6[%get3A_16, %get3A_17] : memref<96x64xf32, #tpu.memory_space<vmem>>, vector<96x64xf32>
    %dot_general3A_19 = arith.constant dense<0.000000e+00> : vector<256x64xf32>
    %dot_general3A_20 = tpu.matmul %get3A_15, %get3A_18, %dot_general3A_19 {dimension_numbers = #tpu.dot_dimension_numbers<[1], [0], [0], [1], [0, 0, 1, 1], [], []>, transpose_lhs_hint = false} : vector<256x96xf32>, vector<96x64xf32>, vector<256x64xf32> -> vector<256x64xf32>
    %add3A = arith.addf %dot_general3A_12, %dot_general3A_20 : vector<256x64xf32>
    %get3A_21 = arith.constant 0 : index
    %get3A_22 = arith.constant 0 : index
    %get3A_23 = vector.load %arg7[%get3A_21, %get3A_22] : memref<1x64xf32, #tpu.memory_space<vmem>>, vector<1x64xf32>
    %add3A_24 = vector.broadcast %get3A_23 : vector<1x64xf32> to vector<256x64xf32>
    %add3A_25 = arith.addf %add3A, %add3A_24 : vector<256x64xf32>
    %swap3A = arith.constant 0 : index
    %swap3A_26 = arith.constant 0 : index
    %swap3A_27 = vector.load %arg8[%swap3A, %swap3A_26] : memref<256x64xf32, #tpu.memory_space<vmem>>, vector<256x64xf32>
    tpu.vector_store %arg8[%swap3A, %swap3A_26], %add3A_25 {strides = array<i32>} : memref<256x64xf32, #tpu.memory_space<vmem>>, vector<256x64xf32>,
    %max3A = arith.constant 0.000000e+00 : f32
    %max3A_28 = vector.broadcast %max3A : f32 to vector<256x64xf32>
    %max3A_29 = arith.maximumf %add3A_25, %max3A_28 : vector<256x64xf32>
    %swap3A_30 = arith.constant 0 : index
    %swap3A_31 = arith.constant 0 : index
    %swap3A_32 = vector.load %arg9[%swap3A_30, %swap3A_31] : memref<256x64xf32, #tpu.memory_space<vmem>>, vector<256x64xf32>
    tpu.vector_store %arg9[%swap3A_30, %swap3A_31], %max3A_29 {strides = array<i32>} : memref<256x64xf32, #tpu.memory_space<vmem>>, vector<256x64xf32>,
    return
  }
  func.func @transform_0(%arg0: i32) -> (i32, i32) {
    %c0_i32 = arith.constant 0 : i32
    %c0_i32_0 = arith.constant 0 : i32
    return %arg0, %c0_i32 : i32, i32
  }
  func.func @transform_1(%arg0: i32) -> (i32, i32) {
    %c0_i32 = arith.constant 0 : i32
    %c0_i32_0 = arith.constant 0 : i32
    return %arg0, %c0_i32 : i32, i32
  }
  func.func @transform_2(%arg0: i32) -> (i32, i32) {
    %c0_i32 = arith.constant 0 : i32
    %c0_i32_0 = arith.constant 0 : i32
    return %arg0, %c0_i32 : i32, i32
  }
  func.func @transform_3(%arg0: i32) -> (i32, i32) {
    %c0_i32 = arith.constant 0 : i32
    %c0_i32_0 = arith.constant 0 : i32
    return %arg0, %c0_i32 : i32, i32
  }
  func.func @transform_4(%arg0: i32) -> (i32, i32) {
    %c0_i32 = arith.constant 0 : i32
    %c0_i32_0 = arith.constant 0 : i32
    %c0_i32_1 = arith.constant 0 : i32
    return %c0_i32, %c0_i32_0 : i32, i32
  }
  func.func @transform_5(%arg0: i32) -> (i32, i32) {
    %c0_i32 = arith.constant 0 : i32
    %c0_i32_0 = arith.constant 0 : i32
    %c0_i32_1 = arith.constant 0 : i32
    return %c0_i32, %c0_i32_0 : i32, i32
  }
  func.func @transform_6(%arg0: i32) -> (i32, i32) {
    %c0_i32 = arith.constant 0 : i32
    %c0_i32_0 = arith.constant 0 : i32
    %c0_i32_1 = arith.constant 0 : i32
    return %c0_i32, %c0_i32_0 : i32, i32
  }
  func.func @transform_7(%arg0: i32) -> (i32, i32) {
    %c0_i32 = arith.constant 0 : i32
    %c0_i32_0 = arith.constant 0 : i32
    return %arg0, %c0_i32 : i32, i32
  }
  func.func @transform_8(%arg0: i32) -> (i32, i32) {
    %c0_i32 = arith.constant 0 : i32
    %c0_i32_0 = arith.constant 0 : i32
    return %arg0, %c0_i32 : i32, i32
  }
}

module attributes {stable_mosaic.version = 14 : i64} {
  func.func @body(%arg0: i32, %arg1: memref<4096x64xf32, #tpu.memory_space<vmem>>, %arg2: memref<4096x64xf32, #tpu.memory_space<vmem>>, %arg3: memref<256x64xf32, #tpu.memory_space<vmem>>, %arg4: memref<256x64xf32, #tpu.memory_space<vmem>>, %arg5: memref<4096x64xf32, #tpu.memory_space<vmem>>, %arg6: memref<64x64xf32, #tpu.memory_space<vmem>>, %arg7: memref<1x64xf32, #tpu.memory_space<vmem>>, %arg8: memref<256x64xf32, #tpu.memory_space<vmem>>, %arg9: memref<256x64xf32, #tpu.memory_space<vmem>>) attributes {dimension_semantics = [#tpu.dimension_semantics<arbitrary>], iteration_bounds = array<i64: 40>, scalar_prefetch = 0 : i64, scratch_operands = 0 : i64, tpu.core_type = #tpu.core_type<tc>, window_params = [{transform_indices = @transform_0, window_bounds = array<i64: 4096, 64>}, {transform_indices = @transform_1, window_bounds = array<i64: 4096, 64>}, {transform_indices = @transform_2, window_bounds = array<i64: 256, 64>}, {transform_indices = @transform_3, window_bounds = array<i64: 256, 64>}, {pipeline_mode = #tpu.pipeline_mode<synchronous>, transform_indices = @transform_4, window_bounds = array<i64: 4096, 64>}, {pipeline_mode = #tpu.pipeline_mode<synchronous>, transform_indices = @transform_5, window_bounds = array<i64: 64, 64>}, {pipeline_mode = #tpu.pipeline_mode<synchronous>, transform_indices = @transform_6, window_bounds = array<i64: 1, 64>}, {transform_indices = @transform_7, window_bounds = array<i64: 256, 64>}, {transform_indices = @transform_8, window_bounds = array<i64: 256, 64>}]} {
    %get3A = arith.constant 0 : index
    %get3A_0 = arith.constant 0 : index
    %get3A_1 = vector.load %arg2[%get3A, %get3A_0] : memref<4096x64xf32, #tpu.memory_space<vmem>>, vector<4096x64xf32>
    %reshape3A = vector.shape_cast %get3A_1 : vector<4096x64xf32> to vector<256x16x64xf32>
    %get3A_2 = arith.constant 0 : index
    %get3A_3 = arith.constant 0 : index
    %get3A_4 = vector.load %arg1[%get3A_2, %get3A_3] : memref<4096x64xf32, #tpu.memory_space<vmem>>, vector<4096x64xf32>
    %reshape3A_5 = vector.shape_cast %get3A_4 : vector<4096x64xf32> to vector<256x16x64xf32>
    %dot_general3A = arith.constant dense<0.000000e+00> : vector<256x64x64xf32>
    %dot_general3A_6 = tpu.matmul %reshape3A, %reshape3A_5, %dot_general3A {dimension_numbers = #tpu.dot_dimension_numbers<[1], [1], [2], [2], [0, 0, 0, 2, 1, 2], [0], [0]>, transpose_lhs_hint = false} : vector<256x16x64xf32>, vector<256x16x64xf32>, vector<256x64x64xf32> -> vector<256x64x64xf32>
    %reshape3A_7 = vector.shape_cast %dot_general3A_6 : vector<256x64x64xf32> to vector<256x4096xf32>
    %get3A_8 = arith.constant 0 : index
    %get3A_9 = arith.constant 0 : index
    %get3A_10 = vector.load %arg5[%get3A_8, %get3A_9] : memref<4096x64xf32, #tpu.memory_space<vmem>>, vector<4096x64xf32>
    %dot_general3A_11 = arith.constant dense<0.000000e+00> : vector<256x64xf32>
    %dot_general3A_12 = tpu.matmul %reshape3A_7, %get3A_10, %dot_general3A_11 {dimension_numbers = #tpu.dot_dimension_numbers<[1], [0], [0], [1], [0, 0, 1, 1], [], []>, transpose_lhs_hint = false} : vector<256x4096xf32>, vector<4096x64xf32>, vector<256x64xf32> -> vector<256x64xf32>
    %get3A_13 = arith.constant 0 : index
    %get3A_14 = arith.constant 0 : index
    %get3A_15 = vector.load %arg3[%get3A_13, %get3A_14] : memref<256x64xf32, #tpu.memory_space<vmem>>, vector<256x64xf32>
    %get3A_16 = arith.constant 0 : index
    %get3A_17 = arith.constant 0 : index
    %get3A_18 = vector.load %arg6[%get3A_16, %get3A_17] : memref<64x64xf32, #tpu.memory_space<vmem>>, vector<64x64xf32>
    %dot_general3A_19 = arith.constant dense<0.000000e+00> : vector<256x64xf32>
    %dot_general3A_20 = tpu.matmul %get3A_15, %get3A_18, %dot_general3A_19 {dimension_numbers = #tpu.dot_dimension_numbers<[1], [0], [0], [1], [0, 0, 1, 1], [], []>, transpose_lhs_hint = false} : vector<256x64xf32>, vector<64x64xf32>, vector<256x64xf32> -> vector<256x64xf32>
    %add3A = arith.addf %dot_general3A_12, %dot_general3A_20 : vector<256x64xf32>
    %get3A_21 = arith.constant 0 : index
    %get3A_22 = arith.constant 0 : index
    %get3A_23 = vector.load %arg7[%get3A_21, %get3A_22] : memref<1x64xf32, #tpu.memory_space<vmem>>, vector<1x64xf32>
    %add3A_24 = vector.broadcast %get3A_23 : vector<1x64xf32> to vector<256x64xf32>
    %add3A_25 = arith.addf %add3A, %add3A_24 : vector<256x64xf32>
    %get3A_26 = arith.constant 0 : index
    %get3A_27 = arith.constant 0 : index
    %get3A_28 = vector.load %arg4[%get3A_26, %get3A_27] : memref<256x64xf32, #tpu.memory_space<vmem>>, vector<256x64xf32>
    %add3A_29 = arith.addf %add3A_25, %get3A_28 : vector<256x64xf32>
    %swap3A = arith.constant 0 : index
    %swap3A_30 = arith.constant 0 : index
    %swap3A_31 = vector.load %arg8[%swap3A, %swap3A_30] : memref<256x64xf32, #tpu.memory_space<vmem>>, vector<256x64xf32>
    tpu.vector_store %arg8[%swap3A, %swap3A_30], %add3A_29 {strides = array<i32>} : memref<256x64xf32, #tpu.memory_space<vmem>>, vector<256x64xf32>,
    %max3A = arith.constant 0.000000e+00 : f32
    %max3A_32 = vector.broadcast %max3A : f32 to vector<256x64xf32>
    %max3A_33 = arith.maximumf %add3A_29, %max3A_32 : vector<256x64xf32>
    %swap3A_34 = arith.constant 0 : index
    %swap3A_35 = arith.constant 0 : index
    %swap3A_36 = vector.load %arg9[%swap3A_34, %swap3A_35] : memref<256x64xf32, #tpu.memory_space<vmem>>, vector<256x64xf32>
    tpu.vector_store %arg9[%swap3A_34, %swap3A_35], %max3A_33 {strides = array<i32>} : memref<256x64xf32, #tpu.memory_space<vmem>>, vector<256x64xf32>,
    return
  }
  func.func @transform_0(%arg0: i32) -> (i32, i32) {
    %c0_i32 = arith.constant 0 : i32
    %c0_i32_0 = arith.constant 0 : i32
    return %arg0, %c0_i32 : i32, i32
  }
  func.func @transform_1(%arg0: i32) -> (i32, i32) {
    %c0_i32 = arith.constant 0 : i32
    %c0_i32_0 = arith.constant 0 : i32
    return %arg0, %c0_i32 : i32, i32
  }
  func.func @transform_2(%arg0: i32) -> (i32, i32) {
    %c0_i32 = arith.constant 0 : i32
    %c0_i32_0 = arith.constant 0 : i32
    return %arg0, %c0_i32 : i32, i32
  }
  func.func @transform_3(%arg0: i32) -> (i32, i32) {
    %c0_i32 = arith.constant 0 : i32
    %c0_i32_0 = arith.constant 0 : i32
    return %arg0, %c0_i32 : i32, i32
  }
  func.func @transform_4(%arg0: i32) -> (i32, i32) {
    %c0_i32 = arith.constant 0 : i32
    %c0_i32_0 = arith.constant 0 : i32
    %c0_i32_1 = arith.constant 0 : i32
    return %c0_i32, %c0_i32_0 : i32, i32
  }
  func.func @transform_5(%arg0: i32) -> (i32, i32) {
    %c0_i32 = arith.constant 0 : i32
    %c0_i32_0 = arith.constant 0 : i32
    %c0_i32_1 = arith.constant 0 : i32
    return %c0_i32, %c0_i32_0 : i32, i32
  }
  func.func @transform_6(%arg0: i32) -> (i32, i32) {
    %c0_i32 = arith.constant 0 : i32
    %c0_i32_0 = arith.constant 0 : i32
    %c0_i32_1 = arith.constant 0 : i32
    return %c0_i32, %c0_i32_0 : i32, i32
  }
  func.func @transform_7(%arg0: i32) -> (i32, i32) {
    %c0_i32 = arith.constant 0 : i32
    %c0_i32_0 = arith.constant 0 : i32
    return %arg0, %c0_i32 : i32, i32
  }
  func.func @transform_8(%arg0: i32) -> (i32, i32) {
    %c0_i32 = arith.constant 0 : i32
    %c0_i32_0 = arith.constant 0 : i32
    return %arg0, %c0_i32 : i32, i32
  }
}

module attributes {stable_mosaic.version = 14 : i64} {
  func.func @body(%arg0: i32, %arg1: memref<4096x64xf32, #tpu.memory_space<vmem>>, %arg2: memref<4096x64xf32, #tpu.memory_space<vmem>>, %arg3: memref<256x64xf32, #tpu.memory_space<vmem>>, %arg4: memref<256x64xf32, #tpu.memory_space<vmem>>, %arg5: memref<4096x8xf32, #tpu.memory_space<vmem>>, %arg6: memref<64x8xf32, #tpu.memory_space<vmem>>, %arg7: memref<1x8xf32, #tpu.memory_space<vmem>>, %arg8: memref<256x8xf32, #tpu.memory_space<vmem>>, %arg9: memref<256x8xf32, #tpu.memory_space<vmem>>) attributes {dimension_semantics = [#tpu.dimension_semantics<arbitrary>], iteration_bounds = array<i64: 40>, scalar_prefetch = 0 : i64, scratch_operands = 0 : i64, tpu.core_type = #tpu.core_type<tc>, window_params = [{transform_indices = @transform_0, window_bounds = array<i64: 4096, 64>}, {transform_indices = @transform_1, window_bounds = array<i64: 4096, 64>}, {transform_indices = @transform_2, window_bounds = array<i64: 256, 64>}, {transform_indices = @transform_3, window_bounds = array<i64: 256, 64>}, {pipeline_mode = #tpu.pipeline_mode<synchronous>, transform_indices = @transform_4, window_bounds = array<i64: 4096, 8>}, {pipeline_mode = #tpu.pipeline_mode<synchronous>, transform_indices = @transform_5, window_bounds = array<i64: 64, 8>}, {pipeline_mode = #tpu.pipeline_mode<synchronous>, transform_indices = @transform_6, window_bounds = array<i64: 1, 8>}, {transform_indices = @transform_7, window_bounds = array<i64: 256, 8>}, {transform_indices = @transform_8, window_bounds = array<i64: 256, 8>}]} {
    %get3A = arith.constant 0 : index
    %get3A_0 = arith.constant 0 : index
    %get3A_1 = vector.load %arg2[%get3A, %get3A_0] : memref<4096x64xf32, #tpu.memory_space<vmem>>, vector<4096x64xf32>
    %reshape3A = vector.shape_cast %get3A_1 : vector<4096x64xf32> to vector<256x16x64xf32>
    %get3A_2 = arith.constant 0 : index
    %get3A_3 = arith.constant 0 : index
    %get3A_4 = vector.load %arg1[%get3A_2, %get3A_3] : memref<4096x64xf32, #tpu.memory_space<vmem>>, vector<4096x64xf32>
    %reshape3A_5 = vector.shape_cast %get3A_4 : vector<4096x64xf32> to vector<256x16x64xf32>
    %dot_general3A = arith.constant dense<0.000000e+00> : vector<256x64x64xf32>
    %dot_general3A_6 = tpu.matmul %reshape3A, %reshape3A_5, %dot_general3A {dimension_numbers = #tpu.dot_dimension_numbers<[1], [1], [2], [2], [0, 0, 0, 2, 1, 2], [0], [0]>, transpose_lhs_hint = false} : vector<256x16x64xf32>, vector<256x16x64xf32>, vector<256x64x64xf32> -> vector<256x64x64xf32>
    %reshape3A_7 = vector.shape_cast %dot_general3A_6 : vector<256x64x64xf32> to vector<256x4096xf32>
    %get3A_8 = arith.constant 0 : index
    %get3A_9 = arith.constant 0 : index
    %get3A_10 = vector.load %arg5[%get3A_8, %get3A_9] : memref<4096x8xf32, #tpu.memory_space<vmem>>, vector<4096x8xf32>
    %dot_general3A_11 = arith.constant dense<0.000000e+00> : vector<256x8xf32>
    %dot_general3A_12 = tpu.matmul %reshape3A_7, %get3A_10, %dot_general3A_11 {dimension_numbers = #tpu.dot_dimension_numbers<[1], [0], [0], [1], [0, 0, 1, 1], [], []>, transpose_lhs_hint = false} : vector<256x4096xf32>, vector<4096x8xf32>, vector<256x8xf32> -> vector<256x8xf32>
    %get3A_13 = arith.constant 0 : index
    %get3A_14 = arith.constant 0 : index
    %get3A_15 = vector.load %arg3[%get3A_13, %get3A_14] : memref<256x64xf32, #tpu.memory_space<vmem>>, vector<256x64xf32>
    %get3A_16 = arith.constant 0 : index
    %get3A_17 = arith.constant 0 : index
    %get3A_18 = vector.load %arg6[%get3A_16, %get3A_17] : memref<64x8xf32, #tpu.memory_space<vmem>>, vector<64x8xf32>
    %dot_general3A_19 = arith.constant dense<0.000000e+00> : vector<256x8xf32>
    %dot_general3A_20 = tpu.matmul %get3A_15, %get3A_18, %dot_general3A_19 {dimension_numbers = #tpu.dot_dimension_numbers<[1], [0], [0], [1], [0, 0, 1, 1], [], []>, transpose_lhs_hint = false} : vector<256x64xf32>, vector<64x8xf32>, vector<256x8xf32> -> vector<256x8xf32>
    %add3A = arith.addf %dot_general3A_12, %dot_general3A_20 : vector<256x8xf32>
    %get3A_21 = arith.constant 0 : index
    %get3A_22 = arith.constant 0 : index
    %get3A_23 = vector.load %arg7[%get3A_21, %get3A_22] : memref<1x8xf32, #tpu.memory_space<vmem>>, vector<1x8xf32>
    %add3A_24 = vector.broadcast %get3A_23 : vector<1x8xf32> to vector<256x8xf32>
    %add3A_25 = arith.addf %add3A, %add3A_24 : vector<256x8xf32>
    %swap3A = arith.constant 0 : index
    %swap3A_26 = arith.constant 0 : index
    %swap3A_27 = vector.load %arg8[%swap3A, %swap3A_26] : memref<256x8xf32, #tpu.memory_space<vmem>>, vector<256x8xf32>
    tpu.vector_store %arg8[%swap3A, %swap3A_26], %add3A_25 {strides = array<i32>} : memref<256x8xf32, #tpu.memory_space<vmem>>, vector<256x8xf32>,
    %max3A = arith.constant 0.000000e+00 : f32
    %max3A_28 = vector.broadcast %max3A : f32 to vector<256x8xf32>
    %max3A_29 = arith.maximumf %add3A_25, %max3A_28 : vector<256x8xf32>
    %swap3A_30 = arith.constant 0 : index
    %swap3A_31 = arith.constant 0 : index
    %swap3A_32 = vector.load %arg9[%swap3A_30, %swap3A_31] : memref<256x8xf32, #tpu.memory_space<vmem>>, vector<256x8xf32>
    tpu.vector_store %arg9[%swap3A_30, %swap3A_31], %max3A_29 {strides = array<i32>} : memref<256x8xf32, #tpu.memory_space<vmem>>, vector<256x8xf32>,
    return
  }
  func.func @transform_0(%arg0: i32) -> (i32, i32) {
    %c0_i32 = arith.constant 0 : i32
    %c0_i32_0 = arith.constant 0 : i32
    return %arg0, %c0_i32 : i32, i32
  }
  func.func @transform_1(%arg0: i32) -> (i32, i32) {
    %c0_i32 = arith.constant 0 : i32
    %c0_i32_0 = arith.constant 0 : i32
    return %arg0, %c0_i32 : i32, i32
  }
  func.func @transform_2(%arg0: i32) -> (i32, i32) {
    %c0_i32 = arith.constant 0 : i32
    %c0_i32_0 = arith.constant 0 : i32
    return %arg0, %c0_i32 : i32, i32
  }
  func.func @transform_3(%arg0: i32) -> (i32, i32) {
    %c0_i32 = arith.constant 0 : i32
    %c0_i32_0 = arith.constant 0 : i32
    return %arg0, %c0_i32 : i32, i32
  }
  func.func @transform_4(%arg0: i32) -> (i32, i32) {
    %c0_i32 = arith.constant 0 : i32
    %c0_i32_0 = arith.constant 0 : i32
    %c0_i32_1 = arith.constant 0 : i32
    return %c0_i32, %c0_i32_0 : i32, i32
  }
  func.func @transform_5(%arg0: i32) -> (i32, i32) {
    %c0_i32 = arith.constant 0 : i32
    %c0_i32_0 = arith.constant 0 : i32
    %c0_i32_1 = arith.constant 0 : i32
    return %c0_i32, %c0_i32_0 : i32, i32
  }
  func.func @transform_6(%arg0: i32) -> (i32, i32) {
    %c0_i32 = arith.constant 0 : i32
    %c0_i32_0 = arith.constant 0 : i32
    %c0_i32_1 = arith.constant 0 : i32
    return %c0_i32, %c0_i32_0 : i32, i32
  }
  func.func @transform_7(%arg0: i32) -> (i32, i32) {
    %c0_i32 = arith.constant 0 : i32
    %c0_i32_0 = arith.constant 0 : i32
    return %arg0, %c0_i32 : i32, i32
  }
  func.func @transform_8(%arg0: i32) -> (i32, i32) {
    %c0_i32 = arith.constant 0 : i32
    %c0_i32_0 = arith.constant 0 : i32
    return %arg0, %c0_i32 : i32, i32
  }
}

module attributes {stable_mosaic.version = 14 : i64} {
  func.func @_final_body(%arg0: i32, %arg1: memref<256x8xf32, #tpu.memory_space<vmem>>, %arg2: memref<256x16xf32, #tpu.memory_space<vmem>>, %arg3: memref<256x4xf32, #tpu.memory_space<vmem>>, %arg4: memref<256x4xf32, #tpu.memory_space<vmem>>, %arg5: memref<256x4xf32, #tpu.memory_space<vmem>>) attributes {dimension_semantics = [#tpu.dimension_semantics<arbitrary>], iteration_bounds = array<i64: 40>, scalar_prefetch = 0 : i64, scratch_operands = 0 : i64, tpu.core_type = #tpu.core_type<tc>, window_params = [{transform_indices = @transform_0, window_bounds = array<i64: 256, 8>}, {transform_indices = @transform_1, window_bounds = array<i64: 256, 16>}, {transform_indices = @transform_2, window_bounds = array<i64: 256, 4>}, {transform_indices = @transform_3, window_bounds = array<i64: 256, 4>}, {transform_indices = @transform_4, window_bounds = array<i64: 256, 4>}]} {
    %get3A = arith.constant 0 : index
    %get3A_0 = arith.constant 0 : index
    %get3A_1 = vector.load %arg1[%get3A, %get3A_0] : memref<256x8xf32, #tpu.memory_space<vmem>>, vector<256x8xf32>
    %slice3A = vector.extract_strided_slice %get3A_1 {offsets = [0, 0], sizes = [256, 3], strides = [1, 1]} : vector<256x8xf32> to vector<256x3xf32>
    %get3A_2 = arith.constant 0 : index
    %get3A_3 = arith.constant 0 : index
    %get3A_4 = vector.load %arg2[%get3A_2, %get3A_3] : memref<256x16xf32, #tpu.memory_space<vmem>>, vector<256x16xf32>
    %slice3A_5 = vector.extract_strided_slice %get3A_4 {offsets = [0, 4], sizes = [256, 3], strides = [1, 1]} : vector<256x16xf32> to vector<256x3xf32>
    %get3A_6 = arith.constant 0 : index
    %get3A_7 = arith.constant 0 : index
    %get3A_8 = vector.load %arg3[%get3A_6, %get3A_7] : memref<256x4xf32, #tpu.memory_space<vmem>>, vector<256x4xf32>
    %slice3A_9 = vector.extract_strided_slice %get3A_8 {offsets = [0, 0], sizes = [256, 3], strides = [1, 1]} : vector<256x4xf32> to vector<256x3xf32>
    %mul3A = arith.constant 7.812500e-03 : f32
    %mul3A_10 = vector.broadcast %mul3A : f32 to vector<256x3xf32>
    %mul3A_11 = arith.mulf %slice3A, %mul3A_10 : vector<256x3xf32>
    %add3A = arith.addf %slice3A_5, %mul3A_11 : vector<256x3xf32>
    %broadcast_in_dim3A = arith.constant 0.000000e+00 : f32
    %broadcast_in_dim3A_12 = vector.broadcast %broadcast_in_dim3A : f32 to vector<256x1xf32>
    %concatenate3A = tpu.concatenate %add3A, %broadcast_in_dim3A_12 in 1 : vector<256x3xf32>, vector<256x1xf32> -> vector<256x4xf32>
    %swap3A = arith.constant 0 : index
    %swap3A_13 = arith.constant 0 : index
    %swap3A_14 = vector.load %arg4[%swap3A, %swap3A_13] : memref<256x4xf32, #tpu.memory_space<vmem>>, vector<256x4xf32>
    tpu.vector_store %arg4[%swap3A, %swap3A_13], %concatenate3A {strides = array<i32>} : memref<256x4xf32, #tpu.memory_space<vmem>>, vector<256x4xf32>,
    %sub3A = arith.subf %add3A, %slice3A_9 : vector<256x3xf32>
    %mul3A_15 = arith.constant 5.000000e+01 : f32
    %mul3A_16 = vector.broadcast %mul3A_15 : f32 to vector<256x3xf32>
    %mul3A_17 = arith.mulf %sub3A, %mul3A_16 : vector<256x3xf32>
    %concatenate3A_18 = tpu.concatenate %mul3A_17, %broadcast_in_dim3A_12 in 1 : vector<256x3xf32>, vector<256x1xf32> -> vector<256x4xf32>
    %swap3A_19 = arith.constant 0 : index
    %swap3A_20 = arith.constant 0 : index
    %swap3A_21 = vector.load %arg5[%swap3A_19, %swap3A_20] : memref<256x4xf32, #tpu.memory_space<vmem>>, vector<256x4xf32>
    tpu.vector_store %arg5[%swap3A_19, %swap3A_20], %concatenate3A_18 {strides = array<i32>} : memref<256x4xf32, #tpu.memory_space<vmem>>, vector<256x4xf32>,
    return
  }
  func.func @transform_0(%arg0: i32) -> (i32, i32) {
    %c0_i32 = arith.constant 0 : i32
    %c0_i32_0 = arith.constant 0 : i32
    return %arg0, %c0_i32 : i32, i32
  }
  func.func @transform_1(%arg0: i32) -> (i32, i32) {
    %c0_i32 = arith.constant 0 : i32
    %c0_i32_0 = arith.constant 0 : i32
    return %arg0, %c0_i32 : i32, i32
  }
  func.func @transform_2(%arg0: i32) -> (i32, i32) {
    %c0_i32 = arith.constant 0 : i32
    %c0_i32_0 = arith.constant 0 : i32
    return %arg0, %c0_i32 : i32, i32
  }
  func.func @transform_3(%arg0: i32) -> (i32, i32) {
    %c0_i32 = arith.constant 0 : i32
    %c0_i32_0 = arith.constant 0 : i32
    return %arg0, %c0_i32 : i32, i32
  }
  func.func @transform_4(%arg0: i32) -> (i32, i32) {
    %c0_i32 = arith.constant 0 : i32
    %c0_i32_0 = arith.constant 0 : i32
    return %arg0, %c0_i32 : i32, i32
  }
}

</mosaic_0001>

<sc_bundles>
// kernel: kernel.13.cloned.1.call-start
scs
__scs_entry_jumppad:
0x0: {  	(pc) =	sbr.rel $0x88, $3  }
0x1: {  	(tag) =	ssettag $0x0;
	lr =	simm.s32 $0x1  }
0x2: {  	[smem:$0x3F8E] =	sst lr;
	_ =	strace $0xD0000000  }
0x3: {  	_ = 	snop  }
0x4: {  	_ = 	snop  }
0x5: {  	_ = 	snop  }
0x6: {  	_ = 	snop  }
0x7: {  	_ = 	snop  }
__scs_overlays_trampoline_lowered:
0x8: {  	[smem:$0x3F9D] =	sst s0  }
0x9: {  	[smem:$0x3F9E] =	sst s1  }
0xa: {  	[smem:$0x3F9F] =	sst s2  }
0xb: {  	[smem:$0x3FA0] =	sst s3  }
0xc: {  	[smem:$0x3FA1] =	sst s4  }
0xd: {  	[smem:$0x3FA2] =	sst s5  }
0xe: {  	[smem:$0x3FA3] =	sst s6  }
0xf: {  	[smem:$0x3FA4] =	sst s7  }
0x10: {  	[smem:$0x3FA5] =	sst s8  }
0x11: {  	[smem:$0x3FA6] =	sst s9;
	s0 =	simm.s32 @!p0 $0x0  }
0x12: {  	s1 =	sld [smem:$0x3F8C];
	s0 =	simm.s32 @p0 $0x1  }
0x13: {  	[smem:$0x3FA7] =	sst s0;
	s0 =	simm.s32 @!p1 $0x0  }
0x14: {  	s2 =	sld [smem:$0x3F8B];
	s0 =	simm.s32 @p1 $0x1  }
0x15: {  	[smem:$0x3FA8] =	sst s0;
	s0 =	simm.s32 @!p2 $0x0  }
0x16: {  	s3 =	sld [smem:$0x3FDB];
	s0 =	simm.s32 @p2 $0x1  }
0x17: {  	s4 =	simm.s32 $0x1BF5;
	[smem:$0x3FAA] =	sst s0  }
0x18: {  	s0 =	sld [smem:$0x3F8D];
	_ =	swait.ge [sflag:s4], $0x0  }
0x19: {  	s7 =	sld [smem:$0x3F8E]  }
0x1a: {  	s8 =	sadd.s32 $0xFFFFE003, lr  }
0x1b: {  	s9 =	sadd.s32 $0xFFFFFEF7, lr;
	s5 =	simm.s32 $0xFFFFFFFF;
	p2 =	slt.u32 s8, $0xFFFFF086  }
0x1c: {  	p1 =	slt.u32 s9, $0xF7A;
	s5 =	simm.s32 @!p2 $0x0  }
0x1d: {  	s5 =	simm.s32 @p1 $0x1;
	p0 =	seq.s32 s7, s2  }
0x1e: {  	s7 =	smul.u32 @!p0 $0xF7A, s2;
	p2 =	seq.s32 @!p0 s5, $0x0  }
0x1f: {  	s9 =	smul.u32 $0xF7A, s1;
	s8 =	simm.s32 @!p0 $0x1BF5;
	p2 =	por !p2, p0  }
0x20: {  	[sflag:s8] =	ssyncset.s32 @!p0 $0xFFFFF086;
	s6 =	sadd.s32 @!p0 s3, s7;
	s7 =	simm.s32 @!p0 $0x108  }
0x21: {  	s3 =	sadd.s32 s3, s9;
	s6 =	sadd.s32 @!p0 $0x88, s6;
	s7 =	simm.s32 @p2 $0x1082  }
0x22: {  	[simem:s7], [sflag:s8] =	dma.local @!p0 [hbm:s6], $0xF7A  }
0x23: {  	s9 =	sor.u32 $0xD0000000, s2;
	s6 =	simm.s32 $0x108;
	_ =	swait.ge @!p0 [sflag:s8], $0x0  }
0x24: {  	s3 =	sadd.s32 $0x88, s3;
	s6 =	simm.s32 @!p1 $0x1082;
	[sflag:s4] =	ssyncset.s32 $0xFFFFF086  }
0x25: {  	[simem:s6], [sflag:s4] =	dma.local [hbm:s3], $0xF7A  }
0x26: {  	[smem:$0x3F8E] =	sst s1;
	(tag) =	ssettag s2;
	_ =	strace s9  }
0x27: {  	s1 =	sld [smem:$0x3F9E]  }
0x28: {  	s2 =	sld [smem:$0x3F9F]  }
0x29: {  	s4 =	sld [smem:$0x3FA1]  }
0x2a: {  	p0 =	seq.s32 s5, $0x0;
	s5 =	sld [smem:$0x3FA2]  }
0x2b: {  	s6 =	sld [smem:$0x3FA3]  }
0x2c: {  	s7 =	sld [smem:$0x3FA4]  }
0x2d: {  	s3 =	simm.s32 $0x108;
	s8 =	sld [smem:$0x3FA5]  }
0x2e: {  	s3 =	simm.s32 @!p0 $0x1082;
	s9 =	sld [smem:$0x3FA6]  }
0x2f: {  	lr =	sadd.s32 s0, s3;
	s0 =	sld [smem:$0x3F9D]  }
0x30: {  	s3 =	sld [smem:$0x3FA0]  }
0x31: {  	[smem:$0x3FA9] =	sst s10  }
0x32: {  	s10 =	sld [smem:$0x3FA7];
	_ =	sdelay $0x3  }
0x33: {  	p0 =	seq.s32 s10, $0x1;
	s10 =	sld [smem:$0x3FA9];
	_ =	sdelay $0x3  }
0x34: {  	[smem:$0x3FA9] =	sst s10  }
0x35: {  	s10 =	sld [smem:$0x3FA8];
	_ =	sdelay $0x3  }
0x36: {  	p1 =	seq.s32 s10, $0x1;
	s10 =	sld [smem:$0x3FA9];
	_ =	sdelay $0x3  }
0x37: {  	[smem:$0x3FA9] =	sst s10  }
0x38: {  	s10 =	sld [smem:$0x3FAA]  }
0x39: {  	_ = 	snop;
	(pc) =	sbr.ind lr, $3  }
0x3a: {  	_ = 	snop  }
0x3b: {  	_ = 	snop  }
0x3c: {  	p2 =	seq.s32 s10, $0x1;
	s10 =	sld [smem:$0x3FA9]  }
0x3d: {  	_ =	shalt  }
0x3e: {  	_ =	shalt  }
0x3f: {  	_ =	shalt  }
0x40: {  	_ =	shalt  }
0x41: {  	_ =	shalt  }
0x42: {  	_ =	shalt  }
0x43: {  	_ =	shalt  }
0x44: {  	_ =	shalt  }
0x45: {  	_ =	shalt  }
0x46: {  	_ =	shalt  }
0x47: {  	_ =	shalt  }
0x48: {  	_ =	shalt  }
0x49: {  	_ =	shalt  }
0x4a: {  	_ =	shalt  }
0x4b: {  	_ =	shalt  }
0x4c: {  	_ =	shalt  }
0x4d: {  	_ =	shalt  }
0x4e: {  	_ =	shalt  }
0x4f: {  	_ =	shalt  }
0x50: {  	_ =	shalt  }
0x51: {  	_ =	shalt  }
0x52: {  	_ =	shalt  }
0x53: {  	_ =	shalt  }
0x54: {  	_ =	shalt  }
0x55: {  	_ =	shalt  }
0x56: {  	_ =	shalt  }
0x57: {  	_ =	shalt  }
0x58: {  	_ =	shalt  }
0x59: {  	_ =	shalt  }
0x5a: {  	_ =	shalt  }
0x5b: {  	_ =	shalt  }
0x5c: {  	_ =	shalt  }
0x5d: {  	_ =	shalt  }
0x5e: {  	_ =	shalt  }
0x5f: {  	_ =	shalt  }
0x60: {  	_ =	shalt  }
0x61: {  	_ =	shalt  }
0x62: {  	_ =	shalt  }
0x63: {  	_ =	shalt  }
0x64: {  	_ =	shalt  }
0x65: {  	_ =	shalt  }
0x66: {  	_ =	shalt  }
0x67: {  	_ =	shalt  }
0x68: {  	_ =	shalt  }
0x69: {  	_ =	shalt  }
0x6a: {  	_ =	shalt  }
0x6b: {  	_ =	shalt  }
0x6c: {  	_ =	shalt  }
0x6d: {  	_ =	shalt  }
0x6e: {  	_ =	shalt  }
0x6f: {  	_ =	shalt  }
0x70: {  	_ =	shalt  }
0x71: {  	_ =	shalt  }
0x72: {  	_ =	shalt  }
0x73: {  	_ =	shalt  }
0x74: {  	_ =	shalt  }
0x75: {  	_ =	shalt  }
0x76: {  	_ =	shalt  }
0x77: {  	_ =	shalt  }
0x78: {  	_ =	shalt  }
0x79: {  	_ =	shalt  }
0x7a: {  	_ =	shalt  }
0x7b: {  	_ =	shalt  }
0x7c: {  	_ =	shalt  }
0x7d: {  	_ =	shalt  }
0x7e: {  	_ =	shalt  }
0x7f: {  	_ =	shalt  }
0x80: {  	_ =	shalt  }
0x81: {  	_ =	shalt  }
0x82: {  	_ =	shalt  }
0x83: {  	_ =	shalt  }
0x84: {  	_ =	shalt  }
0x85: {  	_ =	shalt  }
0x86: {  	_ =	shalt  }
0x87: {  	_ =	shalt  }
.Lfunc_end0:
.L_simem_size_0:
called_computation_lowered:
.L_overlay_start_0:
0x88: {  	s2 =	sld [smem:$0x3FD9]  }
0x89: {  	s3 =	sld [smem:$0x3FFE];
	_ =	sdelay $0x1  }
0x8a: {  	s1 =	srdreg.scid  }
0x8b: {  	s0 =	sand.u32 $0x1, s1  }
0x8c: {  	s16 =	sshll.u32 s0, $0xA;
	s2 =	sadd.s32 s3, s2  }
0x8d: {  	s2 =	sadd.s32 s2, s16  }
0x8e: {  	[smem:$0x3FB5] =	sst s2  }
0x8f: {  	_ = 	snop  }
0x90: {  	(tm) =	ssettm $0x1  }
0x91: {  	s17 =	sld [smem:$0x3FFB];
	_ =	sdelay $0x3  }
0x92: {  	_ =	strace s17  }
0x93: {  	s2 =	sld [smem:$0x3FFC];
	_ =	sdelay $0x3  }
0x94: {  	_ =	strace s2  }
0x95: {  	s2 =	sld [smem:$0x3FFD];
	_ =	sdelay $0x3  }
0x96: {  	_ =	strace s2  }
0x97: {  	_ =	strace $0x8FFFFFFF  }
0x98: {  	s18 =	sld [smem:$0x3FDB];
	_ =	sdelay $0x1  }
0x99: {  	s19 =	simm.s32 $_scs_section_size  }
0x9a: {  	s4 =	simm.s32 $_size__tile_overlayer_lowered;
	s5 =	simm.s32 $_tile_overlayer_lowered  }
0x9b: {  	s22 =	simm.s32 $0x1BFF;
	s21 =	sshll.u32 s5, $0x1;
	s2 =	sadd.s32 s19, s18  }
0x9c: {  	s6 =	simm.s32 $0x0;
	s20 =	sshll.u32 s4, $0x1;
	s4 =	sadd.s32 s21, s2  }
0x9d: {  	[timem:s6], [sflag:s22] =	dma.local [hbm:s4], s20  }
0x9e: {  	_ =	swait.ge [sflag:s22], s20  }
0x9f: {  	s3 =	ssub.s32 $0x0, s20;
	[sflag:s22] =	ssyncset.done $0x0  }
0xa0: {  	[sflag:s22] =	ssyncadd.s32 s3;
	_ =	sdelay $0x1  }
0xa1: {  	s23 =	simm.s32 $0x1B8B  }
0xa2: {  	_ =	swait.ge [sflag:s23], $0x1  }
0xa3: {  	[sflag:s23] =	ssyncset.done $0x0  }
0xa4: {  	s25 =	simm.s32 $0x1B8E;
	s24 =	sld [smem:$0x3FFE];
	[sflag:s23] =	ssyncadd.s32 $0xFFFFFFFF  }
0xa5: {  	s26 =	simm.s32 $execute0_lowered;
	[smem:$0x3FD2] =	sst s25  }
0xa6: {  	s4 =	sshll.u32 s26, $0x1;
	_ =	strace $0x80000046;
	[dreg:$0x1] =	wrdreg $0xFFFFFFFF  }
0xa7: {  	s28 =	simm.s32 $_size_execute0_lowered;
	s2 =	sadd.s32 s2, s4;
	[dreg:$0x0] =	wrdreg $0x0  }
0xa8: {  	s4 =	sshll.u32 s28, $0x1;
	[dreg:$0x2] =	wrdreg s2  }
0xa9: {  	[dreg:$0x3] =	wrdreg s4  }
0xaa: {  	[dreg:$0x4] =	wrdreg $0xC0  }
0xab: {  	_ =	task [dreg:s6], $0x5FFFF  }
0xac: {  	[dreg:$0x1] =	wrdreg $0xFFFFFFFF  }
0xad: {  	[dreg:$0x0] =	wrdreg $0x60  }
0xae: {  	[dreg:$0x2] =	wrdreg s24  }
0xaf: {  	[dreg:$0x3] =	wrdreg $0x9  }
0xb0: {  	_ =	task.clear_ibuf [dreg:s6], $0x4FFFF;
	_ =	strace $0x90000046  }
0xb1: {  	s29 =	simm.s32 $0x9;
	_ =	strace $0x80000048  }
0xb2: {  	_ =	swait.ge [sflag:s29], $0x1  }
0xb3: {  	[sflag:s29] =	ssyncadd.s32 $0xFFFFFFFF  }
0xb4: {  	_ =	strace $0x90000048  }
0xb5: {  	_ =	sfence  }
0xb6: {  	s30 =	sld [smem:$0x0];
	_ =	sdelay $0x2  }
0xb7: {  	s31 =	sshll.u32 s1, $0xD;
	s1 =	sshrl.u32 s1, $0x2  }
0xb8: {  	s3 =	sand.u32 $0x4000, s31;
	s1 =	sadd.s32 s1, s30  }
0xb9: {  	s0 =	sor.u32 s3, s0;
	s1 =	sshll.u32 s1, $0x11  }
0xba: {  	s0 =	sor.u32 s1, s0  }
0xbb: {  	s0 =	sadd.s32 $0x8F2B, s0  }
0xbc: {  	[sflag:s0] =	ssyncadd.remote.s32 $0x1  }
0xbd: {  	_ =	sfence.sel $0xFFFF  }
0xbe: {  	[dreg:$0x0] =	wrdreg $0xFFFFFFFF;
	(pc) =	sbr.abs _section_cstart, $3  }
0xbf: {  	[dreg:$0x1] =	wrdreg $0xFFFFFFFF  }
0xc0: {  	_ =	task.clear_ibuf [dreg:s6], $0x2FFFF;
	_ =	strace $0x9FFFFFFF  }
0xc1: {  	(tm) =	ssettm $0x7FFFFFFF  }
tec
execute0_lowered:
.L_overlay_start_1:
0x0: {  	(tag) =	ssettag $0x1  }
0x1: {  	s1 =	srdreg.scid  }
0x2: {  	s0 =	stileid.u32;
	s4 =	rddreg [dreg:$0x0]  }
0x3: {  	s2 =	simm.s32 $0x0;
	s11 =	simm.s32 $0x1C00;
	s12 =	simm.s32 $0x1  }
0x4: {  	s13 =	simm.s32 $0x2;
	s14 =	simm.s32 $0x0;
	s7 =	smul.u32 $0x50, s0  }
0x5: {  	s5 =	sand.u32 $0x1, s1;
	s1 =	rddreg [dreg:$0x1];
	s28 =	smul.u32 $0x5000, s0  }
0x6: {  	s3 =	sshll.u32 s0, $0x1;
	[smem:$0x7FF] =	sst s2;
	s9 =	smul.u32 $0x28, s5  }
0x7: {  	s10 =	sadd.s32 $0x7C000, s4;
	s3 =	sor.u32 s5, s3;
	s30 =	smul.u32 $0x2800, s5  }
0x8: {  	_ =	strace $0x80000047;
	s8 =	ssub.s32 $0x2, s5;
	s6 =	smul.u32 $0x280, s3  }
0x9: {  	s3 =	sadd.s32 $0x2C000, s4;
	s26 =	sshrl.u32 s8, $0x1;
	s31 =	sadd.s32 s28, s10  }
0xa: {  	s8 =	ssub.s32 s8, s26;
	s7 =	sadd.s32 s9, s7;
	s9 =	simm.s32 $0x80  }
0xb: {  	s6 =	sadd.s32 s6, s4;
	s29 =	sshll.u32 s7, $0x8;
	s5 =	smax.u32 s8, $0x1  }
0xc: {  	s7 =	sadd.s32 s30, s31;
	s4 =	sadd.s32 $0x31000, s6;
	s6 =	sadd.s32 s29, s10  }
0xd: {  	s8 =	simm.s32 $0x3;
	s10 =	simm.s32 $0x1400;
	s6 =	sadd.s32 $0x100, s6  }
.LBB2_1:
0xe: {  	[tilespmem:s2], [sflag:$0x3] =	stream.linear.gather [hbm4b:s4+s2], $0x1400, $0x38;
	[tilespmem:$0x2400] =	vst v63  }
0xf: {  	_ =	swait.ge [sflag:s8], $0x1400  }
0x10: {  	[sflag:s8] =	ssyncset.done $0x0  }
0x11: {  	[sflag:s8] =	ssyncadd.s32 $0xFFFFEC00  }
0x12: {  	[tilespmem:s10], [sflag:$0x1] =	stream.indirect.gather [hbm4b:s3+s9], $0x10, s2, s9, $0xb8;
	[tilespmem:$0x2400] =	vst v63  }
0x13: {  	s15 =	simm.s32 $0x80  }
0x14: {  	[tilespmem:s11], [sflag:$0x2] =	stream.indirect.gather [hbm4b:s3+s9], $0x10, s15, s9, $0xb8;
	[tilespmem:$0x2400] =	vst v63  }
0x15: {  	_ =	swait.ge [sflag:s12], $0x800  }
0x16: {  	[sflag:s12] =	ssyncset.done $0x0  }
0x17: {  	s30 =	sadd.s32 $0x0, s7;
	[sflag:s12] =	ssyncadd.s32 $0xFFFFF800  }
0x18: {  	[hbm4b:s30+s2] =	stream.linear.scatter [tilespmem:s10], [sflag:$0x3], $0x800, $0x38;
	[tilespmem:$0x2400] =	vst v63  }
0x19: {  	_ =	swait.ge [sflag:s8], $0x800  }
0x1a: {  	[sflag:s8] =	ssyncset.done $0x0  }
0x1b: {  	[sflag:s8] =	ssyncadd.s32 $0xFFFFF800  }
0x1c: {  	_ =	swait.ge [sflag:s13], $0x800  }
0x1d: {  	[sflag:s13] =	ssyncset.done $0x0  }
0x1e: {  	s31 =	sadd.s32 $0x0, s6;
	[sflag:s13] =	ssyncadd.s32 $0xFFFFF800  }
0x1f: {  	[hbm4b:s31+s2] =	stream.linear.scatter [tilespmem:s11], [sflag:$0x3], $0x800, $0x38;
	[tilespmem:$0x2400] =	vst v63  }
0x20: {  	_ =	swait.ge [sflag:s8], $0x800  }
0x21: {  	s16 =	simm.s32 $0x0;
	s15 =	simm.s32 $0x200;
	[sflag:s8] =	ssyncset.done $0x0  }
.LBB2_2:
0x22: {  	p0 =	sne.s32 s15, $0x2600;
	[sflag:s8] =	ssyncadd.s32 $0xFFFFF800;
	s16 =	sadd.s32 $0x100, s16  }
0x23: {  	[tilespmem:s10], [sflag:$0x1] =	stream.indirect.gather [hbm4b:s3+s9], $0x10, s16, s9, $0xb8;
	[tilespmem:$0x2400] =	vst v63  }
0x24: {  	s18 =	smov.u32 s15;
	s15 =	sadd.s32 $0x200, s15;
	s17 =	sadd.s32 $0x80, s16  }
0x25: {  	[tilespmem:s11], [sflag:$0x2] =	stream.indirect.gather [hbm4b:s3+s9], $0x10, s17, s9, $0xb8;
	[tilespmem:$0x2400] =	vst v63  }
0x26: {  	_ =	swait.ge [sflag:s12], $0x800  }
0x27: {  	[sflag:s12] =	ssyncset.done $0x0  }
0x28: {  	s17 =	sadd.s32 s18, s7;
	[sflag:s12] =	ssyncadd.s32 $0xFFFFF800  }
0x29: {  	[hbm4b:s17+s2] =	stream.linear.scatter [tilespmem:s10], [sflag:$0x3], $0x800, $0x38;
	[tilespmem:$0x2400] =	vst v63  }
0x2a: {  	_ =	swait.ge [sflag:s8], $0x800  }
0x2b: {  	[sflag:s8] =	ssyncset.done $0x0  }
0x2c: {  	[sflag:s8] =	ssyncadd.s32 $0xFFFFF800  }
0x2d: {  	_ =	swait.ge [sflag:s13], $0x800  }
.Ltmp0:
0x2e: {  	[sflag:s13] =	ssyncset.done $0x0;
	(pc) =	sbr.rel @p0 .LBB2_2-.Ltmp0, $4  }
0x2f: {  	s17 =	sadd.s32 s18, s6;
	[sflag:s13] =	ssyncadd.s32 $0xFFFFF800  }
0x30: {  	[hbm4b:s17+s2] =	stream.linear.scatter [tilespmem:s11], [sflag:$0x3], $0x800, $0x38;
	[tilespmem:$0x2400] =	vst v63  }
0x31: {  	_ =	swait.ge [sflag:s8], $0x800  }
0x32: {  	[sflag:s8] =	ssyncset.done $0x0  }
0x33: {  	s14 =	sadd.s32 $0x1, s14  }
0x34: {  	p0 =	sne.s32 s14, s5  }
.Ltmp1:
0x35: {  	_ = 	snop;
	(pc) =	sbr.rel @p0 .LBB2_1-.Ltmp1, $2  }
0x36: {  	_ =	sdelay $0x2  }
0x37: {  	[sflag:s8] =	ssyncadd.s32 $0xFFFFF800  }
0x38: {  	_ =	sfence.sel $0x180000  }
0x39: {  	[bflag:$0x0] =	sbarrier.arrive $0xFFFF  }
0x3a: {  	p0 =	sne.s32 s0, $0x0;
	_ =	strace $0x90000047  }
0x3b: {  	s0 =	sadd.s32 @!p0 $0x100000, s1;
	[bflag:$0x2] =	sbarrier.arrive $0xFFFF  }
0x3c: {  	[sflag:s0] =	ssyncadd.tile.s32 @!p0 $0x1;
	_ =	shalt  }
.Lfunc_end2:
_tile_overlayer_lowered:
.L_overlay_start_2:
0x3d: {  	(tag) =	ssettag $0x2  }
0x3e: {  	s0 =	rddreg [dreg:$0x0];
	s2 =	stileid.u32  }
0x3f: {  	s1 =	rddreg [dreg:$0x1];
	p0 =	sne.s32 s2, $0x0  }
0x40: {  	s3 =	rddreg [dreg:$0x2];
	[bflag:$0x3] =	sbarrier.arrive $0xFFFF;
	s2 =	simm.s32 @!p0 $0x1C03  }
0x41: {  	[timem:s3], [sflag:s2] =	dma.local @!p0 [hbm:s0], s1  }
0x42: {  	s0 =	simm.s32 @!p0 $0x3  }
0x43: {  	_ =	swait.ge @!p0 [sflag:s0], s1  }
0x44: {  	s1 =	ssub.s32 @!p0 $0x0, s1;
	[sflag:s0] =	ssyncset.done @!p0 $0x0  }
0x45: {  	[sflag:s0] =	ssyncadd.s32 @!p0 s1  }
0x46: {  	[bflag:$0x3] =	sbarrier.arrive $0xFFFF  }
0x47: {  	_ =	shalt  }

// kernel: kernel.16.cloned.1.call-start
scs
__scs_entry_jumppad:
0x0: {  	(pc) =	sbr.rel $0x88, $3  }
0x1: {  	(tag) =	ssettag $0x0;
	lr =	simm.s32 $0x1  }
0x2: {  	[smem:$0x3F8E] =	sst lr;
	_ =	strace $0xD0000000  }
0x3: {  	_ = 	snop  }
0x4: {  	_ = 	snop  }
0x5: {  	_ = 	snop  }
0x6: {  	_ = 	snop  }
0x7: {  	_ = 	snop  }
__scs_overlays_trampoline_lowered:
0x8: {  	[smem:$0x3F9D] =	sst s0  }
0x9: {  	[smem:$0x3F9E] =	sst s1  }
0xa: {  	[smem:$0x3F9F] =	sst s2  }
0xb: {  	[smem:$0x3FA0] =	sst s3  }
0xc: {  	[smem:$0x3FA1] =	sst s4  }
0xd: {  	[smem:$0x3FA2] =	sst s5  }
0xe: {  	[smem:$0x3FA3] =	sst s6  }
0xf: {  	[smem:$0x3FA4] =	sst s7  }
0x10: {  	[smem:$0x3FA5] =	sst s8  }
0x11: {  	[smem:$0x3FA6] =	sst s9;
	s0 =	simm.s32 @!p0 $0x0  }
0x12: {  	s1 =	sld [smem:$0x3F8C];
	s0 =	simm.s32 @p0 $0x1  }
0x13: {  	[smem:$0x3FA7] =	sst s0;
	s0 =	simm.s32 @!p1 $0x0  }
0x14: {  	s2 =	sld [smem:$0x3F8B];
	s0 =	simm.s32 @p1 $0x1  }
0x15: {  	[smem:$0x3FA8] =	sst s0;
	s0 =	simm.s32 @!p2 $0x0  }
0x16: {  	s3 =	sld [smem:$0x3FDB];
	s0 =	simm.s32 @p2 $0x1  }
0x17: {  	s4 =	simm.s32 $0x1BF5;
	[smem:$0x3FAA] =	sst s0  }
0x18: {  	s0 =	sld [smem:$0x3F8D];
	_ =	swait.ge [sflag:s4], $0x0  }
0x19: {  	s7 =	sld [smem:$0x3F8E]  }
0x1a: {  	s8 =	sadd.s32 $0xFFFFE003, lr  }
0x1b: {  	s9 =	sadd.s32 $0xFFFFFEF7, lr;
	s5 =	simm.s32 $0xFFFFFFFF;
	p2 =	slt.u32 s8, $0xFFFFF086  }
0x1c: {  	p1 =	slt.u32 s9, $0xF7A;
	s5 =	simm.s32 @!p2 $0x0  }
0x1d: {  	s5 =	simm.s32 @p1 $0x1;
	p0 =	seq.s32 s7, s2  }
0x1e: {  	s7 =	smul.u32 @!p0 $0xF7A, s2;
	p2 =	seq.s32 @!p0 s5, $0x0  }
0x1f: {  	s9 =	smul.u32 $0xF7A, s1;
	s8 =	simm.s32 @!p0 $0x1BF5;
	p2 =	por !p2, p0  }
0x20: {  	[sflag:s8] =	ssyncset.s32 @!p0 $0xFFFFF086;
	s6 =	sadd.s32 @!p0 s3, s7;
	s7 =	simm.s32 @!p0 $0x108  }
0x21: {  	s3 =	sadd.s32 s3, s9;
	s6 =	sadd.s32 @!p0 $0x88, s6;
	s7 =	simm.s32 @p2 $0x1082  }
0x22: {  	[simem:s7], [sflag:s8] =	dma.local @!p0 [hbm:s6], $0xF7A  }
0x23: {  	s9 =	sor.u32 $0xD0000000, s2;
	s6 =	simm.s32 $0x108;
	_ =	swait.ge @!p0 [sflag:s8], $0x0  }
0x24: {  	s3 =	sadd.s32 $0x88, s3;
	s6 =	simm.s32 @!p1 $0x1082;
	[sflag:s4] =	ssyncset.s32 $0xFFFFF086  }
0x25: {  	[simem:s6], [sflag:s4] =	dma.local [hbm:s3], $0xF7A  }
0x26: {  	[smem:$0x3F8E] =	sst s1;
	(tag) =	ssettag s2;
	_ =	strace s9  }
0x27: {  	s1 =	sld [smem:$0x3F9E]  }
0x28: {  	s2 =	sld [smem:$0x3F9F]  }
0x29: {  	s4 =	sld [smem:$0x3FA1]  }
0x2a: {  	p0 =	seq.s32 s5, $0x0;
	s5 =	sld [smem:$0x3FA2]  }
0x2b: {  	s6 =	sld [smem:$0x3FA3]  }
0x2c: {  	s7 =	sld [smem:$0x3FA4]  }
0x2d: {  	s3 =	simm.s32 $0x108;
	s8 =	sld [smem:$0x3FA5]  }
0x2e: {  	s3 =	simm.s32 @!p0 $0x1082;
	s9 =	sld [smem:$0x3FA6]  }
0x2f: {  	lr =	sadd.s32 s0, s3;
	s0 =	sld [smem:$0x3F9D]  }
0x30: {  	s3 =	sld [smem:$0x3FA0]  }
0x31: {  	[smem:$0x3FA9] =	sst s10  }
0x32: {  	s10 =	sld [smem:$0x3FA7];
	_ =	sdelay $0x3  }
0x33: {  	p0 =	seq.s32 s10, $0x1;
	s10 =	sld [smem:$0x3FA9];
	_ =	sdelay $0x3  }
0x34: {  	[smem:$0x3FA9] =	sst s10  }
0x35: {  	s10 =	sld [smem:$0x3FA8];
	_ =	sdelay $0x3  }
0x36: {  	p1 =	seq.s32 s10, $0x1;
	s10 =	sld [smem:$0x3FA9];
	_ =	sdelay $0x3  }
0x37: {  	[smem:$0x3FA9] =	sst s10  }
0x38: {  	s10 =	sld [smem:$0x3FAA]  }
0x39: {  	_ = 	snop;
	(pc) =	sbr.ind lr, $3  }
0x3a: {  	_ = 	snop  }
0x3b: {  	_ = 	snop  }
0x3c: {  	p2 =	seq.s32 s10, $0x1;
	s10 =	sld [smem:$0x3FA9]  }
0x3d: {  	_ =	shalt  }
0x3e: {  	_ =	shalt  }
0x3f: {  	_ =	shalt  }
0x40: {  	_ =	shalt  }
0x41: {  	_ =	shalt  }
0x42: {  	_ =	shalt  }
0x43: {  	_ =	shalt  }
0x44: {  	_ =	shalt  }
0x45: {  	_ =	shalt  }
0x46: {  	_ =	shalt  }
0x47: {  	_ =	shalt  }
0x48: {  	_ =	shalt  }
0x49: {  	_ =	shalt  }
0x4a: {  	_ =	shalt  }
0x4b: {  	_ =	shalt  }
0x4c: {  	_ =	shalt  }
0x4d: {  	_ =	shalt  }
0x4e: {  	_ =	shalt  }
0x4f: {  	_ =	shalt  }
0x50: {  	_ =	shalt  }
0x51: {  	_ =	shalt  }
0x52: {  	_ =	shalt  }
0x53: {  	_ =	shalt  }
0x54: {  	_ =	shalt  }
0x55: {  	_ =	shalt  }
0x56: {  	_ =	shalt  }
0x57: {  	_ =	shalt  }
0x58: {  	_ =	shalt  }
0x59: {  	_ =	shalt  }
0x5a: {  	_ =	shalt  }
0x5b: {  	_ =	shalt  }
0x5c: {  	_ =	shalt  }
0x5d: {  	_ =	shalt  }
0x5e: {  	_ =	shalt  }
0x5f: {  	_ =	shalt  }
0x60: {  	_ =	shalt  }
0x61: {  	_ =	shalt  }
0x62: {  	_ =	shalt  }
0x63: {  	_ =	shalt  }
0x64: {  	_ =	shalt  }
0x65: {  	_ =	shalt  }
0x66: {  	_ =	shalt  }
0x67: {  	_ =	shalt  }
0x68: {  	_ =	shalt  }
0x69: {  	_ =	shalt  }
0x6a: {  	_ =	shalt  }
0x6b: {  	_ =	shalt  }
0x6c: {  	_ =	shalt  }
0x6d: {  	_ =	shalt  }
0x6e: {  	_ =	shalt  }
0x6f: {  	_ =	shalt  }
0x70: {  	_ =	shalt  }
0x71: {  	_ =	shalt  }
0x72: {  	_ =	shalt  }
0x73: {  	_ =	shalt  }
0x74: {  	_ =	shalt  }
0x75: {  	_ =	shalt  }
0x76: {  	_ =	shalt  }
0x77: {  	_ =	shalt  }
0x78: {  	_ =	shalt  }
0x79: {  	_ =	shalt  }
0x7a: {  	_ =	shalt  }
0x7b: {  	_ =	shalt  }
0x7c: {  	_ =	shalt  }
0x7d: {  	_ =	shalt  }
0x7e: {  	_ =	shalt  }
0x7f: {  	_ =	shalt  }
0x80: {  	_ =	shalt  }
0x81: {  	_ =	shalt  }
0x82: {  	_ =	shalt  }
0x83: {  	_ =	shalt  }
0x84: {  	_ =	shalt  }
0x85: {  	_ =	shalt  }
0x86: {  	_ =	shalt  }
0x87: {  	_ =	shalt  }
.Lfunc_end0:
.L_simem_size_0:
called_computation.1_lowered:
.L_overlay_start_0:
0x88: {  	s2 =	sld [smem:$0x3FD9]  }
0x89: {  	s3 =	sld [smem:$0x3FFE];
	_ =	sdelay $0x1  }
0x8a: {  	s1 =	srdreg.scid  }
0x8b: {  	s0 =	sand.u32 $0x1, s1  }
0x8c: {  	s17 =	sshll.u32 s0, $0xA;
	s2 =	sadd.s32 s3, s2  }
0x8d: {  	s2 =	sadd.s32 s2, s17  }
0x8e: {  	[smem:$0x3FB5] =	sst s2  }
0x8f: {  	_ = 	snop  }
0x90: {  	(tm) =	ssettm $0x1  }
0x91: {  	s18 =	sld [smem:$0x3FFB];
	_ =	sdelay $0x3  }
0x92: {  	_ =	strace s18  }
0x93: {  	s2 =	sld [smem:$0x3FFC];
	_ =	sdelay $0x3  }
0x94: {  	_ =	strace s2  }
0x95: {  	s2 =	sld [smem:$0x3FFD];
	_ =	sdelay $0x3  }
0x96: {  	_ =	strace s2  }
0x97: {  	_ =	strace $0x8FFFFFFF  }
0x98: {  	s19 =	sld [smem:$0x3FDB];
	_ =	sdelay $0x1  }
0x99: {  	s20 =	simm.s32 $_scs_section_size  }
0x9a: {  	s4 =	simm.s32 $_size__tile_overlayer_lowered;
	s5 =	simm.s32 $_tile_overlayer_lowered  }
0x9b: {  	s6 =	simm.s32 $0x1BFF;
	s21 =	sshll.u32 s5, $0x1;
	s3 =	sadd.s32 s20, s19  }
0x9c: {  	s22 =	simm.s32 $0x0;
	s4 =	sshll.u32 s4, $0x1;
	s5 =	sadd.s32 s21, s3  }
0x9d: {  	[timem:s22], [sflag:s6] =	dma.local [hbm:s5], s4  }
0x9e: {  	_ =	swait.ge [sflag:s6], s4  }
0x9f: {  	s4 =	ssub.s32 $0x0, s4;
	[sflag:s6] =	ssyncset.done $0x0  }
0xa0: {  	[sflag:s6] =	ssyncadd.s32 s4;
	_ =	sdelay $0x1  }
0xa1: {  	s23 =	simm.s32 $0x1B8B  }
0xa2: {  	_ =	swait.ge [sflag:s23], $0x1  }
0xa3: {  	[sflag:s23] =	ssyncset.done $0x0  }
0xa4: {  	[sflag:s23] =	ssyncadd.s32 $0xFFFFFFFF  }
0xa5: {  	s4 =	sld [smem:$0x0]  }
0xa6: {  	s5 =	sand.u32 $0xFFFFFFFE, s1  }
0xa7: {  	p0 =	sne.s32 s1, s5  }
0xa8: {  	s5 =	sshll.u32 @p0 s5, $0xE  }
0xa9: {  	s5 =	sadd.s32 @p0 $0x11B8D, s5;
	s6 =	sshll.u32 @p0 s4, $0x11  }
0xaa: {  	s5 =	sor.u32 @p0 s6, s5  }
0xab: {  	[sflag:s5] =	ssyncadd.remote.s32 @p0 $0x1;
	_ =	sdelay $0x1  }
0xac: {  	s5 =	simm.s32 @p0 $0x1B8D  }
0xad: {  	_ =	swait.eq @p0 [sflag:s5], $0x1  }
0xae: {  	[sflag:s5] =	ssyncadd.s32 @p0 $0xFFFFFFFF  }
0xaf: {  	s6 =	sshll.u32 @!p0 s1, $0xE  }
0xb0: {  	s6 =	sor.u32 @!p0 $0x4000, s6;
	s5 =	simm.s32 @!p0 $0x1B8D  }
0xb1: {  	s4 =	sshll.u32 @!p0 s4, $0x11;
	s6 =	sadd.s32 @!p0 $0x11B8D, s6;
	_ =	swait.eq @!p0 [sflag:s5], $0x1  }
0xb2: {  	s4 =	sor.u32 @!p0 s4, s6;
	[sflag:s5] =	ssyncadd.s32 @!p0 $0xFFFFFFFF  }
0xb3: {  	s25 =	simm.s32 $0x1B8E;
	s24 =	sld [smem:$0x3FFE];
	[sflag:s4] =	ssyncadd.remote.s32 @!p0 $0x1  }
0xb4: {  	s26 =	simm.s32 $execute0_lowered;
	[smem:$0x3FD2] =	sst s25  }
0xb5: {  	s5 =	sshll.u32 s26, $0x1;
	_ =	strace $0x80000049;
	[dreg:$0x1] =	wrdreg $0xFFFFFFFF  }
0xb6: {  	s28 =	simm.s32 $_size_execute0_lowered;
	s3 =	sadd.s32 s3, s5;
	[dreg:$0x0] =	wrdreg $0x0  }
0xb7: {  	s5 =	sshll.u32 s28, $0x1;
	[dreg:$0x2] =	wrdreg s3  }
0xb8: {  	[dreg:$0x3] =	wrdreg s5  }
0xb9: {  	[dreg:$0x4] =	wrdreg $0xC0  }
0xba: {  	_ =	task [dreg:s22], $0x5FFFF  }
0xbb: {  	[dreg:$0x1] =	wrdreg $0xFFFFFFFF  }
0xbc: {  	[dreg:$0x0] =	wrdreg $0x60  }
0xbd: {  	[dreg:$0x2] =	wrdreg s24  }
0xbe: {  	[dreg:$0x3] =	wrdreg $0xA  }
0xbf: {  	_ =	task.clear_ibuf [dreg:s22], $0x4FFFF;
	_ =	strace $0x90000049  }
0xc0: {  	s29 =	simm.s32 $0xA;
	_ =	strace $0x8000004B  }
0xc1: {  	_ =	swait.ge [sflag:s29], $0x1  }
0xc2: {  	[sflag:s29] =	ssyncadd.s32 $0xFFFFFFFF  }
0xc3: {  	_ =	strace $0x9000004B  }
0xc4: {  	_ =	sfence  }
0xc5: {  	s30 =	sld [smem:$0x0];
	_ =	sdelay $0x2  }
0xc6: {  	s31 =	sshll.u32 s1, $0xD;
	s1 =	sshrl.u32 s1, $0x2  }
0xc7: {  	s4 =	sand.u32 $0x4000, s31;
	s1 =	sadd.s32 s1, s30  }
0xc8: {  	s0 =	sor.u32 s4, s0;
	s1 =	sshll.u32 s1, $0x11  }
0xc9: {  	s0 =	sor.u32 s1, s0  }
0xca: {  	s0 =	sadd.s32 $0x8F2B, s0  }
0xcb: {  	[sflag:s0] =	ssyncadd.remote.s32 $0x1  }
0xcc: {  	_ =	sfence.sel $0xFFFF  }
0xcd: {  	[dreg:$0x0] =	wrdreg $0xFFFFFFFF;
	(pc) =	sbr.abs _section_cstart, $3  }
0xce: {  	[dreg:$0x1] =	wrdreg $0xFFFFFFFF  }
0xcf: {  	_ =	task.clear_ibuf [dreg:s22], $0x2FFFF;
	_ =	strace $0x9FFFFFFF  }
0xd0: {  	(tm) =	ssettm $0x7FFFFFFF  }
0xd1: {  	_ =	shalt  }
tec
execute0_lowered:
.L_overlay_start_1:
0x0: {  	(tag) =	ssettag $0x1  }
0x1: {  	s1 =	srdreg.scid  }
0x2: {  	s0 =	stileid.u32;
	s4 =	rddreg [dreg:$0x0]  }
0x3: {  	s2 =	simm.s32 $0x0;
	s11 =	simm.s32 $0x1200;
	s12 =	simm.s32 $0x1  }
0x4: {  	s13 =	simm.s32 $0x2;
	s14 =	simm.s32 $0x0;
	s7 =	smul.u32 $0x28, s0  }
0x5: {  	s5 =	sand.u32 $0x1, s1;
	s1 =	rddreg [dreg:$0x1];
	s28 =	smul.u32 $0x2800, s0  }
0x6: {  	s3 =	sshll.u32 s0, $0x1;
	[smem:$0x7FF] =	sst s2;
	s9 =	smul.u32 $0x14, s5  }
0x7: {  	s10 =	sadd.s32 $0xCC000, s4;
	s3 =	sor.u32 s5, s3;
	s30 =	smul.u32 $0x1400, s5  }
0x8: {  	_ =	strace $0x8000004A;
	s8 =	ssub.s32 $0x2, s5;
	s6 =	smul.u32 $0x140, s3  }
0x9: {  	s3 =	sadd.s32 $0x38800, s4;
	s26 =	sshrl.u32 s8, $0x1;
	s31 =	sadd.s32 s28, s10  }
0xa: {  	s8 =	ssub.s32 s8, s26;
	s7 =	sadd.s32 s9, s7;
	s9 =	simm.s32 $0x80  }
0xb: {  	s6 =	sadd.s32 s6, s4;
	s29 =	sshll.u32 s7, $0x8;
	s5 =	smax.u32 s8, $0x1  }
0xc: {  	s7 =	sadd.s32 s30, s31;
	s4 =	sadd.s32 $0x36000, s6;
	s6 =	sadd.s32 s29, s10  }
0xd: {  	s8 =	simm.s32 $0x3;
	s10 =	simm.s32 $0xA00;
	s6 =	sadd.s32 $0x100, s6  }
.LBB2_1:
0xe: {  	[tilespmem:s2], [sflag:$0x3] =	stream.linear.gather [hbm4b:s4+s2], $0xA00, $0x38;
	[tilespmem:$0x1A00] =	vst v63  }
0xf: {  	_ =	swait.ge [sflag:s8], $0xA00  }
0x10: {  	[sflag:s8] =	ssyncset.done $0x0  }
0x11: {  	[sflag:s8] =	ssyncadd.s32 $0xFFFFF600  }
0x12: {  	[tilespmem:s10], [sflag:$0x1] =	stream.indirect.gather [hbm4b:s3+s9], $0x10, s2, s9, $0xb8;
	[tilespmem:$0x1A00] =	vst v63  }
0x13: {  	s15 =	simm.s32 $0x80  }
0x14: {  	[tilespmem:s11], [sflag:$0x2] =	stream.indirect.gather [hbm4b:s3+s9], $0x10, s15, s9, $0xb8;
	[tilespmem:$0x1A00] =	vst v63  }
0x15: {  	_ =	swait.ge [sflag:s12], $0x800  }
0x16: {  	[sflag:s12] =	ssyncset.done $0x0  }
0x17: {  	s30 =	sadd.s32 $0x0, s7;
	[sflag:s12] =	ssyncadd.s32 $0xFFFFF800  }
0x18: {  	[hbm4b:s30+s2] =	stream.linear.scatter [tilespmem:s10], [sflag:$0x3], $0x800, $0x38;
	[tilespmem:$0x1A00] =	vst v63  }
0x19: {  	_ =	swait.ge [sflag:s8], $0x800  }
0x1a: {  	[sflag:s8] =	ssyncset.done $0x0  }
0x1b: {  	[sflag:s8] =	ssyncadd.s32 $0xFFFFF800  }
0x1c: {  	_ =	swait.ge [sflag:s13], $0x800  }
0x1d: {  	[sflag:s13] =	ssyncset.done $0x0  }
0x1e: {  	s31 =	sadd.s32 $0x0, s6;
	[sflag:s13] =	ssyncadd.s32 $0xFFFFF800  }
0x1f: {  	[hbm4b:s31+s2] =	stream.linear.scatter [tilespmem:s11], [sflag:$0x3], $0x800, $0x38;
	[tilespmem:$0x1A00] =	vst v63  }
0x20: {  	_ =	swait.ge [sflag:s8], $0x800  }
0x21: {  	s16 =	simm.s32 $0x0;
	s15 =	simm.s32 $0x200;
	[sflag:s8] =	ssyncset.done $0x0  }
.LBB2_2:
0x22: {  	p0 =	sne.s32 s15, $0x1200;
	[sflag:s8] =	ssyncadd.s32 $0xFFFFF800;
	s16 =	sadd.s32 $0x100, s16  }
0x23: {  	[tilespmem:s10], [sflag:$0x1] =	stream.indirect.gather [hbm4b:s3+s9], $0x10, s16, s9, $0xb8;
	[tilespmem:$0x1A00] =	vst v63  }
0x24: {  	s18 =	smov.u32 s15;
	s15 =	sadd.s32 $0x200, s15;
	s17 =	sadd.s32 $0x80, s16  }
0x25: {  	[tilespmem:s11], [sflag:$0x2] =	stream.indirect.gather [hbm4b:s3+s9], $0x10, s17, s9, $0xb8;
	[tilespmem:$0x1A00] =	vst v63  }
0x26: {  	_ =	swait.ge [sflag:s12], $0x800  }
0x27: {  	[sflag:s12] =	ssyncset.done $0x0  }
0x28: {  	s17 =	sadd.s32 s18, s7;
	[sflag:s12] =	ssyncadd.s32 $0xFFFFF800  }
0x29: {  	[hbm4b:s17+s2] =	stream.linear.scatter [tilespmem:s10], [sflag:$0x3], $0x800, $0x38;
	[tilespmem:$0x1A00] =	vst v63  }
0x2a: {  	_ =	swait.ge [sflag:s8], $0x800  }
0x2b: {  	[sflag:s8] =	ssyncset.done $0x0  }
0x2c: {  	[sflag:s8] =	ssyncadd.s32 $0xFFFFF800  }
0x2d: {  	_ =	swait.ge [sflag:s13], $0x800  }
.Ltmp0:
0x2e: {  	[sflag:s13] =	ssyncset.done $0x0;
	(pc) =	sbr.rel @p0 .LBB2_2-.Ltmp0, $4  }
0x2f: {  	s17 =	sadd.s32 s18, s6;
	[sflag:s13] =	ssyncadd.s32 $0xFFFFF800  }
0x30: {  	[hbm4b:s17+s2] =	stream.linear.scatter [tilespmem:s11], [sflag:$0x3], $0x800, $0x38;
	[tilespmem:$0x1A00] =	vst v63  }
0x31: {  	_ =	swait.ge [sflag:s8], $0x800  }
0x32: {  	[sflag:s8] =	ssyncset.done $0x0  }
0x33: {  	s14 =	sadd.s32 $0x1, s14  }
0x34: {  	p0 =	sne.s32 s14, s5  }
.Ltmp1:
0x35: {  	_ = 	snop;
	(pc) =	sbr.rel @p0 .LBB2_1-.Ltmp1, $2  }
0x36: {  	_ =	sdelay $0x2  }
0x37: {  	[sflag:s8] =	ssyncadd.s32 $0xFFFFF800  }
0x38: {  	_ =	sfence.sel $0x180000  }
0x39: {  	[bflag:$0x0] =	sbarrier.arrive $0xFFFF  }
0x3a: {  	p0 =	sne.s32 s0, $0x0;
	_ =	strace $0x9000004A  }
0x3b: {  	s0 =	sadd.s32 @!p0 $0x100000, s1;
	[bflag:$0x2] =	sbarrier.arrive $0xFFFF  }
0x3c: {  	[sflag:s0] =	ssyncadd.tile.s32 @!p0 $0x1;
	_ =	shalt  }
.Lfunc_end2:
_tile_overlayer_lowered:
.L_overlay_start_2:
0x3d: {  	(tag) =	ssettag $0x2  }
0x3e: {  	s0 =	rddreg [dreg:$0x0];
	s2 =	stileid.u32  }
0x3f: {  	s1 =	rddreg [dreg:$0x1];
	p0 =	sne.s32 s2, $0x0  }
0x40: {  	s3 =	rddreg [dreg:$0x2];
	[bflag:$0x3] =	sbarrier.arrive $0xFFFF;
	s2 =	simm.s32 @!p0 $0x1C03  }
0x41: {  	[timem:s3], [sflag:s2] =	dma.local @!p0 [hbm:s0], s1  }
0x42: {  	s0 =	simm.s32 @!p0 $0x3  }
0x43: {  	_ =	swait.ge @!p0 [sflag:s0], s1  }
0x44: {  	s1 =	ssub.s32 @!p0 $0x0, s1;
	[sflag:s0] =	ssyncset.done @!p0 $0x0  }
0x45: {  	[sflag:s0] =	ssyncadd.s32 @!p0 s1  }
0x46: {  	[bflag:$0x3] =	sbarrier.arrive $0xFFFF  }
0x47: {  	_ =	shalt  }

// kernel: kernel.19.cloned.1.call-start
scs
__scs_entry_jumppad:
0x0: {  	(pc) =	sbr.rel $0x88, $3  }
0x1: {  	(tag) =	ssettag $0x0;
	lr =	simm.s32 $0x1  }
0x2: {  	[smem:$0x3F8E] =	sst lr;
	_ =	strace $0xD0000000  }
0x3: {  	_ = 	snop  }
0x4: {  	_ = 	snop  }
0x5: {  	_ = 	snop  }
0x6: {  	_ = 	snop  }
0x7: {  	_ = 	snop  }
__scs_overlays_trampoline_lowered:
0x8: {  	[smem:$0x3F9D] =	sst s0  }
0x9: {  	[smem:$0x3F9E] =	sst s1  }
0xa: {  	[smem:$0x3F9F] =	sst s2  }
0xb: {  	[smem:$0x3FA0] =	sst s3  }
0xc: {  	[smem:$0x3FA1] =	sst s4  }
0xd: {  	[smem:$0x3FA2] =	sst s5  }
0xe: {  	[smem:$0x3FA3] =	sst s6  }
0xf: {  	[smem:$0x3FA4] =	sst s7  }
0x10: {  	[smem:$0x3FA5] =	sst s8  }
0x11: {  	[smem:$0x3FA6] =	sst s9;
	s0 =	simm.s32 @!p0 $0x0  }
0x12: {  	s1 =	sld [smem:$0x3F8C];
	s0 =	simm.s32 @p0 $0x1  }
0x13: {  	[smem:$0x3FA7] =	sst s0;
	s0 =	simm.s32 @!p1 $0x0  }
0x14: {  	s2 =	sld [smem:$0x3F8B];
	s0 =	simm.s32 @p1 $0x1  }
0x15: {  	[smem:$0x3FA8] =	sst s0;
	s0 =	simm.s32 @!p2 $0x0  }
0x16: {  	s3 =	sld [smem:$0x3FDB];
	s0 =	simm.s32 @p2 $0x1  }
0x17: {  	s4 =	simm.s32 $0x1BF5;
	[smem:$0x3FAA] =	sst s0  }
0x18: {  	s0 =	sld [smem:$0x3F8D];
	_ =	swait.ge [sflag:s4], $0x0  }
0x19: {  	s7 =	sld [smem:$0x3F8E]  }
0x1a: {  	s8 =	sadd.s32 $0xFFFFE003, lr  }
0x1b: {  	s9 =	sadd.s32 $0xFFFFFEF7, lr;
	s5 =	simm.s32 $0xFFFFFFFF;
	p2 =	slt.u32 s8, $0xFFFFF086  }
0x1c: {  	p1 =	slt.u32 s9, $0xF7A;
	s5 =	simm.s32 @!p2 $0x0  }
0x1d: {  	s5 =	simm.s32 @p1 $0x1;
	p0 =	seq.s32 s7, s2  }
0x1e: {  	s7 =	smul.u32 @!p0 $0xF7A, s2;
	p2 =	seq.s32 @!p0 s5, $0x0  }
0x1f: {  	s9 =	smul.u32 $0xF7A, s1;
	s8 =	simm.s32 @!p0 $0x1BF5;
	p2 =	por !p2, p0  }
0x20: {  	[sflag:s8] =	ssyncset.s32 @!p0 $0xFFFFF086;
	s6 =	sadd.s32 @!p0 s3, s7;
	s7 =	simm.s32 @!p0 $0x108  }
0x21: {  	s3 =	sadd.s32 s3, s9;
	s6 =	sadd.s32 @!p0 $0x88, s6;
	s7 =	simm.s32 @p2 $0x1082  }
0x22: {  	[simem:s7], [sflag:s8] =	dma.local @!p0 [hbm:s6], $0xF7A  }
0x23: {  	s9 =	sor.u32 $0xD0000000, s2;
	s6 =	simm.s32 $0x108;
	_ =	swait.ge @!p0 [sflag:s8], $0x0  }
0x24: {  	s3 =	sadd.s32 $0x88, s3;
	s6 =	simm.s32 @!p1 $0x1082;
	[sflag:s4] =	ssyncset.s32 $0xFFFFF086  }
0x25: {  	[simem:s6], [sflag:s4] =	dma.local [hbm:s3], $0xF7A  }
0x26: {  	[smem:$0x3F8E] =	sst s1;
	(tag) =	ssettag s2;
	_ =	strace s9  }
0x27: {  	s1 =	sld [smem:$0x3F9E]  }
0x28: {  	s2 =	sld [smem:$0x3F9F]  }
0x29: {  	s4 =	sld [smem:$0x3FA1]  }
0x2a: {  	p0 =	seq.s32 s5, $0x0;
	s5 =	sld [smem:$0x3FA2]  }
0x2b: {  	s6 =	sld [smem:$0x3FA3]  }
0x2c: {  	s7 =	sld [smem:$0x3FA4]  }
0x2d: {  	s3 =	simm.s32 $0x108;
	s8 =	sld [smem:$0x3FA5]  }
0x2e: {  	s3 =	simm.s32 @!p0 $0x1082;
	s9 =	sld [smem:$0x3FA6]  }
0x2f: {  	lr =	sadd.s32 s0, s3;
	s0 =	sld [smem:$0x3F9D]  }
0x30: {  	s3 =	sld [smem:$0x3FA0]  }
0x31: {  	[smem:$0x3FA9] =	sst s10  }
0x32: {  	s10 =	sld [smem:$0x3FA7];
	_ =	sdelay $0x3  }
0x33: {  	p0 =	seq.s32 s10, $0x1;
	s10 =	sld [smem:$0x3FA9];
	_ =	sdelay $0x3  }
0x34: {  	[smem:$0x3FA9] =	sst s10  }
0x35: {  	s10 =	sld [smem:$0x3FA8];
	_ =	sdelay $0x3  }
0x36: {  	p1 =	seq.s32 s10, $0x1;
	s10 =	sld [smem:$0x3FA9];
	_ =	sdelay $0x3  }
0x37: {  	[smem:$0x3FA9] =	sst s10  }
0x38: {  	s10 =	sld [smem:$0x3FAA]  }
0x39: {  	_ = 	snop;
	(pc) =	sbr.ind lr, $3  }
0x3a: {  	_ = 	snop  }
0x3b: {  	_ = 	snop  }
0x3c: {  	p2 =	seq.s32 s10, $0x1;
	s10 =	sld [smem:$0x3FA9]  }
0x3d: {  	_ =	shalt  }
0x3e: {  	_ =	shalt  }
0x3f: {  	_ =	shalt  }
0x40: {  	_ =	shalt  }
0x41: {  	_ =	shalt  }
0x42: {  	_ =	shalt  }
0x43: {  	_ =	shalt  }
0x44: {  	_ =	shalt  }
0x45: {  	_ =	shalt  }
0x46: {  	_ =	shalt  }
0x47: {  	_ =	shalt  }
0x48: {  	_ =	shalt  }
0x49: {  	_ =	shalt  }
0x4a: {  	_ =	shalt  }
0x4b: {  	_ =	shalt  }
0x4c: {  	_ =	shalt  }
0x4d: {  	_ =	shalt  }
0x4e: {  	_ =	shalt  }
0x4f: {  	_ =	shalt  }
0x50: {  	_ =	shalt  }
0x51: {  	_ =	shalt  }
0x52: {  	_ =	shalt  }
0x53: {  	_ =	shalt  }
0x54: {  	_ =	shalt  }
0x55: {  	_ =	shalt  }
0x56: {  	_ =	shalt  }
0x57: {  	_ =	shalt  }
0x58: {  	_ =	shalt  }
0x59: {  	_ =	shalt  }
0x5a: {  	_ =	shalt  }
0x5b: {  	_ =	shalt  }
0x5c: {  	_ =	shalt  }
0x5d: {  	_ =	shalt  }
0x5e: {  	_ =	shalt  }
0x5f: {  	_ =	shalt  }
0x60: {  	_ =	shalt  }
0x61: {  	_ =	shalt  }
0x62: {  	_ =	shalt  }
0x63: {  	_ =	shalt  }
0x64: {  	_ =	shalt  }
0x65: {  	_ =	shalt  }
0x66: {  	_ =	shalt  }
0x67: {  	_ =	shalt  }
0x68: {  	_ =	shalt  }
0x69: {  	_ =	shalt  }
0x6a: {  	_ =	shalt  }
0x6b: {  	_ =	shalt  }
0x6c: {  	_ =	shalt  }
0x6d: {  	_ =	shalt  }
0x6e: {  	_ =	shalt  }
0x6f: {  	_ =	shalt  }
0x70: {  	_ =	shalt  }
0x71: {  	_ =	shalt  }
0x72: {  	_ =	shalt  }
0x73: {  	_ =	shalt  }
0x74: {  	_ =	shalt  }
0x75: {  	_ =	shalt  }
0x76: {  	_ =	shalt  }
0x77: {  	_ =	shalt  }
0x78: {  	_ =	shalt  }
0x79: {  	_ =	shalt  }
0x7a: {  	_ =	shalt  }
0x7b: {  	_ =	shalt  }
0x7c: {  	_ =	shalt  }
0x7d: {  	_ =	shalt  }
0x7e: {  	_ =	shalt  }
0x7f: {  	_ =	shalt  }
0x80: {  	_ =	shalt  }
0x81: {  	_ =	shalt  }
0x82: {  	_ =	shalt  }
0x83: {  	_ =	shalt  }
0x84: {  	_ =	shalt  }
0x85: {  	_ =	shalt  }
0x86: {  	_ =	shalt  }
0x87: {  	_ =	shalt  }
.Lfunc_end0:
.L_simem_size_0:
called_computation.2_lowered:
.L_overlay_start_0:
0x88: {  	s2 =	sld [smem:$0x3FD9]  }
0x89: {  	s3 =	sld [smem:$0x3FFE];
	_ =	sdelay $0x1  }
0x8a: {  	s1 =	srdreg.scid  }
0x8b: {  	s0 =	sand.u32 $0x1, s1  }
0x8c: {  	s16 =	sshll.u32 s0, $0xA;
	s2 =	sadd.s32 s3, s2  }
0x8d: {  	s2 =	sadd.s32 s2, s16  }
0x8e: {  	[smem:$0x3FB5] =	sst s2  }
0x8f: {  	_ = 	snop  }
0x90: {  	(tm) =	ssettm $0x1  }
0x91: {  	s17 =	sld [smem:$0x3FFB];
	_ =	sdelay $0x3  }
0x92: {  	_ =	strace s17  }
0x93: {  	s2 =	sld [smem:$0x3FFC];
	_ =	sdelay $0x3  }
0x94: {  	_ =	strace s2  }
0x95: {  	s2 =	sld [smem:$0x3FFD];
	_ =	sdelay $0x3  }
0x96: {  	_ =	strace s2  }
0x97: {  	_ =	strace $0x8FFFFFFF  }
0x98: {  	s18 =	sld [smem:$0x3FDB];
	_ =	sdelay $0x1  }
0x99: {  	s19 =	simm.s32 $_scs_section_size  }
0x9a: {  	s4 =	simm.s32 $_size__tile_overlayer_lowered;
	s5 =	simm.s32 $_tile_overlayer_lowered  }
0x9b: {  	s22 =	simm.s32 $0x1BFF;
	s21 =	sshll.u32 s5, $0x1;
	s2 =	sadd.s32 s19, s18  }
0x9c: {  	s6 =	simm.s32 $0x0;
	s20 =	sshll.u32 s4, $0x1;
	s4 =	sadd.s32 s21, s2  }
0x9d: {  	[timem:s6], [sflag:s22] =	dma.local [hbm:s4], s20  }
0x9e: {  	_ =	swait.ge [sflag:s22], s20  }
0x9f: {  	s3 =	ssub.s32 $0x0, s20;
	[sflag:s22] =	ssyncset.done $0x0  }
0xa0: {  	[sflag:s22] =	ssyncadd.s32 s3;
	_ =	sdelay $0x1  }
0xa1: {  	s23 =	simm.s32 $0x1B8B  }
0xa2: {  	_ =	swait.ge [sflag:s23], $0x1  }
0xa3: {  	[sflag:s23] =	ssyncset.done $0x0  }
0xa4: {  	s25 =	simm.s32 $0x1B8E;
	s24 =	sld [smem:$0x3FFE];
	[sflag:s23] =	ssyncadd.s32 $0xFFFFFFFF  }
0xa5: {  	s26 =	simm.s32 $execute0_lowered;
	[smem:$0x3FD2] =	sst s25  }
0xa6: {  	s4 =	sshll.u32 s26, $0x1;
	_ =	strace $0x8000004C;
	[dreg:$0x1] =	wrdreg $0xFFFFFFFF  }
0xa7: {  	s28 =	simm.s32 $_size_execute0_lowered;
	s2 =	sadd.s32 s2, s4;
	[dreg:$0x0] =	wrdreg $0x0  }
0xa8: {  	s4 =	sshll.u32 s28, $0x1;
	[dreg:$0x2] =	wrdreg s2  }
0xa9: {  	[dreg:$0x3] =	wrdreg s4  }
0xaa: {  	[dreg:$0x4] =	wrdreg $0xC0  }
0xab: {  	_ =	task [dreg:s6], $0x5FFFF  }
0xac: {  	[dreg:$0x1] =	wrdreg $0xFFFFFFFF  }
0xad: {  	[dreg:$0x0] =	wrdreg $0x60  }
0xae: {  	[dreg:$0x2] =	wrdreg s24  }
0xaf: {  	[dreg:$0x3] =	wrdreg $0x9  }
0xb0: {  	_ =	task.clear_ibuf [dreg:s6], $0x4FFFF;
	_ =	strace $0x9000004C  }
0xb1: {  	s29 =	simm.s32 $0x9;
	_ =	strace $0x8000004E  }
0xb2: {  	_ =	swait.ge [sflag:s29], $0x1  }
0xb3: {  	[sflag:s29] =	ssyncadd.s32 $0xFFFFFFFF  }
0xb4: {  	_ =	strace $0x9000004E  }
0xb5: {  	_ =	sfence  }
0xb6: {  	s30 =	sld [smem:$0x0];
	_ =	sdelay $0x2  }
0xb7: {  	s31 =	sshll.u32 s1, $0xD;
	s1 =	sshrl.u32 s1, $0x2  }
0xb8: {  	s3 =	sand.u32 $0x4000, s31;
	s1 =	sadd.s32 s1, s30  }
0xb9: {  	s0 =	sor.u32 s3, s0;
	s1 =	sshll.u32 s1, $0x11  }
0xba: {  	s0 =	sor.u32 s1, s0  }
0xbb: {  	s0 =	sadd.s32 $0x8F2B, s0  }
0xbc: {  	[sflag:s0] =	ssyncadd.remote.s32 $0x1  }
0xbd: {  	_ =	sfence.sel $0xFFFF  }
0xbe: {  	[dreg:$0x0] =	wrdreg $0xFFFFFFFF;
	(pc) =	sbr.abs _section_cstart, $3  }
0xbf: {  	[dreg:$0x1] =	wrdreg $0xFFFFFFFF  }
0xc0: {  	_ =	task.clear_ibuf [dreg:s6], $0x2FFFF;
	_ =	strace $0x9FFFFFFF  }
0xc1: {  	(tm) =	ssettm $0x7FFFFFFF  }
tec
execute0_lowered:
.L_overlay_start_1:
0x0: {  	(tag) =	ssettag $0x1  }
0x1: {  	s1 =	srdreg.scid  }
0x2: {  	s0 =	stileid.u32;
	s4 =	rddreg [dreg:$0x0]  }
0x3: {  	s2 =	simm.s32 $0x0;
	s9 =	simm.s32 $0x1400;
	s10 =	simm.s32 $0x4400  }
0x4: {  	s11 =	simm.s32 $0x1;
	s12 =	simm.s32 $0x2;
	s13 =	simm.s32 $0x0  }
0x5: {  	s5 =	sand.u32 $0x1, s1;
	s3 =	sshll.u32 s0, $0x1;
	s1 =	rddreg [dreg:$0x1]  }
0x6: {  	[smem:$0x7FF] =	sst s2;
	s7 =	smul.u32 $0x1E000, s0;
	s3 =	sor.u32 s5, s3  }
0x7: {  	_ =	strace $0x8000004D;
	s8 =	ssub.s32 $0x2, s5;
	s5 =	smul.u32 $0xF000, s5  }
0x8: {  	s6 =	smul.u32 $0x280, s3;
	s7 =	sadd.s32 s7, s4;
	s30 =	sshrl.u32 s8, $0x1  }
0x9: {  	s3 =	sadd.s32 $0x36000, s4;
	s8 =	ssub.s32 s8, s30;
	s31 =	sadd.s32 s5, s7  }
0xa: {  	s7 =	simm.s32 $0x3;
	s6 =	sadd.s32 s6, s4;
	s5 =	smax.u32 s8, $0x1  }
0xb: {  	s8 =	simm.s32 $0x80;
	s4 =	sadd.s32 $0x31000, s6;
	s6 =	sadd.s32 $0xCC600, s31  }
.LBB2_1:
0xc: {  	[tilespmem:s2], [sflag:$0x3] =	stream.linear.gather [hbm4b:s4+s2], $0x1400, $0x38;
	[tilespmem:$0x7400] =	vst v63  }
0xd: {  	_ =	swait.ge [sflag:s7], $0x1400  }
0xe: {  	[sflag:s7] =	ssyncset.done $0x0  }
0xf: {  	s14 =	simm.s32 $0x0;
	[sflag:s7] =	ssyncadd.s32 $0xFFFFEC00  }
0x10: {  	[tilespmem:s9], [sflag:$0x1] =	stream.indirect.gather [hbm4b:s3+s8], $0x60, s14, s8, $0xb8;
	[tilespmem:$0x7400] =	vst v63  }
0x11: {  	s30 =	simm.s32 $0x80  }
0x12: {  	[tilespmem:s10], [sflag:$0x2] =	stream.indirect.gather [hbm4b:s3+s8], $0x60, s30, s8, $0xb8;
	[tilespmem:$0x7400] =	vst v63  }
0x13: {  	_ =	swait.ge [sflag:s11], $0x3000  }
0x14: {  	[sflag:s11] =	ssyncset.done $0x0  }
0x15: {  	s31 =	sadd.s32 $0xFFFFFA00, s6;
	[sflag:s11] =	ssyncadd.s32 $0xFFFFD000  }
0x16: {  	[hbm4b:s31+s2] =	stream.linear.scatter [tilespmem:s9], [sflag:$0x3], $0x3000, $0x38;
	[tilespmem:$0x7400] =	vst v63  }
0x17: {  	_ =	swait.ge [sflag:s7], $0x3000  }
0x18: {  	[sflag:s7] =	ssyncset.done $0x0  }
0x19: {  	[sflag:s7] =	ssyncadd.s32 $0xFFFFD000  }
0x1a: {  	_ =	swait.ge [sflag:s12], $0x3000  }
0x1b: {  	[sflag:s12] =	ssyncset.done $0x0  }
0x1c: {  	[sflag:s12] =	ssyncadd.s32 $0xFFFFD000  }
0x1d: {  	[hbm4b:s6+s2] =	stream.linear.scatter [tilespmem:s10], [sflag:$0x3], $0x3000, $0x38;
	[tilespmem:$0x7400] =	vst v63  }
0x1e: {  	s15 =	simm.s32 $0x400;
	_ =	swait.ge [sflag:s7], $0x3000  }
0x1f: {  	s16 =	simm.s32 $0x800;
	s14 =	sadd.s32 $0xC00, s6;
	[sflag:s7] =	ssyncset.done $0x0  }
.LBB2_2:
0x20: {  	s17 =	sshra.s32 s15, $0x2  }
0x21: {  	[sflag:s7] =	ssyncadd.s32 $0xFFFFD000;
	s15 =	smov.u32 s16;
	s18 =	sadd.s32 $0x400, s16  }
0x22: {  	[tilespmem:s9], [sflag:$0x1] =	stream.indirect.gather [hbm4b:s3+s8], $0x60, s17, s8, $0xb8;
	[tilespmem:$0x7400] =	vst v63  }
0x23: {  	p0 =	sne.s32 s16, $0x4C00;
	s16 =	sadd.s32 $0x80, s17  }
0x24: {  	[tilespmem:s10], [sflag:$0x2] =	stream.indirect.gather [hbm4b:s3+s8], $0x60, s16, s8, $0xb8;
	[tilespmem:$0x7400] =	vst v63  }
0x25: {  	_ =	swait.ge [sflag:s11], $0x3000  }
0x26: {  	[sflag:s11] =	ssyncset.done $0x0  }
0x27: {  	s16 =	sadd.s32 $0xFFFFFA00, s14;
	[sflag:s11] =	ssyncadd.s32 $0xFFFFD000  }
0x28: {  	[hbm4b:s16+s2] =	stream.linear.scatter [tilespmem:s9], [sflag:$0x3], $0x3000, $0x38;
	[tilespmem:$0x7400] =	vst v63  }
0x29: {  	_ =	swait.ge [sflag:s7], $0x3000  }
0x2a: {  	[sflag:s7] =	ssyncset.done $0x0  }
0x2b: {  	[sflag:s7] =	ssyncadd.s32 $0xFFFFD000  }
0x2c: {  	_ =	swait.ge [sflag:s12], $0x3000  }
.Ltmp0:
0x2d: {  	[sflag:s12] =	ssyncset.done $0x0;
	(pc) =	sbr.rel @p0 .LBB2_2-.Ltmp0, $4  }
0x2e: {  	[sflag:s12] =	ssyncadd.s32 $0xFFFFD000  }
0x2f: {  	[hbm4b:s14+s2] =	stream.linear.scatter [tilespmem:s10], [sflag:$0x3], $0x3000, $0x38;
	[tilespmem:$0x7400] =	vst v63  }
0x30: {  	_ =	swait.ge [sflag:s7], $0x3000  }
0x31: {  	s16 =	smov.u32 s18;
	s14 =	sadd.s32 $0xC00, s14;
	[sflag:s7] =	ssyncset.done $0x0  }
0x32: {  	s15 =	sshra.s32 s15, $0x2;
	[sflag:s7] =	ssyncadd.s32 $0xFFFFD000  }
0x33: {  	[tilespmem:s9], [sflag:$0x1] =	stream.indirect.gather [hbm4b:s3+s8], $0x60, s15, s8, $0xb8;
	[tilespmem:$0x7400] =	vst v63  }
0x34: {  	s15 =	sadd.s32 $0x80, s15  }
0x35: {  	[tilespmem:s10], [sflag:$0x2] =	stream.indirect.gather [hbm4b:s3+s8], $0x60, s15, s8, $0xb8;
	[tilespmem:$0x7400] =	vst v63  }
0x36: {  	_ =	swait.ge [sflag:s11], $0x3000  }
0x37: {  	[sflag:s11] =	ssyncset.done $0x0  }
0x38: {  	s31 =	sadd.s32 $0xFFFFFA00, s14;
	[sflag:s11] =	ssyncadd.s32 $0xFFFFD000  }
0x39: {  	[hbm4b:s31+s2] =	stream.linear.scatter [tilespmem:s9], [sflag:$0x3], $0x3000, $0x38;
	[tilespmem:$0x7400] =	vst v63  }
0x3a: {  	_ =	swait.ge [sflag:s7], $0x3000  }
0x3b: {  	[sflag:s7] =	ssyncset.done $0x0  }
0x3c: {  	[sflag:s7] =	ssyncadd.s32 $0xFFFFD000  }
0x3d: {  	s13 =	sadd.s32 $0x1, s13;
	_ =	swait.ge [sflag:s12], $0x3000  }
0x3e: {  	p0 =	sne.s32 s13, s5;
	[sflag:s12] =	ssyncset.done $0x0  }
.Ltmp1:
0x3f: {  	[sflag:s12] =	ssyncadd.s32 $0xFFFFD000;
	(pc) =	sbr.rel @p0 .LBB2_1-.Ltmp1, $4  }
0x40: {  	[hbm4b:s14+s2] =	stream.linear.scatter [tilespmem:s10], [sflag:$0x3], $0x3000, $0x38;
	[tilespmem:$0x7400] =	vst v63  }
0x41: {  	_ =	swait.ge [sflag:s7], $0x3000  }
0x42: {  	[sflag:s7] =	ssyncset.done $0x0  }
0x43: {  	[sflag:s7] =	ssyncadd.s32 $0xFFFFD000  }
0x44: {  	_ =	sfence.sel $0x180000  }
0x45: {  	[bflag:$0x0] =	sbarrier.arrive $0xFFFF  }
0x46: {  	p0 =	sne.s32 s0, $0x0;
	_ =	strace $0x9000004D  }
0x47: {  	s0 =	sadd.s32 @!p0 $0x100000, s1;
	[bflag:$0x2] =	sbarrier.arrive $0xFFFF  }
0x48: {  	[sflag:s0] =	ssyncadd.tile.s32 @!p0 $0x1;
	_ =	shalt  }
.Lfunc_end2:
_tile_overlayer_lowered:
.L_overlay_start_2:
0x49: {  	(tag) =	ssettag $0x2  }
0x4a: {  	s0 =	rddreg [dreg:$0x0];
	s2 =	stileid.u32  }
0x4b: {  	s1 =	rddreg [dreg:$0x1];
	p0 =	sne.s32 s2, $0x0  }
0x4c: {  	s3 =	rddreg [dreg:$0x2];
	[bflag:$0x3] =	sbarrier.arrive $0xFFFF;
	s2 =	simm.s32 @!p0 $0x1C03  }
0x4d: {  	[timem:s3], [sflag:s2] =	dma.local @!p0 [hbm:s0], s1  }
0x4e: {  	s0 =	simm.s32 @!p0 $0x3  }
0x4f: {  	_ =	swait.ge @!p0 [sflag:s0], s1  }
0x50: {  	s1 =	ssub.s32 @!p0 $0x0, s1;
	[sflag:s0] =	ssyncset.done @!p0 $0x0  }
0x51: {  	[sflag:s0] =	ssyncadd.s32 @!p0 s1  }
0x52: {  	[bflag:$0x3] =	sbarrier.arrive $0xFFFF  }
0x53: {  	_ =	shalt  }

// kernel: kernel.22.cloned.1.call-start
scs
__scs_entry_jumppad:
0x0: {  	(pc) =	sbr.rel $0x88, $3  }
0x1: {  	(tag) =	ssettag $0x0;
	lr =	simm.s32 $0x1  }
0x2: {  	[smem:$0x3F8E] =	sst lr;
	_ =	strace $0xD0000000  }
0x3: {  	_ = 	snop  }
0x4: {  	_ = 	snop  }
0x5: {  	_ = 	snop  }
0x6: {  	_ = 	snop  }
0x7: {  	_ = 	snop  }
__scs_overlays_trampoline_lowered:
0x8: {  	[smem:$0x3F9D] =	sst s0  }
0x9: {  	[smem:$0x3F9E] =	sst s1  }
0xa: {  	[smem:$0x3F9F] =	sst s2  }
0xb: {  	[smem:$0x3FA0] =	sst s3  }
0xc: {  	[smem:$0x3FA1] =	sst s4  }
0xd: {  	[smem:$0x3FA2] =	sst s5  }
0xe: {  	[smem:$0x3FA3] =	sst s6  }
0xf: {  	[smem:$0x3FA4] =	sst s7  }
0x10: {  	[smem:$0x3FA5] =	sst s8  }
0x11: {  	[smem:$0x3FA6] =	sst s9;
	s0 =	simm.s32 @!p0 $0x0  }
0x12: {  	s1 =	sld [smem:$0x3F8C];
	s0 =	simm.s32 @p0 $0x1  }
0x13: {  	[smem:$0x3FA7] =	sst s0;
	s0 =	simm.s32 @!p1 $0x0  }
0x14: {  	s2 =	sld [smem:$0x3F8B];
	s0 =	simm.s32 @p1 $0x1  }
0x15: {  	[smem:$0x3FA8] =	sst s0;
	s0 =	simm.s32 @!p2 $0x0  }
0x16: {  	s3 =	sld [smem:$0x3FDB];
	s0 =	simm.s32 @p2 $0x1  }
0x17: {  	s4 =	simm.s32 $0x1BF5;
	[smem:$0x3FAA] =	sst s0  }
0x18: {  	s0 =	sld [smem:$0x3F8D];
	_ =	swait.ge [sflag:s4], $0x0  }
0x19: {  	s7 =	sld [smem:$0x3F8E]  }
0x1a: {  	s8 =	sadd.s32 $0xFFFFE003, lr  }
0x1b: {  	s9 =	sadd.s32 $0xFFFFFEF7, lr;
	s5 =	simm.s32 $0xFFFFFFFF;
	p2 =	slt.u32 s8, $0xFFFFF086  }
0x1c: {  	p1 =	slt.u32 s9, $0xF7A;
	s5 =	simm.s32 @!p2 $0x0  }
0x1d: {  	s5 =	simm.s32 @p1 $0x1;
	p0 =	seq.s32 s7, s2  }
0x1e: {  	s7 =	smul.u32 @!p0 $0xF7A, s2;
	p2 =	seq.s32 @!p0 s5, $0x0  }
0x1f: {  	s9 =	smul.u32 $0xF7A, s1;
	s8 =	simm.s32 @!p0 $0x1BF5;
	p2 =	por !p2, p0  }
0x20: {  	[sflag:s8] =	ssyncset.s32 @!p0 $0xFFFFF086;
	s6 =	sadd.s32 @!p0 s3, s7;
	s7 =	simm.s32 @!p0 $0x108  }
0x21: {  	s3 =	sadd.s32 s3, s9;
	s6 =	sadd.s32 @!p0 $0x88, s6;
	s7 =	simm.s32 @p2 $0x1082  }
0x22: {  	[simem:s7], [sflag:s8] =	dma.local @!p0 [hbm:s6], $0xF7A  }
0x23: {  	s9 =	sor.u32 $0xD0000000, s2;
	s6 =	simm.s32 $0x108;
	_ =	swait.ge @!p0 [sflag:s8], $0x0  }
0x24: {  	s3 =	sadd.s32 $0x88, s3;
	s6 =	simm.s32 @!p1 $0x1082;
	[sflag:s4] =	ssyncset.s32 $0xFFFFF086  }
0x25: {  	[simem:s6], [sflag:s4] =	dma.local [hbm:s3], $0xF7A  }
0x26: {  	[smem:$0x3F8E] =	sst s1;
	(tag) =	ssettag s2;
	_ =	strace s9  }
0x27: {  	s1 =	sld [smem:$0x3F9E]  }
0x28: {  	s2 =	sld [smem:$0x3F9F]  }
0x29: {  	s4 =	sld [smem:$0x3FA1]  }
0x2a: {  	p0 =	seq.s32 s5, $0x0;
	s5 =	sld [smem:$0x3FA2]  }
0x2b: {  	s6 =	sld [smem:$0x3FA3]  }
0x2c: {  	s7 =	sld [smem:$0x3FA4]  }
0x2d: {  	s3 =	simm.s32 $0x108;
	s8 =	sld [smem:$0x3FA5]  }
0x2e: {  	s3 =	simm.s32 @!p0 $0x1082;
	s9 =	sld [smem:$0x3FA6]  }
0x2f: {  	lr =	sadd.s32 s0, s3;
	s0 =	sld [smem:$0x3F9D]  }
0x30: {  	s3 =	sld [smem:$0x3FA0]  }
0x31: {  	[smem:$0x3FA9] =	sst s10  }
0x32: {  	s10 =	sld [smem:$0x3FA7];
	_ =	sdelay $0x3  }
0x33: {  	p0 =	seq.s32 s10, $0x1;
	s10 =	sld [smem:$0x3FA9];
	_ =	sdelay $0x3  }
0x34: {  	[smem:$0x3FA9] =	sst s10  }
0x35: {  	s10 =	sld [smem:$0x3FA8];
	_ =	sdelay $0x3  }
0x36: {  	p1 =	seq.s32 s10, $0x1;
	s10 =	sld [smem:$0x3FA9];
	_ =	sdelay $0x3  }
0x37: {  	[smem:$0x3FA9] =	sst s10  }
0x38: {  	s10 =	sld [smem:$0x3FAA]  }
0x39: {  	_ = 	snop;
	(pc) =	sbr.ind lr, $3  }
0x3a: {  	_ = 	snop  }
0x3b: {  	_ = 	snop  }
0x3c: {  	p2 =	seq.s32 s10, $0x1;
	s10 =	sld [smem:$0x3FA9]  }
0x3d: {  	_ =	shalt  }
0x3e: {  	_ =	shalt  }
0x3f: {  	_ =	shalt  }
0x40: {  	_ =	shalt  }
0x41: {  	_ =	shalt  }
0x42: {  	_ =	shalt  }
0x43: {  	_ =	shalt  }
0x44: {  	_ =	shalt  }
0x45: {  	_ =	shalt  }
0x46: {  	_ =	shalt  }
0x47: {  	_ =	shalt  }
0x48: {  	_ =	shalt  }
0x49: {  	_ =	shalt  }
0x4a: {  	_ =	shalt  }
0x4b: {  	_ =	shalt  }
0x4c: {  	_ =	shalt  }
0x4d: {  	_ =	shalt  }
0x4e: {  	_ =	shalt  }
0x4f: {  	_ =	shalt  }
0x50: {  	_ =	shalt  }
0x51: {  	_ =	shalt  }
0x52: {  	_ =	shalt  }
0x53: {  	_ =	shalt  }
0x54: {  	_ =	shalt  }
0x55: {  	_ =	shalt  }
0x56: {  	_ =	shalt  }
0x57: {  	_ =	shalt  }
0x58: {  	_ =	shalt  }
0x59: {  	_ =	shalt  }
0x5a: {  	_ =	shalt  }
0x5b: {  	_ =	shalt  }
0x5c: {  	_ =	shalt  }
0x5d: {  	_ =	shalt  }
0x5e: {  	_ =	shalt  }
0x5f: {  	_ =	shalt  }
0x60: {  	_ =	shalt  }
0x61: {  	_ =	shalt  }
0x62: {  	_ =	shalt  }
0x63: {  	_ =	shalt  }
0x64: {  	_ =	shalt  }
0x65: {  	_ =	shalt  }
0x66: {  	_ =	shalt  }
0x67: {  	_ =	shalt  }
0x68: {  	_ =	shalt  }
0x69: {  	_ =	shalt  }
0x6a: {  	_ =	shalt  }
0x6b: {  	_ =	shalt  }
0x6c: {  	_ =	shalt  }
0x6d: {  	_ =	shalt  }
0x6e: {  	_ =	shalt  }
0x6f: {  	_ =	shalt  }
0x70: {  	_ =	shalt  }
0x71: {  	_ =	shalt  }
0x72: {  	_ =	shalt  }
0x73: {  	_ =	shalt  }
0x74: {  	_ =	shalt  }
0x75: {  	_ =	shalt  }
0x76: {  	_ =	shalt  }
0x77: {  	_ =	shalt  }
0x78: {  	_ =	shalt  }
0x79: {  	_ =	shalt  }
0x7a: {  	_ =	shalt  }
0x7b: {  	_ =	shalt  }
0x7c: {  	_ =	shalt  }
0x7d: {  	_ =	shalt  }
0x7e: {  	_ =	shalt  }
0x7f: {  	_ =	shalt  }
0x80: {  	_ =	shalt  }
0x81: {  	_ =	shalt  }
0x82: {  	_ =	shalt  }
0x83: {  	_ =	shalt  }
0x84: {  	_ =	shalt  }
0x85: {  	_ =	shalt  }
0x86: {  	_ =	shalt  }
0x87: {  	_ =	shalt  }
.Lfunc_end0:
.L_simem_size_0:
called_computation.3_lowered:
.L_overlay_start_0:
0x88: {  	s2 =	sld [smem:$0x3FD9]  }
0x89: {  	s3 =	sld [smem:$0x3FFE];
	_ =	sdelay $0x1  }
0x8a: {  	s1 =	srdreg.scid  }
0x8b: {  	s0 =	sand.u32 $0x1, s1  }
0x8c: {  	s16 =	sshll.u32 s0, $0xA;
	s2 =	sadd.s32 s3, s2  }
0x8d: {  	s2 =	sadd.s32 s2, s16  }
0x8e: {  	[smem:$0x3FB5] =	sst s2  }
0x8f: {  	_ = 	snop  }
0x90: {  	(tm) =	ssettm $0x1  }
0x91: {  	s17 =	sld [smem:$0x3FFB];
	_ =	sdelay $0x3  }
0x92: {  	_ =	strace s17  }
0x93: {  	s2 =	sld [smem:$0x3FFC];
	_ =	sdelay $0x3  }
0x94: {  	_ =	strace s2  }
0x95: {  	s2 =	sld [smem:$0x3FFD];
	_ =	sdelay $0x3  }
0x96: {  	_ =	strace s2  }
0x97: {  	_ =	strace $0x8FFFFFFF  }
0x98: {  	s18 =	sld [smem:$0x3FDB];
	_ =	sdelay $0x1  }
0x99: {  	s19 =	simm.s32 $_scs_section_size  }
0x9a: {  	s4 =	simm.s32 $_size__tile_overlayer_lowered;
	s5 =	simm.s32 $_tile_overlayer_lowered  }
0x9b: {  	s22 =	simm.s32 $0x1BFF;
	s21 =	sshll.u32 s5, $0x1;
	s2 =	sadd.s32 s19, s18  }
0x9c: {  	s6 =	simm.s32 $0x0;
	s20 =	sshll.u32 s4, $0x1;
	s4 =	sadd.s32 s21, s2  }
0x9d: {  	[timem:s6], [sflag:s22] =	dma.local [hbm:s4], s20  }
0x9e: {  	_ =	swait.ge [sflag:s22], s20  }
0x9f: {  	s3 =	ssub.s32 $0x0, s20;
	[sflag:s22] =	ssyncset.done $0x0  }
0xa0: {  	[sflag:s22] =	ssyncadd.s32 s3;
	_ =	sdelay $0x1  }
0xa1: {  	s23 =	simm.s32 $0x1B8B  }
0xa2: {  	_ =	swait.ge [sflag:s23], $0x1  }
0xa3: {  	[sflag:s23] =	ssyncset.done $0x0  }
0xa4: {  	s25 =	simm.s32 $0x1B8E;
	s24 =	sld [smem:$0x3FFE];
	[sflag:s23] =	ssyncadd.s32 $0xFFFFFFFF  }
0xa5: {  	s26 =	simm.s32 $execute0_lowered;
	[smem:$0x3FD2] =	sst s25  }
0xa6: {  	s4 =	sshll.u32 s26, $0x1;
	_ =	strace $0x8000004F;
	[dreg:$0x1] =	wrdreg $0xFFFFFFFF  }
0xa7: {  	s28 =	simm.s32 $_size_execute0_lowered;
	s2 =	sadd.s32 s2, s4;
	[dreg:$0x0] =	wrdreg $0x0  }
0xa8: {  	s4 =	sshll.u32 s28, $0x1;
	[dreg:$0x2] =	wrdreg s2  }
0xa9: {  	[dreg:$0x3] =	wrdreg s4  }
0xaa: {  	[dreg:$0x4] =	wrdreg $0xC0  }
0xab: {  	_ =	task [dreg:s6], $0x5FFFF  }
0xac: {  	[dreg:$0x1] =	wrdreg $0xFFFFFFFF  }
0xad: {  	[dreg:$0x0] =	wrdreg $0x60  }
0xae: {  	[dreg:$0x2] =	wrdreg s24  }
0xaf: {  	[dreg:$0x3] =	wrdreg $0x9  }
0xb0: {  	_ =	task.clear_ibuf [dreg:s6], $0x4FFFF;
	_ =	strace $0x9000004F  }
0xb1: {  	s29 =	simm.s32 $0x9;
	_ =	strace $0x80000051  }
0xb2: {  	_ =	swait.ge [sflag:s29], $0x1  }
0xb3: {  	[sflag:s29] =	ssyncadd.s32 $0xFFFFFFFF  }
0xb4: {  	_ =	strace $0x90000051  }
0xb5: {  	_ =	sfence  }
0xb6: {  	s30 =	sld [smem:$0x0];
	_ =	sdelay $0x2  }
0xb7: {  	s31 =	sshll.u32 s1, $0xD;
	s1 =	sshrl.u32 s1, $0x2  }
0xb8: {  	s3 =	sand.u32 $0x4000, s31;
	s1 =	sadd.s32 s1, s30  }
0xb9: {  	s0 =	sor.u32 s3, s0;
	s1 =	sshll.u32 s1, $0x11  }
0xba: {  	s0 =	sor.u32 s1, s0  }
0xbb: {  	s0 =	sadd.s32 $0x8F2B, s0  }
0xbc: {  	[sflag:s0] =	ssyncadd.remote.s32 $0x1  }
0xbd: {  	_ =	sfence.sel $0xFFFF  }
0xbe: {  	[dreg:$0x0] =	wrdreg $0xFFFFFFFF;
	(pc) =	sbr.abs _section_cstart, $3  }
0xbf: {  	[dreg:$0x1] =	wrdreg $0xFFFFFFFF  }
0xc0: {  	_ =	task.clear_ibuf [dreg:s6], $0x2FFFF;
	_ =	strace $0x9FFFFFFF  }
0xc1: {  	(tm) =	ssettm $0x7FFFFFFF  }
tec
execute0_lowered:
.L_overlay_start_1:
0x0: {  	(tag) =	ssettag $0x1  }
0x1: {  	s1 =	srdreg.scid  }
0x2: {  	s0 =	stileid.u32;
	s4 =	rddreg [dreg:$0x0]  }
0x3: {  	s2 =	simm.s32 $0x0;
	s11 =	simm.s32 $0x3400;
	s12 =	simm.s32 $0x1  }
0x4: {  	s13 =	simm.s32 $0x2;
	s14 =	simm.s32 $0x0;
	s7 =	smul.u32 $0x50, s0  }
0x5: {  	s5 =	sand.u32 $0x1, s1;
	s1 =	rddreg [dreg:$0x1];
	s28 =	smul.u32 $0x14000, s0  }
0x6: {  	s3 =	sshll.u32 s0, $0x1;
	[smem:$0x7FF] =	sst s2;
	s9 =	smul.u32 $0x28, s5  }
0x7: {  	s10 =	sadd.s32 $0x11C000, s4;
	s3 =	sor.u32 s5, s3;
	s30 =	smul.u32 $0xA000, s5  }
0x8: {  	_ =	strace $0x80000050;
	s8 =	ssub.s32 $0x2, s5;
	s6 =	smul.u32 $0x280, s3  }
0x9: {  	s3 =	sadd.s32 $0x36000, s4;
	s26 =	sshrl.u32 s8, $0x1;
	s31 =	sadd.s32 s28, s10  }
0xa: {  	s8 =	ssub.s32 s8, s26;
	s7 =	sadd.s32 s9, s7;
	s9 =	simm.s32 $0x80  }
0xb: {  	s6 =	sadd.s32 s6, s4;
	s29 =	sshll.u32 s7, $0xA;
	s5 =	smax.u32 s8, $0x1  }
0xc: {  	s7 =	sadd.s32 s30, s31;
	s4 =	sadd.s32 $0x31000, s6;
	s6 =	sadd.s32 s29, s10  }
0xd: {  	s8 =	simm.s32 $0x3;
	s10 =	simm.s32 $0x1400;
	s6 =	sadd.s32 $0x400, s6  }
.LBB2_1:
0xe: {  	[tilespmem:s2], [sflag:$0x3] =	stream.linear.gather [hbm4b:s4+s2], $0x1400, $0x38;
	[tilespmem:$0x5400] =	vst v63  }
0xf: {  	_ =	swait.ge [sflag:s8], $0x1400  }
0x10: {  	[sflag:s8] =	ssyncset.done $0x0  }
0x11: {  	[sflag:s8] =	ssyncadd.s32 $0xFFFFEC00  }
0x12: {  	[tilespmem:s10], [sflag:$0x1] =	stream.indirect.gather [hbm4b:s3+s9], $0x40, s2, s9, $0xb8;
	[tilespmem:$0x5400] =	vst v63  }
0x13: {  	s15 =	simm.s32 $0x80  }
0x14: {  	[tilespmem:s11], [sflag:$0x2] =	stream.indirect.gather [hbm4b:s3+s9], $0x40, s15, s9, $0xb8;
	[tilespmem:$0x5400] =	vst v63  }
0x15: {  	_ =	swait.ge [sflag:s12], $0x2000  }
0x16: {  	[sflag:s12] =	ssyncset.done $0x0  }
0x17: {  	s30 =	sadd.s32 $0x0, s7;
	[sflag:s12] =	ssyncadd.s32 $0xFFFFE000  }
0x18: {  	[hbm4b:s30+s2] =	stream.linear.scatter [tilespmem:s10], [sflag:$0x3], $0x2000, $0x38;
	[tilespmem:$0x5400] =	vst v63  }
0x19: {  	_ =	swait.ge [sflag:s8], $0x2000  }
0x1a: {  	[sflag:s8] =	ssyncset.done $0x0  }
0x1b: {  	[sflag:s8] =	ssyncadd.s32 $0xFFFFE000  }
0x1c: {  	_ =	swait.ge [sflag:s13], $0x2000  }
0x1d: {  	[sflag:s13] =	ssyncset.done $0x0  }
0x1e: {  	s31 =	sadd.s32 $0x0, s6;
	[sflag:s13] =	ssyncadd.s32 $0xFFFFE000  }
0x1f: {  	[hbm4b:s31+s2] =	stream.linear.scatter [tilespmem:s11], [sflag:$0x3], $0x2000, $0x38;
	[tilespmem:$0x5400] =	vst v63  }
0x20: {  	_ =	swait.ge [sflag:s8], $0x2000  }
0x21: {  	s16 =	simm.s32 $0x0;
	s15 =	simm.s32 $0x800;
	[sflag:s8] =	ssyncset.done $0x0  }
.LBB2_2:
0x22: {  	p0 =	sne.s32 s15, $0x9800;
	[sflag:s8] =	ssyncadd.s32 $0xFFFFE000;
	s16 =	sadd.s32 $0x100, s16  }
0x23: {  	[tilespmem:s10], [sflag:$0x1] =	stream.indirect.gather [hbm4b:s3+s9], $0x40, s16, s9, $0xb8;
	[tilespmem:$0x5400] =	vst v63  }
0x24: {  	s18 =	smov.u32 s15;
	s15 =	sadd.s32 $0x800, s15;
	s17 =	sadd.s32 $0x80, s16  }
0x25: {  	[tilespmem:s11], [sflag:$0x2] =	stream.indirect.gather [hbm4b:s3+s9], $0x40, s17, s9, $0xb8;
	[tilespmem:$0x5400] =	vst v63  }
0x26: {  	_ =	swait.ge [sflag:s12], $0x2000  }
0x27: {  	[sflag:s12] =	ssyncset.done $0x0  }
0x28: {  	s17 =	sadd.s32 s18, s7;
	[sflag:s12] =	ssyncadd.s32 $0xFFFFE000  }
0x29: {  	[hbm4b:s17+s2] =	stream.linear.scatter [tilespmem:s10], [sflag:$0x3], $0x2000, $0x38;
	[tilespmem:$0x5400] =	vst v63  }
0x2a: {  	_ =	swait.ge [sflag:s8], $0x2000  }
0x2b: {  	[sflag:s8] =	ssyncset.done $0x0  }
0x2c: {  	[sflag:s8] =	ssyncadd.s32 $0xFFFFE000  }
0x2d: {  	_ =	swait.ge [sflag:s13], $0x2000  }
.Ltmp0:
0x2e: {  	[sflag:s13] =	ssyncset.done $0x0;
	(pc) =	sbr.rel @p0 .LBB2_2-.Ltmp0, $4  }
0x2f: {  	s17 =	sadd.s32 s18, s6;
	[sflag:s13] =	ssyncadd.s32 $0xFFFFE000  }
0x30: {  	[hbm4b:s17+s2] =	stream.linear.scatter [tilespmem:s11], [sflag:$0x3], $0x2000, $0x38;
	[tilespmem:$0x5400] =	vst v63  }
0x31: {  	_ =	swait.ge [sflag:s8], $0x2000  }
0x32: {  	[sflag:s8] =	ssyncset.done $0x0  }
0x33: {  	s14 =	sadd.s32 $0x1, s14  }
0x34: {  	p0 =	sne.s32 s14, s5  }
.Ltmp1:
0x35: {  	_ = 	snop;
	(pc) =	sbr.rel @p0 .LBB2_1-.Ltmp1, $2  }
0x36: {  	_ =	sdelay $0x2  }
0x37: {  	[sflag:s8] =	ssyncadd.s32 $0xFFFFE000  }
0x38: {  	_ =	sfence.sel $0x180000  }
0x39: {  	[bflag:$0x0] =	sbarrier.arrive $0xFFFF  }
0x3a: {  	p0 =	sne.s32 s0, $0x0;
	_ =	strace $0x90000050  }
0x3b: {  	s0 =	sadd.s32 @!p0 $0x100000, s1;
	[bflag:$0x2] =	sbarrier.arrive $0xFFFF  }
0x3c: {  	[sflag:s0] =	ssyncadd.tile.s32 @!p0 $0x1;
	_ =	shalt  }
.Lfunc_end2:
_tile_overlayer_lowered:
.L_overlay_start_2:
0x3d: {  	(tag) =	ssettag $0x2  }
0x3e: {  	s0 =	rddreg [dreg:$0x0];
	s2 =	stileid.u32  }
0x3f: {  	s1 =	rddreg [dreg:$0x1];
	p0 =	sne.s32 s2, $0x0  }
0x40: {  	s3 =	rddreg [dreg:$0x2];
	[bflag:$0x3] =	sbarrier.arrive $0xFFFF;
	s2 =	simm.s32 @!p0 $0x1C03  }
0x41: {  	[timem:s3], [sflag:s2] =	dma.local @!p0 [hbm:s0], s1  }
0x42: {  	s0 =	simm.s32 @!p0 $0x3  }
0x43: {  	_ =	swait.ge @!p0 [sflag:s0], s1  }
0x44: {  	s1 =	ssub.s32 @!p0 $0x0, s1;
	[sflag:s0] =	ssyncset.done @!p0 $0x0  }
0x45: {  	[sflag:s0] =	ssyncadd.s32 @!p0 s1  }
0x46: {  	[bflag:$0x3] =	sbarrier.arrive $0xFFFF  }
0x47: {  	_ =	shalt  }

// kernel: kernel.25.cloned.1.call-start
scs
__scs_entry_jumppad:
0x0: {  	(pc) =	sbr.rel $0x88, $3  }
0x1: {  	(tag) =	ssettag $0x0;
	lr =	simm.s32 $0x1  }
0x2: {  	[smem:$0x3F8E] =	sst lr;
	_ =	strace $0xD0000000  }
0x3: {  	_ = 	snop  }
0x4: {  	_ = 	snop  }
0x5: {  	_ = 	snop  }
0x6: {  	_ = 	snop  }
0x7: {  	_ = 	snop  }
__scs_overlays_trampoline_lowered:
0x8: {  	[smem:$0x3F9D] =	sst s0  }
0x9: {  	[smem:$0x3F9E] =	sst s1  }
0xa: {  	[smem:$0x3F9F] =	sst s2  }
0xb: {  	[smem:$0x3FA0] =	sst s3  }
0xc: {  	[smem:$0x3FA1] =	sst s4  }
0xd: {  	[smem:$0x3FA2] =	sst s5  }
0xe: {  	[smem:$0x3FA3] =	sst s6  }
0xf: {  	[smem:$0x3FA4] =	sst s7  }
0x10: {  	[smem:$0x3FA5] =	sst s8  }
0x11: {  	[smem:$0x3FA6] =	sst s9;
	s0 =	simm.s32 @!p0 $0x0  }
0x12: {  	s1 =	sld [smem:$0x3F8C];
	s0 =	simm.s32 @p0 $0x1  }
0x13: {  	[smem:$0x3FA7] =	sst s0;
	s0 =	simm.s32 @!p1 $0x0  }
0x14: {  	s2 =	sld [smem:$0x3F8B];
	s0 =	simm.s32 @p1 $0x1  }
0x15: {  	[smem:$0x3FA8] =	sst s0;
	s0 =	simm.s32 @!p2 $0x0  }
0x16: {  	s3 =	sld [smem:$0x3FDB];
	s0 =	simm.s32 @p2 $0x1  }
0x17: {  	s4 =	simm.s32 $0x1BF5;
	[smem:$0x3FAA] =	sst s0  }
0x18: {  	s0 =	sld [smem:$0x3F8D];
	_ =	swait.ge [sflag:s4], $0x0  }
0x19: {  	s7 =	sld [smem:$0x3F8E]  }
0x1a: {  	s8 =	sadd.s32 $0xFFFFE003, lr  }
0x1b: {  	s9 =	sadd.s32 $0xFFFFFEF7, lr;
	s5 =	simm.s32 $0xFFFFFFFF;
	p2 =	slt.u32 s8, $0xFFFFF086  }
0x1c: {  	p1 =	slt.u32 s9, $0xF7A;
	s5 =	simm.s32 @!p2 $0x0  }
0x1d: {  	s5 =	simm.s32 @p1 $0x1;
	p0 =	seq.s32 s7, s2  }
0x1e: {  	s7 =	smul.u32 @!p0 $0xF7A, s2;
	p2 =	seq.s32 @!p0 s5, $0x0  }
0x1f: {  	s9 =	smul.u32 $0xF7A, s1;
	s8 =	simm.s32 @!p0 $0x1BF5;
	p2 =	por !p2, p0  }
0x20: {  	[sflag:s8] =	ssyncset.s32 @!p0 $0xFFFFF086;
	s6 =	sadd.s32 @!p0 s3, s7;
	s7 =	simm.s32 @!p0 $0x108  }
0x21: {  	s3 =	sadd.s32 s3, s9;
	s6 =	sadd.s32 @!p0 $0x88, s6;
	s7 =	simm.s32 @p2 $0x1082  }
0x22: {  	[simem:s7], [sflag:s8] =	dma.local @!p0 [hbm:s6], $0xF7A  }
0x23: {  	s9 =	sor.u32 $0xD0000000, s2;
	s6 =	simm.s32 $0x108;
	_ =	swait.ge @!p0 [sflag:s8], $0x0  }
0x24: {  	s3 =	sadd.s32 $0x88, s3;
	s6 =	simm.s32 @!p1 $0x1082;
	[sflag:s4] =	ssyncset.s32 $0xFFFFF086  }
0x25: {  	[simem:s6], [sflag:s4] =	dma.local [hbm:s3], $0xF7A  }
0x26: {  	[smem:$0x3F8E] =	sst s1;
	(tag) =	ssettag s2;
	_ =	strace s9  }
0x27: {  	s1 =	sld [smem:$0x3F9E]  }
0x28: {  	s2 =	sld [smem:$0x3F9F]  }
0x29: {  	s4 =	sld [smem:$0x3FA1]  }
0x2a: {  	p0 =	seq.s32 s5, $0x0;
	s5 =	sld [smem:$0x3FA2]  }
0x2b: {  	s6 =	sld [smem:$0x3FA3]  }
0x2c: {  	s7 =	sld [smem:$0x3FA4]  }
0x2d: {  	s3 =	simm.s32 $0x108;
	s8 =	sld [smem:$0x3FA5]  }
0x2e: {  	s3 =	simm.s32 @!p0 $0x1082;
	s9 =	sld [smem:$0x3FA6]  }
0x2f: {  	lr =	sadd.s32 s0, s3;
	s0 =	sld [smem:$0x3F9D]  }
0x30: {  	s3 =	sld [smem:$0x3FA0]  }
0x31: {  	[smem:$0x3FA9] =	sst s10  }
0x32: {  	s10 =	sld [smem:$0x3FA7];
	_ =	sdelay $0x3  }
0x33: {  	p0 =	seq.s32 s10, $0x1;
	s10 =	sld [smem:$0x3FA9];
	_ =	sdelay $0x3  }
0x34: {  	[smem:$0x3FA9] =	sst s10  }
0x35: {  	s10 =	sld [smem:$0x3FA8];
	_ =	sdelay $0x3  }
0x36: {  	p1 =	seq.s32 s10, $0x1;
	s10 =	sld [smem:$0x3FA9];
	_ =	sdelay $0x3  }
0x37: {  	[smem:$0x3FA9] =	sst s10  }
0x38: {  	s10 =	sld [smem:$0x3FAA]  }
0x39: {  	_ = 	snop;
	(pc) =	sbr.ind lr, $3  }
0x3a: {  	_ = 	snop  }
0x3b: {  	_ = 	snop  }
0x3c: {  	p2 =	seq.s32 s10, $0x1;
	s10 =	sld [smem:$0x3FA9]  }
0x3d: {  	_ =	shalt  }
0x3e: {  	_ =	shalt  }
0x3f: {  	_ =	shalt  }
0x40: {  	_ =	shalt  }
0x41: {  	_ =	shalt  }
0x42: {  	_ =	shalt  }
0x43: {  	_ =	shalt  }
0x44: {  	_ =	shalt  }
0x45: {  	_ =	shalt  }
0x46: {  	_ =	shalt  }
0x47: {  	_ =	shalt  }
0x48: {  	_ =	shalt  }
0x49: {  	_ =	shalt  }
0x4a: {  	_ =	shalt  }
0x4b: {  	_ =	shalt  }
0x4c: {  	_ =	shalt  }
0x4d: {  	_ =	shalt  }
0x4e: {  	_ =	shalt  }
0x4f: {  	_ =	shalt  }
0x50: {  	_ =	shalt  }
0x51: {  	_ =	shalt  }
0x52: {  	_ =	shalt  }
0x53: {  	_ =	shalt  }
0x54: {  	_ =	shalt  }
0x55: {  	_ =	shalt  }
0x56: {  	_ =	shalt  }
0x57: {  	_ =	shalt  }
0x58: {  	_ =	shalt  }
0x59: {  	_ =	shalt  }
0x5a: {  	_ =	shalt  }
0x5b: {  	_ =	shalt  }
0x5c: {  	_ =	shalt  }
0x5d: {  	_ =	shalt  }
0x5e: {  	_ =	shalt  }
0x5f: {  	_ =	shalt  }
0x60: {  	_ =	shalt  }
0x61: {  	_ =	shalt  }
0x62: {  	_ =	shalt  }
0x63: {  	_ =	shalt  }
0x64: {  	_ =	shalt  }
0x65: {  	_ =	shalt  }
0x66: {  	_ =	shalt  }
0x67: {  	_ =	shalt  }
0x68: {  	_ =	shalt  }
0x69: {  	_ =	shalt  }
0x6a: {  	_ =	shalt  }
0x6b: {  	_ =	shalt  }
0x6c: {  	_ =	shalt  }
0x6d: {  	_ =	shalt  }
0x6e: {  	_ =	shalt  }
0x6f: {  	_ =	shalt  }
0x70: {  	_ =	shalt  }
0x71: {  	_ =	shalt  }
0x72: {  	_ =	shalt  }
0x73: {  	_ =	shalt  }
0x74: {  	_ =	shalt  }
0x75: {  	_ =	shalt  }
0x76: {  	_ =	shalt  }
0x77: {  	_ =	shalt  }
0x78: {  	_ =	shalt  }
0x79: {  	_ =	shalt  }
0x7a: {  	_ =	shalt  }
0x7b: {  	_ =	shalt  }
0x7c: {  	_ =	shalt  }
0x7d: {  	_ =	shalt  }
0x7e: {  	_ =	shalt  }
0x7f: {  	_ =	shalt  }
0x80: {  	_ =	shalt  }
0x81: {  	_ =	shalt  }
0x82: {  	_ =	shalt  }
0x83: {  	_ =	shalt  }
0x84: {  	_ =	shalt  }
0x85: {  	_ =	shalt  }
0x86: {  	_ =	shalt  }
0x87: {  	_ =	shalt  }
.Lfunc_end0:
.L_simem_size_0:
called_computation.4_lowered:
.L_overlay_start_0:
0x88: {  	s2 =	sld [smem:$0x3FD9]  }
0x89: {  	s3 =	sld [smem:$0x3FFE];
	_ =	sdelay $0x1  }
0x8a: {  	s1 =	srdreg.scid  }
0x8b: {  	s0 =	sand.u32 $0x1, s1  }
0x8c: {  	s16 =	sshll.u32 s0, $0xA;
	s2 =	sadd.s32 s3, s2  }
0x8d: {  	s2 =	sadd.s32 s2, s16  }
0x8e: {  	[smem:$0x3FB5] =	sst s2  }
0x8f: {  	_ = 	snop  }
0x90: {  	(tm) =	ssettm $0x1  }
0x91: {  	s17 =	sld [smem:$0x3FFB];
	_ =	sdelay $0x3  }
0x92: {  	_ =	strace s17  }
0x93: {  	s2 =	sld [smem:$0x3FFC];
	_ =	sdelay $0x3  }
0x94: {  	_ =	strace s2  }
0x95: {  	s2 =	sld [smem:$0x3FFD];
	_ =	sdelay $0x3  }
0x96: {  	_ =	strace s2  }
0x97: {  	_ =	strace $0x8FFFFFFF  }
0x98: {  	s18 =	sld [smem:$0x3FDB];
	_ =	sdelay $0x1  }
0x99: {  	s19 =	simm.s32 $_scs_section_size  }
0x9a: {  	s4 =	simm.s32 $_size__tile_overlayer_lowered;
	s5 =	simm.s32 $_tile_overlayer_lowered  }
0x9b: {  	s22 =	simm.s32 $0x1BFF;
	s21 =	sshll.u32 s5, $0x1;
	s2 =	sadd.s32 s19, s18  }
0x9c: {  	s6 =	simm.s32 $0x0;
	s20 =	sshll.u32 s4, $0x1;
	s4 =	sadd.s32 s21, s2  }
0x9d: {  	[timem:s6], [sflag:s22] =	dma.local [hbm:s4], s20  }
0x9e: {  	_ =	swait.ge [sflag:s22], s20  }
0x9f: {  	s3 =	ssub.s32 $0x0, s20;
	[sflag:s22] =	ssyncset.done $0x0  }
0xa0: {  	[sflag:s22] =	ssyncadd.s32 s3;
	_ =	sdelay $0x1  }
0xa1: {  	s23 =	simm.s32 $0x1B8B  }
0xa2: {  	_ =	swait.ge [sflag:s23], $0x1  }
0xa3: {  	[sflag:s23] =	ssyncset.done $0x0  }
0xa4: {  	s25 =	simm.s32 $0x1B8E;
	s24 =	sld [smem:$0x3FFE];
	[sflag:s23] =	ssyncadd.s32 $0xFFFFFFFF  }
0xa5: {  	s26 =	simm.s32 $execute0_lowered;
	[smem:$0x3FD2] =	sst s25  }
0xa6: {  	s4 =	sshll.u32 s26, $0x1;
	_ =	strace $0x80000052;
	[dreg:$0x1] =	wrdreg $0xFFFFFFFF  }
0xa7: {  	s28 =	simm.s32 $_size_execute0_lowered;
	s2 =	sadd.s32 s2, s4;
	[dreg:$0x0] =	wrdreg $0x0  }
0xa8: {  	s4 =	sshll.u32 s28, $0x1;
	[dreg:$0x2] =	wrdreg s2  }
0xa9: {  	[dreg:$0x3] =	wrdreg s4  }
0xaa: {  	[dreg:$0x4] =	wrdreg $0xC0  }
0xab: {  	_ =	task [dreg:s6], $0x5FFFF  }
0xac: {  	[dreg:$0x1] =	wrdreg $0xFFFFFFFF  }
0xad: {  	[dreg:$0x0] =	wrdreg $0x60  }
0xae: {  	[dreg:$0x2] =	wrdreg s24  }
0xaf: {  	[dreg:$0x3] =	wrdreg $0x9  }
0xb0: {  	_ =	task.clear_ibuf [dreg:s6], $0x4FFFF;
	_ =	strace $0x90000052  }
0xb1: {  	s29 =	simm.s32 $0x9;
	_ =	strace $0x80000054  }
0xb2: {  	_ =	swait.ge [sflag:s29], $0x1  }
0xb3: {  	[sflag:s29] =	ssyncadd.s32 $0xFFFFFFFF  }
0xb4: {  	_ =	strace $0x90000054  }
0xb5: {  	_ =	sfence  }
0xb6: {  	s30 =	sld [smem:$0x0];
	_ =	sdelay $0x2  }
0xb7: {  	s31 =	sshll.u32 s1, $0xD;
	s1 =	sshrl.u32 s1, $0x2  }
0xb8: {  	s3 =	sand.u32 $0x4000, s31;
	s1 =	sadd.s32 s1, s30  }
0xb9: {  	s0 =	sor.u32 s3, s0;
	s1 =	sshll.u32 s1, $0x11  }
0xba: {  	s0 =	sor.u32 s1, s0  }
0xbb: {  	s0 =	sadd.s32 $0x8F2B, s0  }
0xbc: {  	[sflag:s0] =	ssyncadd.remote.s32 $0x1  }
0xbd: {  	_ =	sfence.sel $0xFFFF  }
0xbe: {  	[dreg:$0x0] =	wrdreg $0xFFFFFFFF;
	(pc) =	sbr.abs _section_cstart, $3  }
0xbf: {  	[dreg:$0x1] =	wrdreg $0xFFFFFFFF  }
0xc0: {  	_ =	task.clear_ibuf [dreg:s6], $0x2FFFF;
	_ =	strace $0x9FFFFFFF  }
0xc1: {  	(tm) =	ssettm $0x7FFFFFFF  }
tec
execute0_lowered:
.L_overlay_start_1:
0x0: {  	(tag) =	ssettag $0x1  }
0x1: {  	s1 =	srdreg.scid  }
0x2: {  	s0 =	stileid.u32;
	s4 =	rddreg [dreg:$0x0]  }
0x3: {  	s2 =	simm.s32 $0x0;
	s11 =	simm.s32 $0x3400;
	s12 =	simm.s32 $0x1  }
0x4: {  	s13 =	simm.s32 $0x2;
	s14 =	simm.s32 $0x0;
	s7 =	smul.u32 $0x50, s0  }
0x5: {  	s5 =	sand.u32 $0x1, s1;
	s1 =	rddreg [dreg:$0x1];
	s28 =	smul.u32 $0x14000, s0  }
0x6: {  	s3 =	sshll.u32 s0, $0x1;
	[smem:$0x7FF] =	sst s2;
	s9 =	smul.u32 $0x28, s5  }
0x7: {  	s10 =	sadd.s32 $0x144000, s4;
	s3 =	sor.u32 s5, s3;
	s30 =	smul.u32 $0xA000, s5  }
0x8: {  	_ =	strace $0x80000053;
	s8 =	ssub.s32 $0x2, s5;
	s6 =	smul.u32 $0x280, s3  }
0x9: {  	s3 =	sadd.s32 $0x36000, s4;
	s26 =	sshrl.u32 s8, $0x1;
	s31 =	sadd.s32 s28, s10  }
0xa: {  	s8 =	ssub.s32 s8, s26;
	s7 =	sadd.s32 s9, s7;
	s9 =	simm.s32 $0x80  }
0xb: {  	s6 =	sadd.s32 s6, s4;
	s29 =	sshll.u32 s7, $0xA;
	s5 =	smax.u32 s8, $0x1  }
0xc: {  	s7 =	sadd.s32 s30, s31;
	s4 =	sadd.s32 $0x31000, s6;
	s6 =	sadd.s32 s29, s10  }
0xd: {  	s8 =	simm.s32 $0x3;
	s10 =	simm.s32 $0x1400;
	s6 =	sadd.s32 $0x400, s6  }
.LBB2_1:
0xe: {  	[tilespmem:s2], [sflag:$0x3] =	stream.linear.gather [hbm4b:s4+s2], $0x1400, $0x38;
	[tilespmem:$0x5400] =	vst v63  }
0xf: {  	_ =	swait.ge [sflag:s8], $0x1400  }
0x10: {  	[sflag:s8] =	ssyncset.done $0x0  }
0x11: {  	[sflag:s8] =	ssyncadd.s32 $0xFFFFEC00  }
0x12: {  	[tilespmem:s10], [sflag:$0x1] =	stream.indirect.gather [hbm4b:s3+s9], $0x40, s2, s9, $0xb8;
	[tilespmem:$0x5400] =	vst v63  }
0x13: {  	s15 =	simm.s32 $0x80  }
0x14: {  	[tilespmem:s11], [sflag:$0x2] =	stream.indirect.gather [hbm4b:s3+s9], $0x40, s15, s9, $0xb8;
	[tilespmem:$0x5400] =	vst v63  }
0x15: {  	_ =	swait.ge [sflag:s12], $0x2000  }
0x16: {  	[sflag:s12] =	ssyncset.done $0x0  }
0x17: {  	s30 =	sadd.s32 $0x0, s7;
	[sflag:s12] =	ssyncadd.s32 $0xFFFFE000  }
0x18: {  	[hbm4b:s30+s2] =	stream.linear.scatter [tilespmem:s10], [sflag:$0x3], $0x2000, $0x38;
	[tilespmem:$0x5400] =	vst v63  }
0x19: {  	_ =	swait.ge [sflag:s8], $0x2000  }
0x1a: {  	[sflag:s8] =	ssyncset.done $0x0  }
0x1b: {  	[sflag:s8] =	ssyncadd.s32 $0xFFFFE000  }
0x1c: {  	_ =	swait.ge [sflag:s13], $0x2000  }
0x1d: {  	[sflag:s13] =	ssyncset.done $0x0  }
0x1e: {  	s31 =	sadd.s32 $0x0, s6;
	[sflag:s13] =	ssyncadd.s32 $0xFFFFE000  }
0x1f: {  	[hbm4b:s31+s2] =	stream.linear.scatter [tilespmem:s11], [sflag:$0x3], $0x2000, $0x38;
	[tilespmem:$0x5400] =	vst v63  }
0x20: {  	_ =	swait.ge [sflag:s8], $0x2000  }
0x21: {  	s16 =	simm.s32 $0x0;
	s15 =	simm.s32 $0x800;
	[sflag:s8] =	ssyncset.done $0x0  }
.LBB2_2:
0x22: {  	p0 =	sne.s32 s15, $0x9800;
	[sflag:s8] =	ssyncadd.s32 $0xFFFFE000;
	s16 =	sadd.s32 $0x100, s16  }
0x23: {  	[tilespmem:s10], [sflag:$0x1] =	stream.indirect.gather [hbm4b:s3+s9], $0x40, s16, s9, $0xb8;
	[tilespmem:$0x5400] =	vst v63  }
0x24: {  	s18 =	smov.u32 s15;
	s15 =	sadd.s32 $0x800, s15;
	s17 =	sadd.s32 $0x80, s16  }
0x25: {  	[tilespmem:s11], [sflag:$0x2] =	stream.indirect.gather [hbm4b:s3+s9], $0x40, s17, s9, $0xb8;
	[tilespmem:$0x5400] =	vst v63  }
0x26: {  	_ =	swait.ge [sflag:s12], $0x2000  }
0x27: {  	[sflag:s12] =	ssyncset.done $0x0  }
0x28: {  	s17 =	sadd.s32 s18, s7;
	[sflag:s12] =	ssyncadd.s32 $0xFFFFE000  }
0x29: {  	[hbm4b:s17+s2] =	stream.linear.scatter [tilespmem:s10], [sflag:$0x3], $0x2000, $0x38;
	[tilespmem:$0x5400] =	vst v63  }
0x2a: {  	_ =	swait.ge [sflag:s8], $0x2000  }
0x2b: {  	[sflag:s8] =	ssyncset.done $0x0  }
0x2c: {  	[sflag:s8] =	ssyncadd.s32 $0xFFFFE000  }
0x2d: {  	_ =	swait.ge [sflag:s13], $0x2000  }
.Ltmp0:
0x2e: {  	[sflag:s13] =	ssyncset.done $0x0;
	(pc) =	sbr.rel @p0 .LBB2_2-.Ltmp0, $4  }
0x2f: {  	s17 =	sadd.s32 s18, s6;
	[sflag:s13] =	ssyncadd.s32 $0xFFFFE000  }
0x30: {  	[hbm4b:s17+s2] =	stream.linear.scatter [tilespmem:s11], [sflag:$0x3], $0x2000, $0x38;
	[tilespmem:$0x5400] =	vst v63  }
0x31: {  	_ =	swait.ge [sflag:s8], $0x2000  }
0x32: {  	[sflag:s8] =	ssyncset.done $0x0  }
0x33: {  	s14 =	sadd.s32 $0x1, s14  }
0x34: {  	p0 =	sne.s32 s14, s5  }
.Ltmp1:
0x35: {  	_ = 	snop;
	(pc) =	sbr.rel @p0 .LBB2_1-.Ltmp1, $2  }
0x36: {  	_ =	sdelay $0x2  }
0x37: {  	[sflag:s8] =	ssyncadd.s32 $0xFFFFE000  }
0x38: {  	_ =	sfence.sel $0x180000  }
0x39: {  	[bflag:$0x0] =	sbarrier.arrive $0xFFFF  }
0x3a: {  	p0 =	sne.s32 s0, $0x0;
	_ =	strace $0x90000053  }
0x3b: {  	s0 =	sadd.s32 @!p0 $0x100000, s1;
	[bflag:$0x2] =	sbarrier.arrive $0xFFFF  }
0x3c: {  	[sflag:s0] =	ssyncadd.tile.s32 @!p0 $0x1;
	_ =	shalt  }
.Lfunc_end2:
_tile_overlayer_lowered:
.L_overlay_start_2:
0x3d: {  	(tag) =	ssettag $0x2  }
0x3e: {  	s0 =	rddreg [dreg:$0x0];
	s2 =	stileid.u32  }
0x3f: {  	s1 =	rddreg [dreg:$0x1];
	p0 =	sne.s32 s2, $0x0  }
0x40: {  	s3 =	rddreg [dreg:$0x2];
	[bflag:$0x3] =	sbarrier.arrive $0xFFFF;
	s2 =	simm.s32 @!p0 $0x1C03  }
0x41: {  	[timem:s3], [sflag:s2] =	dma.local @!p0 [hbm:s0], s1  }
0x42: {  	s0 =	simm.s32 @!p0 $0x3  }
0x43: {  	_ =	swait.ge @!p0 [sflag:s0], s1  }
0x44: {  	s1 =	ssub.s32 @!p0 $0x0, s1;
	[sflag:s0] =	ssyncset.done @!p0 $0x0  }
0x45: {  	[sflag:s0] =	ssyncadd.s32 @!p0 s1  }
0x46: {  	[bflag:$0x3] =	sbarrier.arrive $0xFFFF  }
0x47: {  	_ =	shalt  }

</sc_bundles>
